<compile_context>
chip_gen: v7x
topology: tpu7x:2x2x1
jax: 0.10.2.dev20260603
libtpu: 0.0.44.dev20260713+nightly
codegen_flags: <defaults>
</compile_context>

<pallas_src>
import functools

import jax
import jax.numpy as jnp
from jax import lax
from jax.experimental import pallas as pl
from jax.experimental.pallas import tpu as pltpu
from jax.experimental.pallas import tpu_sc as plsc

NC = 2
NS = 16
NW = NC * NS


def _sc_body(B, N, C, K, dist_hbm, idxk_hbm, r_hbm, xt_hbm,
             med_hbm, xr_hbm,
             idxk_v, gb0, gb1, gb2, gb3, xs_v, r_v, med_v, xr_v,
             sem_a, sem_b, sem_c, sem_d):
    BN = B * N
    PW = BN // NW
    wid = lax.axis_index("c") * NS + lax.axis_index("s")
    base = wid * PW
    b = base // N
    n0 = base - b * N

    lane = lax.iota(jnp.int32, 16)

    SR = 8
    NSLAB = PW // SR
    NBUF = 4
    slabs = (gb0, gb1, gb2, gb3)
    sems = (sem_a, sem_b, sem_c, sem_d)

    def slab_copy(g, slot, hh):
        return pltpu.make_async_copy(
            dist_hbm.at[b, pl.ds(n0 + g * SR, SR), pl.ds(hh * (N // 2),
                                                         N // 2)],
            slabs[slot].at[:, pl.ds(hh * (N // 2), N // 2)], sems[slot])

    def slab_start(g, slot):
        slab_copy(g, slot, 0).start()
        slab_copy(g, slot, 1).start()

    def slab_wait(g, slot):
        slab_copy(g, slot, 0).wait()
        slab_copy(g, slot, 1).wait()

    for s in range(NBUF):
        slab_start(s, s)

    pltpu.sync_copy(idxk_hbm.at[pl.ds(base * K, PW * K)], idxk_v)
    pltpu.sync_copy(r_hbm.at[pl.ds(base, PW)], r_v)
    for c in range(C):
        pltpu.sync_copy(xt_hbm.at[pl.ds(c * BN + b * N, N)],
                        xs_v.at[pl.ds(c * N, N)])

    def mk_xr(t, carry):
        pvec = t * 16 + lane
        rvec = r_v[pl.ds(t * 16, 16)]
        g = plsc.load_gather(idxk_v, [pvec * K + rvec])
        for c in range(C):
            xr_v[pl.ds(c * PW + t * 16, 16)] = plsc.load_gather(
                xs_v, [g + c * N])
        return carry
    lax.fori_loop(0, PW // 16, mk_xr, 0, unroll=False)

    def process(g, slot, lane0, mv):
        sl = slabs[slot]
        for u in range(SR):
            p = g * SR + u
            iv0 = idxk_v[pl.ds(p * K, 16)]
            iv1 = idxk_v[pl.ds(p * K + 16, 16)]
            urow = jnp.full((16,), u, jnp.int32)
            a = plsc.load_gather(sl, [urow, iv0])
            bb = plsc.load_gather(sl, [urow, iv1])
            lo = jnp.minimum(jnp.sort(a), jnp.flip(jnp.sort(bb)))
            mv = jnp.where(lane == lane0 + u, jnp.max(lo), mv)
        return mv

    def quad(i, carry):
        mv = jnp.zeros((16,), jnp.float32)
        for q in range(NBUF):
            g = i * NBUF + q
            slab_wait(g, q)
            mv = process(g, q, 8 * (q % 2), mv)

            @pl.when(g + NBUF < NSLAB)
            def _():
                slab_start(g + NBUF, q)

            if q % 2 == 1:
                med_v[pl.ds((i * 2 + q // 2) * 16, 16)] = mv
                mv = jnp.zeros((16,), jnp.float32)
        return carry
    lax.fori_loop(0, NSLAB // NBUF, quad, 0, unroll=False)

    pltpu.sync_copy(med_v, med_hbm.at[pl.ds(base, PW)])
    for c in range(C):
        pltpu.sync_copy(xr_v.at[pl.ds(c * PW, PW)],
                        xr_hbm.at[pl.ds(c * BN + base, PW)])


def _sc_call(B, N, C, K, distance, idxk_flat, r_flat, xt_flat):
    BN = B * N
    PW = BN // NW
    mesh = plsc.VectorSubcoreMesh(core_axis_name="c", subcore_axis_name="s")
    kern = pl.kernel(
        functools.partial(_sc_body, B, N, C, K),
        out_type=(
            jax.ShapeDtypeStruct((BN,), jnp.float32),
            jax.ShapeDtypeStruct((C * BN,), jnp.float32),
        ),
        mesh=mesh,
        compiler_params=pltpu.CompilerParams(needs_layout_passes=False),
        scratch_types=[
            pltpu.VMEM((PW * K,), jnp.int32),
            pltpu.VMEM((8, N), jnp.float32),
            pltpu.VMEM((8, N), jnp.float32),
            pltpu.VMEM((8, N), jnp.float32),
            pltpu.VMEM((8, N), jnp.float32),
            pltpu.VMEM((C * N,), jnp.float32),
            pltpu.VMEM((PW,), jnp.int32),
            pltpu.VMEM((PW,), jnp.float32),
            pltpu.VMEM((C * PW,), jnp.float32),
            pltpu.SemaphoreType.DMA,
            pltpu.SemaphoreType.DMA,
            pltpu.SemaphoreType.DMA,
            pltpu.SemaphoreType.DMA,
        ],
    )
    return kern(distance, idxk_flat, r_flat, xt_flat)


def _tc_body(xt_ref, nt_ref, xr_ref, med_ref, out_ref):
    xt = xt_ref[...]
    nt = nt_ref[...]
    xv = xr_ref[...] - xt
    dot = jnp.sum(xv * nt, axis=0, keepdims=True)
    xp = xv - dot * nt
    n2 = jnp.sum(xp * xp, axis=0, keepdims=True)
    norms = jnp.maximum(jnp.sqrt(n2), 1e-6)
    half = norms * 0.5
    mk = jnp.sqrt(med_ref[...])
    clamped = jnp.where(half > mk, mk, half)
    out_ref[...] = xt + xp * (clamped / norms)


def _tc_call(xt, nt, xr, med):
    C, BN = xt.shape
    return pl.pallas_call(
        _tc_body,
        out_shape=jax.ShapeDtypeStruct((C, BN), jnp.float32),
    )(xt, nt, xr, med)


def kernel(x, distance, idx_k, normals):
    B, N, C = x.shape
    K = idx_k.shape[-1]
    BN = B * N
    r = jax.random.randint(jax.random.key(42), (B, N, 1), 0, K,
                           dtype=jnp.int32)
    xt = x.transpose(2, 0, 1).reshape(C, BN)
    nt = normals.transpose(2, 0, 1).reshape(C, BN)
    med, xr = _sc_call(B, N, C, K, distance, idx_k.reshape(BN * K),
                       r.reshape(BN), xt.reshape(C * BN))
    out_t = _tc_call(xt, nt, xr.reshape(C, BN), med.reshape(1, BN))
    return out_t.reshape(C, B, N).transpose(1, 2, 0)

# --- scband reference (transcript-rebuilt; emitter-appended) ---
"""Pipeline reference for scband-interpolation-20710332301402 (READ-ONLY COPY).

The authoritative reference and input builder live on the scoring server;
editing this copy changes nothing except your own understanding.
"""

import jax, jax.numpy as jnp
import numpy as np


def setup_inputs(seed: int = 0) -> dict:
    key = jax.random.key(seed)
    k1, k2, k3, k4 = jax.random.split(key, 4)
    B, N, C, K = 8, 2048, 3, 32
    x = jax.random.normal(k1, (B, N, C), dtype=jnp.float32)
    distance = jax.random.uniform(k2, (B, N, N), dtype=jnp.float32)
    idx_k = jax.random.randint(k3, (B, N, K), 0, N, dtype=jnp.int32)
    normals = jax.random.normal(k4, (B, N, C), dtype=jnp.float32)
    normals = normals / jnp.linalg.norm(normals, axis=-1, keepdims=True)
    return {"x": x, "distance": distance, "idx_k": idx_k, "normals": normals}


def reference(x, distance, idx_k, normals):
    # random_k_neighbors_shape_invariant_perturb from Interpolation
    B, N, C = x.shape
    K = idx_k.shape[-1]
    # distance = torch.gather(distance, dim=-1, index=idx_k)
    d_gath = jnp.take_along_axis(distance, idx_k, axis=-1)
    # torch.median returns the lower middle element for even K: sorted index (K-1)//2
    d_sorted = jnp.sort(d_gath, axis=-1)
    med = d_sorted[..., (K - 1) // 2][..., None]
    mean_along_k = jnp.sqrt(med)
    # rand_k_indices = torch.randint(0, K, (B, N, 1)) -- random neighbor choice, fixed key here
    rand_k_indices = jax.random.randint(jax.random.key(42), (B, N, 1), 0, K, dtype=jnp.int32)
    gather_indices = jnp.take_along_axis(idx_k, rand_k_indices, axis=2)  # [B, N, 1]
    gather_indices_expanded = jnp.broadcast_to(gather_indices, (B, N, C))
    x_rearranged = jnp.take_along_axis(x, gather_indices_expanded, axis=1)
    x_vec = x_rearranged - x
    normal_x_vec_proj = jnp.sum(x_vec * normals, axis=-1, keepdims=True) * normals
    x_perturb = x_vec - normal_x_vec_proj
    norms = jnp.linalg.norm(x_perturb, axis=-1, keepdims=True)
    norms = jnp.clip(norms, 1e-06, None)
    halved_norms = norms / 2
    mask = halved_norms > mean_along_k
    clamped_norms = jnp.where(mask, mean_along_k, halved_norms)
    perturb = x_perturb / norms * clamped_norms
    perb_x = x + perturb
    return perb_x


if False:  # reference __main__ guard neutralized (emitter)
    out = reference(**setup_inputs())
    print(out.shape)

if __name__ == "__main__":
    import jax
    _d = setup_inputs()
    print(jax.jit(kernel)(*tuple(_d.values())))

</pallas_src>

<mosaic_0001>
#map = affine_map<(d0, d1) -> (0, 0, 0)>
#map1 = affine_map<(d0, d1) -> (0)>
module attributes {stable_mosaic.version = 14 : i64} {
  func.func @_sc_body(%arg0: i32, %arg1: i32, %arg2: memref<8x2048x2048xf32, #tpu.memory_space<hbm>>, %arg3: memref<524288xi32, #tpu.memory_space<hbm>>, %arg4: memref<16384xi32, #tpu.memory_space<hbm>>, %arg5: memref<49152xf32, #tpu.memory_space<hbm>>, %arg6: memref<16384xf32, #tpu.memory_space<hbm>>, %arg7: memref<49152xf32, #tpu.memory_space<hbm>>, %arg8: memref<16384xi32, #tpu.memory_space<vmem>>, %arg9: memref<8x2048xf32, #tpu.memory_space<vmem>>, %arg10: memref<8x2048xf32, #tpu.memory_space<vmem>>, %arg11: memref<8x2048xf32, #tpu.memory_space<vmem>>, %arg12: memref<8x2048xf32, #tpu.memory_space<vmem>>, %arg13: memref<6144xf32, #tpu.memory_space<vmem>>, %arg14: memref<512xi32, #tpu.memory_space<vmem>>, %arg15: memref<512xf32, #tpu.memory_space<vmem>>, %arg16: memref<1536xf32, #tpu.memory_space<vmem>>, %arg17: memref<!tpu.dma_semaphore, #tpu.memory_space<semaphore_mem>>, %arg18: memref<!tpu.dma_semaphore, #tpu.memory_space<semaphore_mem>>, %arg19: memref<!tpu.dma_semaphore, #tpu.memory_space<semaphore_mem>>, %arg20: memref<!tpu.dma_semaphore, #tpu.memory_space<semaphore_mem>>) attributes {dimension_semantics = [#tpu.dimension_semantics<core_parallel>, #tpu.dimension_semantics<subcore_parallel>], iteration_bounds = array<i64: 2, 16>, scalar_prefetch = 0 : i64, scratch_operands = 13 : i64, tpu.core_type = #tpu.core_type<sc_vector_subcore>, window_params = [{transform_indices = #map}, {transform_indices = #map1}, {transform_indices = #map1}, {transform_indices = #map1}, {transform_indices = #map1}, {transform_indices = #map1}]} {
    %mul3A = arith.constant 16 : i32
    %mul3A_0 = arith.muli %arg0, %mul3A : i32
    %add3A = arith.addi %mul3A_0, %arg1 : i32
    %mul3A_1 = arith.constant 512 : i32
    %mul3A_2 = arith.muli %add3A, %mul3A_1 : i32
    %jit3A = arith.constant 2048 : i32
    %div3A = arith.divsi %mul3A_2, %jit3A : i32
    %sign3A = arith.constant 0 : i32
    %sign3A_3 = arith.cmpi sgt, %mul3A_2, %sign3A : i32
    %sign3A_4 = arith.extui %sign3A_3 : i1 to i32
    %sign3A_5 = arith.constant 0 : i32
    %sign3A_6 = arith.cmpi slt, %mul3A_2, %sign3A_5 : i32
    %sign3A_7 = arith.extui %sign3A_6 : i1 to i32
    %sign3A_8 = arith.subi %sign3A_4, %sign3A_7 : i32
    %sign3A_9 = arith.constant 0 : i32
    %sign3A_10 = arith.cmpi sgt, %jit3A, %sign3A_9 : i32
    %sign3A_11 = arith.extui %sign3A_10 : i1 to i32
    %sign3A_12 = arith.constant 0 : i32
    %sign3A_13 = arith.cmpi slt, %jit3A, %sign3A_12 : i32
    %sign3A_14 = arith.extui %sign3A_13 : i1 to i32
    %sign3A_15 = arith.subi %sign3A_11, %sign3A_14 : i32
    %ne3A = arith.cmpi ne, %sign3A_8, %sign3A_15 : i32
    %rem3A = arith.remsi %mul3A_2, %jit3A : i32
    %ne3A_16 = arith.constant 0 : i32
    %ne3A_17 = arith.cmpi ne, %rem3A, %ne3A_16 : i32
    %and3A = arith.andi %ne3A, %ne3A_17 : i1
    %sub3A = arith.constant 1 : i32
    %sub3A_18 = arith.subi %div3A, %sub3A : i32
    %select_n3A = arith.select %and3A, %sub3A_18, %div3A : i32
    %mul3A_19 = arith.constant 2048 : i32
    %mul3A_20 = arith.muli %select_n3A, %mul3A_19 : i32
    %sub3A_21 = arith.subi %mul3A_2, %mul3A_20 : i32
    %iota3A = tpu.iota {dimensions = array<i32: 0>} : vector<16xi32>
    %add3A_22 = arith.constant 0 : i32
    %add3A_23 = arith.addi %sub3A_21, %add3A_22 : i32
    %dma_start3A = arith.constant 0 : i32
    %dma_start3A_24 = arith.constant 0 : i32
    %dma_start3A_25 = tpu.memref_slice %arg9[%dma_start3A, %dma_start3A_24] : memref<8x2048xf32, #tpu.memory_space<vmem>> -> memref<8x1024xf32, #tpu.memory_space<vmem>>
    %dma_start3A_26 = arith.constant 0 : i32
    %dma_start3A_27 = tpu.memref_slice %arg2[%select_n3A, %add3A_23, %dma_start3A_26] : memref<8x2048x2048xf32, #tpu.memory_space<hbm>> -> memref<1x8x1024xf32, #tpu.memory_space<hbm>>
    %dma_start3A_28 = tpu.memref_squeeze %dma_start3A_27 : memref<1x8x1024xf32, #tpu.memory_space<hbm>> -> memref<8x1024xf32, #tpu.memory_space<hbm>>
    %dma_start3A_29 = arith.constant 0 : i32
    %dma_start3A_30 = arith.constant 0 : i32
    %dma_start3A_31 = tpu.memref_slice %arg9[%dma_start3A_29, %dma_start3A_30] : memref<8x2048xf32, #tpu.memory_space<vmem>> -> memref<8x1024xf32, #tpu.memory_space<vmem>>
    %dma_start3A_32 = arith.constant 0 : i32
    %dma_start3A_33 = tpu.memref_slice %arg2[%select_n3A, %add3A_23, %dma_start3A_32] : memref<8x2048x2048xf32, #tpu.memory_space<hbm>> -> memref<1x8x1024xf32, #tpu.memory_space<hbm>>
    %dma_start3A_34 = tpu.memref_squeeze %dma_start3A_33 : memref<1x8x1024xf32, #tpu.memory_space<hbm>> -> memref<8x1024xf32, #tpu.memory_space<hbm>>
    tpu.enqueue_dma source(%dma_start3A_34 : memref<8x1024xf32, #tpu.memory_space<hbm>>) target(%dma_start3A_31 : memref<8x1024xf32, #tpu.memory_space<vmem>>) target_semaphore(%arg17 : memref<!tpu.dma_semaphore, #tpu.memory_space<semaphore_mem>>)
    %add3A_35 = arith.constant 0 : i32
    %add3A_36 = arith.addi %sub3A_21, %add3A_35 : i32
    %dma_start3A_37 = arith.constant 0 : i32
    %dma_start3A_38 = arith.constant 1024 : i32
    %dma_start3A_39 = tpu.memref_slice %arg9[%dma_start3A_37, %dma_start3A_38] : memref<8x2048xf32, #tpu.memory_space<vmem>> -> memref<8x1024xf32, #tpu.memory_space<vmem>>
    %dma_start3A_40 = arith.constant 1024 : i32
    %dma_start3A_41 = tpu.memref_slice %arg2[%select_n3A, %add3A_36, %dma_start3A_40] : memref<8x2048x2048xf32, #tpu.memory_space<hbm>> -> memref<1x8x1024xf32, #tpu.memory_space<hbm>>
    %dma_start3A_42 = tpu.memref_squeeze %dma_start3A_41 : memref<1x8x1024xf32, #tpu.memory_space<hbm>> -> memref<8x1024xf32, #tpu.memory_space<hbm>>
    %dma_start3A_43 = arith.constant 0 : i32
    %dma_start3A_44 = arith.constant 1024 : i32
    %dma_start3A_45 = tpu.memref_slice %arg9[%dma_start3A_43, %dma_start3A_44] : memref<8x2048xf32, #tpu.memory_space<vmem>> -> memref<8x1024xf32, #tpu.memory_space<vmem>>
    %dma_start3A_46 = arith.constant 1024 : i32
    %dma_start3A_47 = tpu.memref_slice %arg2[%select_n3A, %add3A_36, %dma_start3A_46] : memref<8x2048x2048xf32, #tpu.memory_space<hbm>> -> memref<1x8x1024xf32, #tpu.memory_space<hbm>>
    %dma_start3A_48 = tpu.memref_squeeze %dma_start3A_47 : memref<1x8x1024xf32, #tpu.memory_space<hbm>> -> memref<8x1024xf32, #tpu.memory_space<hbm>>
    tpu.enqueue_dma source(%dma_start3A_48 : memref<8x1024xf32, #tpu.memory_space<hbm>>) target(%dma_start3A_45 : memref<8x1024xf32, #tpu.memory_space<vmem>>) target_semaphore(%arg17 : memref<!tpu.dma_semaphore, #tpu.memory_space<semaphore_mem>>)
    %add3A_49 = arith.constant 8 : i32
    %add3A_50 = arith.addi %sub3A_21, %add3A_49 : i32
    %dma_start3A_51 = arith.constant 0 : i32
    %dma_start3A_52 = arith.constant 0 : i32
    %dma_start3A_53 = tpu.memref_slice %arg10[%dma_start3A_51, %dma_start3A_52] : memref<8x2048xf32, #tpu.memory_space<vmem>> -> memref<8x1024xf32, #tpu.memory_space<vmem>>
    %dma_start3A_54 = arith.constant 0 : i32
    %dma_start3A_55 = tpu.memref_slice %arg2[%select_n3A, %add3A_50, %dma_start3A_54] : memref<8x2048x2048xf32, #tpu.memory_space<hbm>> -> memref<1x8x1024xf32, #tpu.memory_space<hbm>>
    %dma_start3A_56 = tpu.memref_squeeze %dma_start3A_55 : memref<1x8x1024xf32, #tpu.memory_space<hbm>> -> memref<8x1024xf32, #tpu.memory_space<hbm>>
    %dma_start3A_57 = arith.constant 0 : i32
    %dma_start3A_58 = arith.constant 0 : i32
    %dma_start3A_59 = tpu.memref_slice %arg10[%dma_start3A_57, %dma_start3A_58] : memref<8x2048xf32, #tpu.memory_space<vmem>> -> memref<8x1024xf32, #tpu.memory_space<vmem>>
    %dma_start3A_60 = arith.constant 0 : i32
    %dma_start3A_61 = tpu.memref_slice %arg2[%select_n3A, %add3A_50, %dma_start3A_60] : memref<8x2048x2048xf32, #tpu.memory_space<hbm>> -> memref<1x8x1024xf32, #tpu.memory_space<hbm>>
    %dma_start3A_62 = tpu.memref_squeeze %dma_start3A_61 : memref<1x8x1024xf32, #tpu.memory_space<hbm>> -> memref<8x1024xf32, #tpu.memory_space<hbm>>
    tpu.enqueue_dma source(%dma_start3A_62 : memref<8x1024xf32, #tpu.memory_space<hbm>>) target(%dma_start3A_59 : memref<8x1024xf32, #tpu.memory_space<vmem>>) target_semaphore(%arg18 : memref<!tpu.dma_semaphore, #tpu.memory_space<semaphore_mem>>)
    %add3A_63 = arith.constant 8 : i32
    %add3A_64 = arith.addi %sub3A_21, %add3A_63 : i32
    %dma_start3A_65 = arith.constant 0 : i32
    %dma_start3A_66 = arith.constant 1024 : i32
    %dma_start3A_67 = tpu.memref_slice %arg10[%dma_start3A_65, %dma_start3A_66] : memref<8x2048xf32, #tpu.memory_space<vmem>> -> memref<8x1024xf32, #tpu.memory_space<vmem>>
    %dma_start3A_68 = arith.constant 1024 : i32
    %dma_start3A_69 = tpu.memref_slice %arg2[%select_n3A, %add3A_64, %dma_start3A_68] : memref<8x2048x2048xf32, #tpu.memory_space<hbm>> -> memref<1x8x1024xf32, #tpu.memory_space<hbm>>
    %dma_start3A_70 = tpu.memref_squeeze %dma_start3A_69 : memref<1x8x1024xf32, #tpu.memory_space<hbm>> -> memref<8x1024xf32, #tpu.memory_space<hbm>>
    %dma_start3A_71 = arith.constant 0 : i32
    %dma_start3A_72 = arith.constant 1024 : i32
    %dma_start3A_73 = tpu.memref_slice %arg10[%dma_start3A_71, %dma_start3A_72] : memref<8x2048xf32, #tpu.memory_space<vmem>> -> memref<8x1024xf32, #tpu.memory_space<vmem>>
    %dma_start3A_74 = arith.constant 1024 : i32
    %dma_start3A_75 = tpu.memref_slice %arg2[%select_n3A, %add3A_64, %dma_start3A_74] : memref<8x2048x2048xf32, #tpu.memory_space<hbm>> -> memref<1x8x1024xf32, #tpu.memory_space<hbm>>
    %dma_start3A_76 = tpu.memref_squeeze %dma_start3A_75 : memref<1x8x1024xf32, #tpu.memory_space<hbm>> -> memref<8x1024xf32, #tpu.memory_space<hbm>>
    tpu.enqueue_dma source(%dma_start3A_76 : memref<8x1024xf32, #tpu.memory_space<hbm>>) target(%dma_start3A_73 : memref<8x1024xf32, #tpu.memory_space<vmem>>) target_semaphore(%arg18 : memref<!tpu.dma_semaphore, #tpu.memory_space<semaphore_mem>>)
    %add3A_77 = arith.constant 16 : i32
    %add3A_78 = arith.addi %sub3A_21, %add3A_77 : i32
    %dma_start3A_79 = arith.constant 0 : i32
    %dma_start3A_80 = arith.constant 0 : i32
    %dma_start3A_81 = tpu.memref_slice %arg11[%dma_start3A_79, %dma_start3A_80] : memref<8x2048xf32, #tpu.memory_space<vmem>> -> memref<8x1024xf32, #tpu.memory_space<vmem>>
    %dma_start3A_82 = arith.constant 0 : i32
    %dma_start3A_83 = tpu.memref_slice %arg2[%select_n3A, %add3A_78, %dma_start3A_82] : memref<8x2048x2048xf32, #tpu.memory_space<hbm>> -> memref<1x8x1024xf32, #tpu.memory_space<hbm>>
    %dma_start3A_84 = tpu.memref_squeeze %dma_start3A_83 : memref<1x8x1024xf32, #tpu.memory_space<hbm>> -> memref<8x1024xf32, #tpu.memory_space<hbm>>
    %dma_start3A_85 = arith.constant 0 : i32
    %dma_start3A_86 = arith.constant 0 : i32
    %dma_start3A_87 = tpu.memref_slice %arg11[%dma_start3A_85, %dma_start3A_86] : memref<8x2048xf32, #tpu.memory_space<vmem>> -> memref<8x1024xf32, #tpu.memory_space<vmem>>
    %dma_start3A_88 = arith.constant 0 : i32
    %dma_start3A_89 = tpu.memref_slice %arg2[%select_n3A, %add3A_78, %dma_start3A_88] : memref<8x2048x2048xf32, #tpu.memory_space<hbm>> -> memref<1x8x1024xf32, #tpu.memory_space<hbm>>
    %dma_start3A_90 = tpu.memref_squeeze %dma_start3A_89 : memref<1x8x1024xf32, #tpu.memory_space<hbm>> -> memref<8x1024xf32, #tpu.memory_space<hbm>>
    tpu.enqueue_dma source(%dma_start3A_90 : memref<8x1024xf32, #tpu.memory_space<hbm>>) target(%dma_start3A_87 : memref<8x1024xf32, #tpu.memory_space<vmem>>) target_semaphore(%arg19 : memref<!tpu.dma_semaphore, #tpu.memory_space<semaphore_mem>>)
    %add3A_91 = arith.constant 16 : i32
    %add3A_92 = arith.addi %sub3A_21, %add3A_91 : i32
    %dma_start3A_93 = arith.constant 0 : i32
    %dma_start3A_94 = arith.constant 1024 : i32
    %dma_start3A_95 = tpu.memref_slice %arg11[%dma_start3A_93, %dma_start3A_94] : memref<8x2048xf32, #tpu.memory_space<vmem>> -> memref<8x1024xf32, #tpu.memory_space<vmem>>
    %dma_start3A_96 = arith.constant 1024 : i32
    %dma_start3A_97 = tpu.memref_slice %arg2[%select_n3A, %add3A_92, %dma_start3A_96] : memref<8x2048x2048xf32, #tpu.memory_space<hbm>> -> memref<1x8x1024xf32, #tpu.memory_space<hbm>>
    %dma_start3A_98 = tpu.memref_squeeze %dma_start3A_97 : memref<1x8x1024xf32, #tpu.memory_space<hbm>> -> memref<8x1024xf32, #tpu.memory_space<hbm>>
    %dma_start3A_99 = arith.constant 0 : i32
    %dma_start3A_100 = arith.constant 1024 : i32
    %dma_start3A_101 = tpu.memref_slice %arg11[%dma_start3A_99, %dma_start3A_100] : memref<8x2048xf32, #tpu.memory_space<vmem>> -> memref<8x1024xf32, #tpu.memory_space<vmem>>
    %dma_start3A_102 = arith.constant 1024 : i32
    %dma_start3A_103 = tpu.memref_slice %arg2[%select_n3A, %add3A_92, %dma_start3A_102] : memref<8x2048x2048xf32, #tpu.memory_space<hbm>> -> memref<1x8x1024xf32, #tpu.memory_space<hbm>>
    %dma_start3A_104 = tpu.memref_squeeze %dma_start3A_103 : memref<1x8x1024xf32, #tpu.memory_space<hbm>> -> memref<8x1024xf32, #tpu.memory_space<hbm>>
    tpu.enqueue_dma source(%dma_start3A_104 : memref<8x1024xf32, #tpu.memory_space<hbm>>) target(%dma_start3A_101 : memref<8x1024xf32, #tpu.memory_space<vmem>>) target_semaphore(%arg19 : memref<!tpu.dma_semaphore, #tpu.memory_space<semaphore_mem>>)
    %add3A_105 = arith.constant 24 : i32
    %add3A_106 = arith.addi %sub3A_21, %add3A_105 : i32
    %dma_start3A_107 = arith.constant 0 : i32
    %dma_start3A_108 = arith.constant 0 : i32
    %dma_start3A_109 = tpu.memref_slice %arg12[%dma_start3A_107, %dma_start3A_108] : memref<8x2048xf32, #tpu.memory_space<vmem>> -> memref<8x1024xf32, #tpu.memory_space<vmem>>
    %dma_start3A_110 = arith.constant 0 : i32
    %dma_start3A_111 = tpu.memref_slice %arg2[%select_n3A, %add3A_106, %dma_start3A_110] : memref<8x2048x2048xf32, #tpu.memory_space<hbm>> -> memref<1x8x1024xf32, #tpu.memory_space<hbm>>
    %dma_start3A_112 = tpu.memref_squeeze %dma_start3A_111 : memref<1x8x1024xf32, #tpu.memory_space<hbm>> -> memref<8x1024xf32, #tpu.memory_space<hbm>>
    %dma_start3A_113 = arith.constant 0 : i32
    %dma_start3A_114 = arith.constant 0 : i32
    %dma_start3A_115 = tpu.memref_slice %arg12[%dma_start3A_113, %dma_start3A_114] : memref<8x2048xf32, #tpu.memory_space<vmem>> -> memref<8x1024xf32, #tpu.memory_space<vmem>>
    %dma_start3A_116 = arith.constant 0 : i32
    %dma_start3A_117 = tpu.memref_slice %arg2[%select_n3A, %add3A_106, %dma_start3A_116] : memref<8x2048x2048xf32, #tpu.memory_space<hbm>> -> memref<1x8x1024xf32, #tpu.memory_space<hbm>>
    %dma_start3A_118 = tpu.memref_squeeze %dma_start3A_117 : memref<1x8x1024xf32, #tpu.memory_space<hbm>> -> memref<8x1024xf32, #tpu.memory_space<hbm>>
    tpu.enqueue_dma source(%dma_start3A_118 : memref<8x1024xf32, #tpu.memory_space<hbm>>) target(%dma_start3A_115 : memref<8x1024xf32, #tpu.memory_space<vmem>>) target_semaphore(%arg20 : memref<!tpu.dma_semaphore, #tpu.memory_space<semaphore_mem>>)
    %add3A_119 = arith.constant 24 : i32
    %add3A_120 = arith.addi %sub3A_21, %add3A_119 : i32
    %dma_start3A_121 = arith.constant 0 : i32
    %dma_start3A_122 = arith.constant 1024 : i32
    %dma_start3A_123 = tpu.memref_slice %arg12[%dma_start3A_121, %dma_start3A_122] : memref<8x2048xf32, #tpu.memory_space<vmem>> -> memref<8x1024xf32, #tpu.memory_space<vmem>>
    %dma_start3A_124 = arith.constant 1024 : i32
    %dma_start3A_125 = tpu.memref_slice %arg2[%select_n3A, %add3A_120, %dma_start3A_124] : memref<8x2048x2048xf32, #tpu.memory_space<hbm>> -> memref<1x8x1024xf32, #tpu.memory_space<hbm>>
    %dma_start3A_126 = tpu.memref_squeeze %dma_start3A_125 : memref<1x8x1024xf32, #tpu.memory_space<hbm>> -> memref<8x1024xf32, #tpu.memory_space<hbm>>
    %dma_start3A_127 = arith.constant 0 : i32
    %dma_start3A_128 = arith.constant 1024 : i32
    %dma_start3A_129 = tpu.memref_slice %arg12[%dma_start3A_127, %dma_start3A_128] : memref<8x2048xf32, #tpu.memory_space<vmem>> -> memref<8x1024xf32, #tpu.memory_space<vmem>>
    %dma_start3A_130 = arith.constant 1024 : i32
    %dma_start3A_131 = tpu.memref_slice %arg2[%select_n3A, %add3A_120, %dma_start3A_130] : memref<8x2048x2048xf32, #tpu.memory_space<hbm>> -> memref<1x8x1024xf32, #tpu.memory_space<hbm>>
    %dma_start3A_132 = tpu.memref_squeeze %dma_start3A_131 : memref<1x8x1024xf32, #tpu.memory_space<hbm>> -> memref<8x1024xf32, #tpu.memory_space<hbm>>
    tpu.enqueue_dma source(%dma_start3A_132 : memref<8x1024xf32, #tpu.memory_space<hbm>>) target(%dma_start3A_129 : memref<8x1024xf32, #tpu.memory_space<vmem>>) target_semaphore(%arg20 : memref<!tpu.dma_semaphore, #tpu.memory_space<semaphore_mem>>)
    %mul3A_133 = arith.constant 32 : i32
    %mul3A_134 = arith.muli %mul3A_2, %mul3A_133 : i32
    "tpu.region"() ({
      %run_scoped3A = tpu.sem_alloc : memref<!tpu.dma_semaphore, #tpu.memory_space<semaphore_mem>>
      %dma_start3A_164 = tpu.memref_slice %arg3[%mul3A_134] : memref<524288xi32, #tpu.memory_space<hbm>> -> memref<16384xi32, #tpu.memory_space<hbm>>
      %dma_start3A_165 = tpu.memref_slice %arg3[%mul3A_134] : memref<524288xi32, #tpu.memory_space<hbm>> -> memref<16384xi32, #tpu.memory_space<hbm>>
      tpu.enqueue_dma source(%dma_start3A_165 : memref<16384xi32, #tpu.memory_space<hbm>>) target(%arg8 : memref<16384xi32, #tpu.memory_space<vmem>>) target_semaphore(%run_scoped3A : memref<!tpu.dma_semaphore, #tpu.memory_space<semaphore_mem>>)
      %dma_wait3A = tpu.memref_slice %arg3[%mul3A_134] : memref<524288xi32, #tpu.memory_space<hbm>> -> memref<16384xi32, #tpu.memory_space<hbm>>
      %dma_wait3A_166 = tpu.memref_slice %arg3[%mul3A_134] : memref<524288xi32, #tpu.memory_space<hbm>> -> memref<16384xi32, #tpu.memory_space<hbm>>
      tpu.wait_dma2 semaphore(%run_scoped3A : memref<!tpu.dma_semaphore, #tpu.memory_space<semaphore_mem>>) src(%dma_wait3A_166 : memref<16384xi32, #tpu.memory_space<hbm>>) dst(%arg8 : memref<16384xi32, #tpu.memory_space<vmem>>)
      tpu.yield
    }) : () -> ()
    "tpu.region"() ({
      %run_scoped3A = tpu.sem_alloc : memref<!tpu.dma_semaphore, #tpu.memory_space<semaphore_mem>>
      %dma_start3A_164 = tpu.memref_slice %arg4[%mul3A_2] : memref<16384xi32, #tpu.memory_space<hbm>> -> memref<512xi32, #tpu.memory_space<hbm>>
      %dma_start3A_165 = tpu.memref_slice %arg4[%mul3A_2] : memref<16384xi32, #tpu.memory_space<hbm>> -> memref<512xi32, #tpu.memory_space<hbm>>
      tpu.enqueue_dma source(%dma_start3A_165 : memref<512xi32, #tpu.memory_space<hbm>>) target(%arg14 : memref<512xi32, #tpu.memory_space<vmem>>) target_semaphore(%run_scoped3A : memref<!tpu.dma_semaphore, #tpu.memory_space<semaphore_mem>>)
      %dma_wait3A = tpu.memref_slice %arg4[%mul3A_2] : memref<16384xi32, #tpu.memory_space<hbm>> -> memref<512xi32, #tpu.memory_space<hbm>>
      %dma_wait3A_166 = tpu.memref_slice %arg4[%mul3A_2] : memref<16384xi32, #tpu.memory_space<hbm>> -> memref<512xi32, #tpu.memory_space<hbm>>
      tpu.wait_dma2 semaphore(%run_scoped3A : memref<!tpu.dma_semaphore, #tpu.memory_space<semaphore_mem>>) src(%dma_wait3A_166 : memref<512xi32, #tpu.memory_space<hbm>>) dst(%arg14 : memref<512xi32, #tpu.memory_space<vmem>>)
      tpu.yield
    }) : () -> ()
    %mul3A_135 = arith.constant 2048 : i32
    %mul3A_136 = arith.muli %select_n3A, %mul3A_135 : i32
    %add3A_137 = arith.constant 0 : i32
    %add3A_138 = arith.addi %add3A_137, %mul3A_136 : i32
    "tpu.region"() ({
      %run_scoped3A = tpu.sem_alloc : memref<!tpu.dma_semaphore, #tpu.memory_space<semaphore_mem>>
      %dma_start3A_164 = arith.constant 0 : i32
      %dma_start3A_165 = tpu.memref_slice %arg13[%dma_start3A_164] : memref<6144xf32, #tpu.memory_space<vmem>> -> memref<2048xf32, #tpu.memory_space<vmem>>
      %dma_start3A_166 = tpu.memref_slice %arg5[%add3A_138] : memref<49152xf32, #tpu.memory_space<hbm>> -> memref<2048xf32, #tpu.memory_space<hbm>>
      %dma_start3A_167 = arith.constant 0 : i32
      %dma_start3A_168 = tpu.memref_slice %arg13[%dma_start3A_167] : memref<6144xf32, #tpu.memory_space<vmem>> -> memref<2048xf32, #tpu.memory_space<vmem>>
      %dma_start3A_169 = tpu.memref_slice %arg5[%add3A_138] : memref<49152xf32, #tpu.memory_space<hbm>> -> memref<2048xf32, #tpu.memory_space<hbm>>
      tpu.enqueue_dma source(%dma_start3A_169 : memref<2048xf32, #tpu.memory_space<hbm>>) target(%dma_start3A_168 : memref<2048xf32, #tpu.memory_space<vmem>>) target_semaphore(%run_scoped3A : memref<!tpu.dma_semaphore, #tpu.memory_space<semaphore_mem>>)
      %dma_wait3A = arith.constant 0 : i32
      %dma_wait3A_170 = tpu.memref_slice %arg13[%dma_wait3A] : memref<6144xf32, #tpu.memory_space<vmem>> -> memref<2048xf32, #tpu.memory_space<vmem>>
      %dma_wait3A_171 = tpu.memref_slice %arg5[%add3A_138] : memref<49152xf32, #tpu.memory_space<hbm>> -> memref<2048xf32, #tpu.memory_space<hbm>>
      %dma_wait3A_172 = arith.constant 0 : i32
      %dma_wait3A_173 = tpu.memref_slice %arg13[%dma_wait3A_172] : memref<6144xf32, #tpu.memory_space<vmem>> -> memref<2048xf32, #tpu.memory_space<vmem>>
      %dma_wait3A_174 = tpu.memref_slice %arg5[%add3A_138] : memref<49152xf32, #tpu.memory_space<hbm>> -> memref<2048xf32, #tpu.memory_space<hbm>>
      tpu.wait_dma2 semaphore(%run_scoped3A : memref<!tpu.dma_semaphore, #tpu.memory_space<semaphore_mem>>) src(%dma_wait3A_174 : memref<2048xf32, #tpu.memory_space<hbm>>) dst(%dma_wait3A_173 : memref<2048xf32, #tpu.memory_space<vmem>>)
      tpu.yield
    }) : () -> ()
    %mul3A_139 = arith.constant 2048 : i32
    %mul3A_140 = arith.muli %select_n3A, %mul3A_139 : i32
    %add3A_141 = arith.constant 16384 : i32
    %add3A_142 = arith.addi %add3A_141, %mul3A_140 : i32
    "tpu.region"() ({
      %run_scoped3A = tpu.sem_alloc : memref<!tpu.dma_semaphore, #tpu.memory_space<semaphore_mem>>
      %dma_start3A_164 = arith.constant 2048 : i32
      %dma_start3A_165 = tpu.memref_slice %arg13[%dma_start3A_164] : memref<6144xf32, #tpu.memory_space<vmem>> -> memref<2048xf32, #tpu.memory_space<vmem>>
      %dma_start3A_166 = tpu.memref_slice %arg5[%add3A_142] : memref<49152xf32, #tpu.memory_space<hbm>> -> memref<2048xf32, #tpu.memory_space<hbm>>
      %dma_start3A_167 = arith.constant 2048 : i32
      %dma_start3A_168 = tpu.memref_slice %arg13[%dma_start3A_167] : memref<6144xf32, #tpu.memory_space<vmem>> -> memref<2048xf32, #tpu.memory_space<vmem>>
      %dma_start3A_169 = tpu.memref_slice %arg5[%add3A_142] : memref<49152xf32, #tpu.memory_space<hbm>> -> memref<2048xf32, #tpu.memory_space<hbm>>
      tpu.enqueue_dma source(%dma_start3A_169 : memref<2048xf32, #tpu.memory_space<hbm>>) target(%dma_start3A_168 : memref<2048xf32, #tpu.memory_space<vmem>>) target_semaphore(%run_scoped3A : memref<!tpu.dma_semaphore, #tpu.memory_space<semaphore_mem>>)
      %dma_wait3A = arith.constant 2048 : i32
      %dma_wait3A_170 = tpu.memref_slice %arg13[%dma_wait3A] : memref<6144xf32, #tpu.memory_space<vmem>> -> memref<2048xf32, #tpu.memory_space<vmem>>
      %dma_wait3A_171 = tpu.memref_slice %arg5[%add3A_142] : memref<49152xf32, #tpu.memory_space<hbm>> -> memref<2048xf32, #tpu.memory_space<hbm>>
      %dma_wait3A_172 = arith.constant 2048 : i32
      %dma_wait3A_173 = tpu.memref_slice %arg13[%dma_wait3A_172] : memref<6144xf32, #tpu.memory_space<vmem>> -> memref<2048xf32, #tpu.memory_space<vmem>>
      %dma_wait3A_174 = tpu.memref_slice %arg5[%add3A_142] : memref<49152xf32, #tpu.memory_space<hbm>> -> memref<2048xf32, #tpu.memory_space<hbm>>
      tpu.wait_dma2 semaphore(%run_scoped3A : memref<!tpu.dma_semaphore, #tpu.memory_space<semaphore_mem>>) src(%dma_wait3A_174 : memref<2048xf32, #tpu.memory_space<hbm>>) dst(%dma_wait3A_173 : memref<2048xf32, #tpu.memory_space<vmem>>)
      tpu.yield
    }) : () -> ()
    %mul3A_143 = arith.constant 2048 : i32
    %mul3A_144 = arith.muli %select_n3A, %mul3A_143 : i32
    %add3A_145 = arith.constant 32768 : i32
    %add3A_146 = arith.addi %add3A_145, %mul3A_144 : i32
    "tpu.region"() ({
      %run_scoped3A = tpu.sem_alloc : memref<!tpu.dma_semaphore, #tpu.memory_space<semaphore_mem>>
      %dma_start3A_164 = arith.constant 4096 : i32
      %dma_start3A_165 = tpu.memref_slice %arg13[%dma_start3A_164] : memref<6144xf32, #tpu.memory_space<vmem>> -> memref<2048xf32, #tpu.memory_space<vmem>>
      %dma_start3A_166 = tpu.memref_slice %arg5[%add3A_146] : memref<49152xf32, #tpu.memory_space<hbm>> -> memref<2048xf32, #tpu.memory_space<hbm>>
      %dma_start3A_167 = arith.constant 4096 : i32
      %dma_start3A_168 = tpu.memref_slice %arg13[%dma_start3A_167] : memref<6144xf32, #tpu.memory_space<vmem>> -> memref<2048xf32, #tpu.memory_space<vmem>>
      %dma_start3A_169 = tpu.memref_slice %arg5[%add3A_146] : memref<49152xf32, #tpu.memory_space<hbm>> -> memref<2048xf32, #tpu.memory_space<hbm>>
      tpu.enqueue_dma source(%dma_start3A_169 : memref<2048xf32, #tpu.memory_space<hbm>>) target(%dma_start3A_168 : memref<2048xf32, #tpu.memory_space<vmem>>) target_semaphore(%run_scoped3A : memref<!tpu.dma_semaphore, #tpu.memory_space<semaphore_mem>>)
      %dma_wait3A = arith.constant 4096 : i32
      %dma_wait3A_170 = tpu.memref_slice %arg13[%dma_wait3A] : memref<6144xf32, #tpu.memory_space<vmem>> -> memref<2048xf32, #tpu.memory_space<vmem>>
      %dma_wait3A_171 = tpu.memref_slice %arg5[%add3A_146] : memref<49152xf32, #tpu.memory_space<hbm>> -> memref<2048xf32, #tpu.memory_space<hbm>>
      %dma_wait3A_172 = arith.constant 4096 : i32
      %dma_wait3A_173 = tpu.memref_slice %arg13[%dma_wait3A_172] : memref<6144xf32, #tpu.memory_space<vmem>> -> memref<2048xf32, #tpu.memory_space<vmem>>
      %dma_wait3A_174 = tpu.memref_slice %arg5[%add3A_146] : memref<49152xf32, #tpu.memory_space<hbm>> -> memref<2048xf32, #tpu.memory_space<hbm>>
      tpu.wait_dma2 semaphore(%run_scoped3A : memref<!tpu.dma_semaphore, #tpu.memory_space<semaphore_mem>>) src(%dma_wait3A_174 : memref<2048xf32, #tpu.memory_space<hbm>>) dst(%dma_wait3A_173 : memref<2048xf32, #tpu.memory_space<vmem>>)
      tpu.yield
    }) : () -> ()
    %scan3A = arith.constant 0 : i32
    %scan3A_147 = arith.constant 0 : i32
    %scan3A_148 = arith.constant 32 : i32
    %scan3A_149 = arith.addi %scan3A_147, %scan3A_148 : i32
    %scan3A_150 = arith.constant 1 : i32
    scf.for %scan3A_164 = %scan3A_147 to %scan3A_149 step %scan3A_150  : i32 {
      %mul3A_165 = arith.constant 16 : i32
      %mul3A_166 = arith.muli %scan3A_164, %mul3A_165 : i32
      %add3A_167 = vector.broadcast %mul3A_166 : i32 to vector<16xi32>
      %add3A_168 = arith.addi %add3A_167, %iota3A : vector<16xi32>
      %mul3A_169 = arith.constant 16 : i32
      %mul3A_170 = arith.muli %scan3A_164, %mul3A_169 : i32
      %get3A = arith.index_cast %mul3A_170 : i32 to index
      %get3A_171 = tpu.vector_load %arg14[%get3A] {strides = array<i32>} : memref<512xi32, #tpu.memory_space<vmem>>, vector<16xi32>,
      %mul3A_172 = arith.constant 32 : i32
      %mul3A_173 = vector.broadcast %mul3A_172 : i32 to vector<16xi32>
      %mul3A_174 = arith.muli %add3A_168, %mul3A_173 : vector<16xi32>
      %add3A_175 = arith.addi %mul3A_174, %get3A_171 : vector<16xi32>
      %gather3A = tpu.vector_load_idx %arg8[%add3A_175] : memref<16384xi32, #tpu.memory_space<vmem>>[vector<16xi32>], vector<16xi32>,
      %add3A_176 = arith.constant 0 : i32
      %add3A_177 = vector.broadcast %add3A_176 : i32 to vector<16xi32>
      %add3A_178 = arith.addi %gather3A, %add3A_177 : vector<16xi32>
      %gather3A_179 = tpu.vector_load_idx %arg13[%add3A_178] : memref<6144xf32, #tpu.memory_space<vmem>>[vector<16xi32>], vector<16xf32>,
      %mul3A_180 = arith.constant 16 : i32
      %mul3A_181 = arith.muli %scan3A_164, %mul3A_180 : i32
      %add3A_182 = arith.constant 0 : i32
      %add3A_183 = arith.addi %add3A_182, %mul3A_181 : i32
      %swap3A = arith.index_cast %add3A_183 : i32 to index
      %swap3A_184 = tpu.vector_load %arg16[%swap3A] {strides = array<i32>} : memref<1536xf32, #tpu.memory_space<vmem>>, vector<16xf32>,
      tpu.vector_store %arg16[%swap3A], %gather3A_179 {strides = array<i32>} : memref<1536xf32, #tpu.memory_space<vmem>>, vector<16xf32>,
      %add3A_185 = arith.constant 2048 : i32
      %add3A_186 = vector.broadcast %add3A_185 : i32 to vector<16xi32>
      %add3A_187 = arith.addi %gather3A, %add3A_186 : vector<16xi32>
      %gather3A_188 = tpu.vector_load_idx %arg13[%add3A_187] : memref<6144xf32, #tpu.memory_space<vmem>>[vector<16xi32>], vector<16xf32>,
      %mul3A_189 = arith.constant 16 : i32
      %mul3A_190 = arith.muli %scan3A_164, %mul3A_189 : i32
      %add3A_191 = arith.constant 512 : i32
      %add3A_192 = arith.addi %add3A_191, %mul3A_190 : i32
      %swap3A_193 = arith.index_cast %add3A_192 : i32 to index
      %swap3A_194 = tpu.vector_load %arg16[%swap3A_193] {strides = array<i32>} : memref<1536xf32, #tpu.memory_space<vmem>>, vector<16xf32>,
      tpu.vector_store %arg16[%swap3A_193], %gather3A_188 {strides = array<i32>} : memref<1536xf32, #tpu.memory_space<vmem>>, vector<16xf32>,
      %add3A_195 = arith.constant 4096 : i32
      %add3A_196 = vector.broadcast %add3A_195 : i32 to vector<16xi32>
      %add3A_197 = arith.addi %gather3A, %add3A_196 : vector<16xi32>
      %gather3A_198 = tpu.vector_load_idx %arg13[%add3A_197] : memref<6144xf32, #tpu.memory_space<vmem>>[vector<16xi32>], vector<16xf32>,
      %mul3A_199 = arith.constant 16 : i32
      %mul3A_200 = arith.muli %scan3A_164, %mul3A_199 : i32
      %add3A_201 = arith.constant 1024 : i32
      %add3A_202 = arith.addi %add3A_201, %mul3A_200 : i32
      %swap3A_203 = arith.index_cast %add3A_202 : i32 to index
      %swap3A_204 = tpu.vector_load %arg16[%swap3A_203] {strides = array<i32>} : memref<1536xf32, #tpu.memory_space<vmem>>, vector<16xf32>,
      tpu.vector_store %arg16[%swap3A_203], %gather3A_198 {strides = array<i32>} : memref<1536xf32, #tpu.memory_space<vmem>>, vector<16xf32>,
    }
    %scan3A_151 = arith.constant 32 : i32
    %scan3A_152 = arith.constant 0 : i32
    %scan3A_153 = arith.constant 0 : i32
    %scan3A_154 = arith.constant 16 : i32
    %scan3A_155 = arith.addi %scan3A_153, %scan3A_154 : i32
    %scan3A_156 = arith.constant 1 : i32
    scf.for %scan3A_164 = %scan3A_153 to %scan3A_155 step %scan3A_156  : i32 {
      %broadcast_in_dim3A = arith.constant 0.000000e+00 : f32
      %broadcast_in_dim3A_165 = vector.broadcast %broadcast_in_dim3A : f32 to vector<16xf32>
      %mul3A_166 = arith.constant 4 : i32
      %mul3A_167 = arith.muli %scan3A_164, %mul3A_166 : i32
      %add3A_168 = arith.constant 0 : i32
      %add3A_169 = arith.addi %mul3A_167, %add3A_168 : i32
      %mul3A_170 = arith.constant 8 : i32
      %mul3A_171 = arith.muli %add3A_169, %mul3A_170 : i32
      %add3A_172 = arith.addi %sub3A_21, %mul3A_171 : i32
      %dma_wait3A = arith.constant 0 : i32
      %dma_wait3A_173 = arith.constant 0 : i32
      %dma_wait3A_174 = tpu.memref_slice %arg9[%dma_wait3A, %dma_wait3A_173] : memref<8x2048xf32, #tpu.memory_space<vmem>> -> memref<8x1024xf32, #tpu.memory_space<vmem>>
      %dma_wait3A_175 = arith.constant 0 : i32
      %dma_wait3A_176 = tpu.memref_slice %arg2[%select_n3A, %add3A_172, %dma_wait3A_175] : memref<8x2048x2048xf32, #tpu.memory_space<hbm>> -> memref<1x8x1024xf32, #tpu.memory_space<hbm>>
      %dma_wait3A_177 = tpu.memref_squeeze %dma_wait3A_176 : memref<1x8x1024xf32, #tpu.memory_space<hbm>> -> memref<8x1024xf32, #tpu.memory_space<hbm>>
      %dma_wait3A_178 = arith.constant 0 : i32
      %dma_wait3A_179 = arith.constant 0 : i32
      %dma_wait3A_180 = tpu.memref_slice %arg9[%dma_wait3A_178, %dma_wait3A_179] : memref<8x2048xf32, #tpu.memory_space<vmem>> -> memref<8x1024xf32, #tpu.memory_space<vmem>>
      %dma_wait3A_181 = arith.constant 0 : i32
      %dma_wait3A_182 = tpu.memref_slice %arg2[%select_n3A, %add3A_172, %dma_wait3A_181] : memref<8x2048x2048xf32, #tpu.memory_space<hbm>> -> memref<1x8x1024xf32, #tpu.memory_space<hbm>>
      %dma_wait3A_183 = tpu.memref_squeeze %dma_wait3A_182 : memref<1x8x1024xf32, #tpu.memory_space<hbm>> -> memref<8x1024xf32, #tpu.memory_space<hbm>>
      tpu.wait_dma2 semaphore(%arg17 : memref<!tpu.dma_semaphore, #tpu.memory_space<semaphore_mem>>) src(%dma_wait3A_183 : memref<8x1024xf32, #tpu.memory_space<hbm>>) dst(%dma_wait3A_180 : memref<8x1024xf32, #tpu.memory_space<vmem>>)
      %mul3A_184 = arith.constant 8 : i32
      %mul3A_185 = arith.muli %add3A_169, %mul3A_184 : i32
      %add3A_186 = arith.addi %sub3A_21, %mul3A_185 : i32
      %dma_wait3A_187 = arith.constant 0 : i32
      %dma_wait3A_188 = arith.constant 1024 : i32
      %dma_wait3A_189 = tpu.memref_slice %arg9[%dma_wait3A_187, %dma_wait3A_188] : memref<8x2048xf32, #tpu.memory_space<vmem>> -> memref<8x1024xf32, #tpu.memory_space<vmem>>
      %dma_wait3A_190 = arith.constant 1024 : i32
      %dma_wait3A_191 = tpu.memref_slice %arg2[%select_n3A, %add3A_186, %dma_wait3A_190] : memref<8x2048x2048xf32, #tpu.memory_space<hbm>> -> memref<1x8x1024xf32, #tpu.memory_space<hbm>>
      %dma_wait3A_192 = tpu.memref_squeeze %dma_wait3A_191 : memref<1x8x1024xf32, #tpu.memory_space<hbm>> -> memref<8x1024xf32, #tpu.memory_space<hbm>>
      %dma_wait3A_193 = arith.constant 0 : i32
      %dma_wait3A_194 = arith.constant 1024 : i32
      %dma_wait3A_195 = tpu.memref_slice %arg9[%dma_wait3A_193, %dma_wait3A_194] : memref<8x2048xf32, #tpu.memory_space<vmem>> -> memref<8x1024xf32, #tpu.memory_space<vmem>>
      %dma_wait3A_196 = arith.constant 1024 : i32
      %dma_wait3A_197 = tpu.memref_slice %arg2[%select_n3A, %add3A_186, %dma_wait3A_196] : memref<8x2048x2048xf32, #tpu.memory_space<hbm>> -> memref<1x8x1024xf32, #tpu.memory_space<hbm>>
      %dma_wait3A_198 = tpu.memref_squeeze %dma_wait3A_197 : memref<1x8x1024xf32, #tpu.memory_space<hbm>> -> memref<8x1024xf32, #tpu.memory_space<hbm>>
      tpu.wait_dma2 semaphore(%arg17 : memref<!tpu.dma_semaphore, #tpu.memory_space<semaphore_mem>>) src(%dma_wait3A_198 : memref<8x1024xf32, #tpu.memory_space<hbm>>) dst(%dma_wait3A_195 : memref<8x1024xf32, #tpu.memory_space<vmem>>)
      %mul3A_199 = arith.constant 8 : i32
      %mul3A_200 = arith.muli %add3A_169, %mul3A_199 : i32
      %add3A_201 = arith.constant 0 : i32
      %add3A_202 = arith.addi %mul3A_200, %add3A_201 : i32
      %mul3A_203 = arith.constant 32 : i32
      %mul3A_204 = arith.muli %add3A_202, %mul3A_203 : i32
      %get3A = arith.index_cast %mul3A_204 : i32 to index
      %get3A_205 = tpu.vector_load %arg8[%get3A] {strides = array<i32>} : memref<16384xi32, #tpu.memory_space<vmem>>, vector<16xi32>,
      %mul3A_206 = arith.constant 32 : i32
      %mul3A_207 = arith.muli %add3A_202, %mul3A_206 : i32
      %add3A_208 = arith.constant 16 : i32
      %add3A_209 = arith.addi %mul3A_207, %add3A_208 : i32
      %get3A_210 = arith.index_cast %add3A_209 : i32 to index
      %get3A_211 = tpu.vector_load %arg8[%get3A_210] {strides = array<i32>} : memref<16384xi32, #tpu.memory_space<vmem>>, vector<16xi32>,
      %broadcast_in_dim3A_212 = arith.constant 0 : i32
      %broadcast_in_dim3A_213 = vector.broadcast %broadcast_in_dim3A_212 : i32 to vector<16xi32>
      %gather3A = tpu.vector_load_idx %arg9[%broadcast_in_dim3A_213, %get3A_205] : memref<8x2048xf32, #tpu.memory_space<vmem>>[vector<16xi32>, vector<16xi32>], vector<16xf32>,
      %gather3A_214 = tpu.vector_load_idx %arg9[%broadcast_in_dim3A_213, %get3A_211] : memref<8x2048xf32, #tpu.memory_space<vmem>>[vector<16xi32>, vector<16xi32>], vector<16xf32>,
      %sort3A = arith.constant dense<true> : vector<16xi1>
      %sort3A_215, %sort3A_216, %sort3A_217 = tpu.sort %gather3A, %gather3A masked %sort3A : (vector<16xf32>, vector<16xf32>, vector<16xi1>) -> (vector<16xi1>, vector<16xf32>, vector<16xf32>)
      %sort3A_218 = arith.constant dense<true> : vector<16xi1>
      %sort3A_219, %sort3A_220, %sort3A_221 = tpu.sort %gather3A_214, %gather3A_214 masked %sort3A_218 : (vector<16xf32>, vector<16xf32>, vector<16xi1>) -> (vector<16xi1>, vector<16xf32>, vector<16xf32>)
      %rev3A = arith.constant 15 : i32
      %rev3A_222 = vector.broadcast %rev3A : i32 to vector<16xi32>
      %rev3A_223 = tpu.iota {dimensions = array<i32: 0>} : vector<16xi32>
      %rev3A_224 = arith.subi %rev3A_222, %rev3A_223 : vector<16xi32>
      %rev3A_225 = tpu.dynamic_gather %sort3A_220[%rev3A_224] in [0] : vector<16xf32>, vector<16xi32> -> vector<16xf32>
      %min3A = arith.minimumf %sort3A_216, %rev3A_225 : vector<16xf32>
      %eq3A = arith.constant 0 : i32
      %eq3A_226 = vector.broadcast %eq3A : i32 to vector<16xi32>
      %eq3A_227 = arith.cmpi eq, %iota3A, %eq3A_226 : vector<16xi32>
      %reduce_max3A = arith.constant true
      %reduce_max3A_228 = vector.broadcast %reduce_max3A : i1 to vector<16xi1>
      %reduce_max3A_229 = tpu.scan <max>, %min3A masked %reduce_max3A_228 : vector<16xf32>, vector<16xi1> -> vector<16xf32>
      %reduce_max3A_230 = vector.extract %reduce_max3A_229[15] : f32 from vector<16xf32>
      %broadcast_in_dim3A_231 = vector.broadcast %reduce_max3A_230 : f32 to vector<16xf32>
      %select_n3A_232 = arith.select %eq3A_227, %broadcast_in_dim3A_231, %broadcast_in_dim3A_165 : vector<16xi1>, vector<16xf32>
      %mul3A_233 = arith.constant 8 : i32
      %mul3A_234 = arith.muli %add3A_169, %mul3A_233 : i32
      %add3A_235 = arith.constant 1 : i32
      %add3A_236 = arith.addi %mul3A_234, %add3A_235 : i32
      %mul3A_237 = arith.constant 32 : i32
      %mul3A_238 = arith.muli %add3A_236, %mul3A_237 : i32
      %get3A_239 = arith.index_cast %mul3A_238 : i32 to index
      %get3A_240 = tpu.vector_load %arg8[%get3A_239] {strides = array<i32>} : memref<16384xi32, #tpu.memory_space<vmem>>, vector<16xi32>,
      %mul3A_241 = arith.constant 32 : i32
      %mul3A_242 = arith.muli %add3A_236, %mul3A_241 : i32
      %add3A_243 = arith.constant 16 : i32
      %add3A_244 = arith.addi %mul3A_242, %add3A_243 : i32
      %get3A_245 = arith.index_cast %add3A_244 : i32 to index
      %get3A_246 = tpu.vector_load %arg8[%get3A_245] {strides = array<i32>} : memref<16384xi32, #tpu.memory_space<vmem>>, vector<16xi32>,
      %broadcast_in_dim3A_247 = arith.constant 1 : i32
      %broadcast_in_dim3A_248 = vector.broadcast %broadcast_in_dim3A_247 : i32 to vector<16xi32>
      %gather3A_249 = tpu.vector_load_idx %arg9[%broadcast_in_dim3A_248, %get3A_240] : memref<8x2048xf32, #tpu.memory_space<vmem>>[vector<16xi32>, vector<16xi32>], vector<16xf32>,
      %gather3A_250 = tpu.vector_load_idx %arg9[%broadcast_in_dim3A_248, %get3A_246] : memref<8x2048xf32, #tpu.memory_space<vmem>>[vector<16xi32>, vector<16xi32>], vector<16xf32>,
      %sort3A_251 = arith.constant dense<true> : vector<16xi1>
      %sort3A_252, %sort3A_253, %sort3A_254 = tpu.sort %gather3A_249, %gather3A_249 masked %sort3A_251 : (vector<16xf32>, vector<16xf32>, vector<16xi1>) -> (vector<16xi1>, vector<16xf32>, vector<16xf32>)
      %sort3A_255 = arith.constant dense<true> : vector<16xi1>
      %sort3A_256, %sort3A_257, %sort3A_258 = tpu.sort %gather3A_250, %gather3A_250 masked %sort3A_255 : (vector<16xf32>, vector<16xf32>, vector<16xi1>) -> (vector<16xi1>, vector<16xf32>, vector<16xf32>)
      %rev3A_259 = arith.constant 15 : i32
      %rev3A_260 = vector.broadcast %rev3A_259 : i32 to vector<16xi32>
      %rev3A_261 = tpu.iota {dimensions = array<i32: 0>} : vector<16xi32>
      %rev3A_262 = arith.subi %rev3A_260, %rev3A_261 : vector<16xi32>
      %rev3A_263 = tpu.dynamic_gather %sort3A_257[%rev3A_262] in [0] : vector<16xf32>, vector<16xi32> -> vector<16xf32>
      %min3A_264 = arith.minimumf %sort3A_253, %rev3A_263 : vector<16xf32>
      %eq3A_265 = arith.constant 1 : i32
      %eq3A_266 = vector.broadcast %eq3A_265 : i32 to vector<16xi32>
      %eq3A_267 = arith.cmpi eq, %iota3A, %eq3A_266 : vector<16xi32>
      %reduce_max3A_268 = arith.constant true
      %reduce_max3A_269 = vector.broadcast %reduce_max3A_268 : i1 to vector<16xi1>
      %reduce_max3A_270 = tpu.scan <max>, %min3A_264 masked %reduce_max3A_269 : vector<16xf32>, vector<16xi1> -> vector<16xf32>
      %reduce_max3A_271 = vector.extract %reduce_max3A_270[15] : f32 from vector<16xf32>
      %broadcast_in_dim3A_272 = vector.broadcast %reduce_max3A_271 : f32 to vector<16xf32>
      %select_n3A_273 = arith.select %eq3A_267, %broadcast_in_dim3A_272, %select_n3A_232 : vector<16xi1>, vector<16xf32>
      %mul3A_274 = arith.constant 8 : i32
      %mul3A_275 = arith.muli %add3A_169, %mul3A_274 : i32
      %add3A_276 = arith.constant 2 : i32
      %add3A_277 = arith.addi %mul3A_275, %add3A_276 : i32
      %mul3A_278 = arith.constant 32 : i32
      %mul3A_279 = arith.muli %add3A_277, %mul3A_278 : i32
      %get3A_280 = arith.index_cast %mul3A_279 : i32 to index
      %get3A_281 = tpu.vector_load %arg8[%get3A_280] {strides = array<i32>} : memref<16384xi32, #tpu.memory_space<vmem>>, vector<16xi32>,
      %mul3A_282 = arith.constant 32 : i32
      %mul3A_283 = arith.muli %add3A_277, %mul3A_282 : i32
      %add3A_284 = arith.constant 16 : i32
      %add3A_285 = arith.addi %mul3A_283, %add3A_284 : i32
      %get3A_286 = arith.index_cast %add3A_285 : i32 to index
      %get3A_287 = tpu.vector_load %arg8[%get3A_286] {strides = array<i32>} : memref<16384xi32, #tpu.memory_space<vmem>>, vector<16xi32>,
      %broadcast_in_dim3A_288 = arith.constant 2 : i32
      %broadcast_in_dim3A_289 = vector.broadcast %broadcast_in_dim3A_288 : i32 to vector<16xi32>
      %gather3A_290 = tpu.vector_load_idx %arg9[%broadcast_in_dim3A_289, %get3A_281] : memref<8x2048xf32, #tpu.memory_space<vmem>>[vector<16xi32>, vector<16xi32>], vector<16xf32>,
      %gather3A_291 = tpu.vector_load_idx %arg9[%broadcast_in_dim3A_289, %get3A_287] : memref<8x2048xf32, #tpu.memory_space<vmem>>[vector<16xi32>, vector<16xi32>], vector<16xf32>,
      %sort3A_292 = arith.constant dense<true> : vector<16xi1>
      %sort3A_293, %sort3A_294, %sort3A_295 = tpu.sort %gather3A_290, %gather3A_290 masked %sort3A_292 : (vector<16xf32>, vector<16xf32>, vector<16xi1>) -> (vector<16xi1>, vector<16xf32>, vector<16xf32>)
      %sort3A_296 = arith.constant dense<true> : vector<16xi1>
      %sort3A_297, %sort3A_298, %sort3A_299 = tpu.sort %gather3A_291, %gather3A_291 masked %sort3A_296 : (vector<16xf32>, vector<16xf32>, vector<16xi1>) -> (vector<16xi1>, vector<16xf32>, vector<16xf32>)
      %rev3A_300 = arith.constant 15 : i32
      %rev3A_301 = vector.broadcast %rev3A_300 : i32 to vector<16xi32>
      %rev3A_302 = tpu.iota {dimensions = array<i32: 0>} : vector<16xi32>
      %rev3A_303 = arith.subi %rev3A_301, %rev3A_302 : vector<16xi32>
      %rev3A_304 = tpu.dynamic_gather %sort3A_298[%rev3A_303] in [0] : vector<16xf32>, vector<16xi32> -> vector<16xf32>
      %min3A_305 = arith.minimumf %sort3A_294, %rev3A_304 : vector<16xf32>
      %eq3A_306 = arith.constant 2 : i32
      %eq3A_307 = vector.broadcast %eq3A_306 : i32 to vector<16xi32>
      %eq3A_308 = arith.cmpi eq, %iota3A, %eq3A_307 : vector<16xi32>
      %reduce_max3A_309 = arith.constant true
      %reduce_max3A_310 = vector.broadcast %reduce_max3A_309 : i1 to vector<16xi1>
      %reduce_max3A_311 = tpu.scan <max>, %min3A_305 masked %reduce_max3A_310 : vector<16xf32>, vector<16xi1> -> vector<16xf32>
      %reduce_max3A_312 = vector.extract %reduce_max3A_311[15] : f32 from vector<16xf32>
      %broadcast_in_dim3A_313 = vector.broadcast %reduce_max3A_312 : f32 to vector<16xf32>
      %select_n3A_314 = arith.select %eq3A_308, %broadcast_in_dim3A_313, %select_n3A_273 : vector<16xi1>, vector<16xf32>
      %mul3A_315 = arith.constant 8 : i32
      %mul3A_316 = arith.muli %add3A_169, %mul3A_315 : i32
      %add3A_317 = arith.constant 3 : i32
      %add3A_318 = arith.addi %mul3A_316, %add3A_317 : i32
      %mul3A_319 = arith.constant 32 : i32
      %mul3A_320 = arith.muli %add3A_318, %mul3A_319 : i32
      %get3A_321 = arith.index_cast %mul3A_320 : i32 to index
      %get3A_322 = tpu.vector_load %arg8[%get3A_321] {strides = array<i32>} : memref<16384xi32, #tpu.memory_space<vmem>>, vector<16xi32>,
      %mul3A_323 = arith.constant 32 : i32
      %mul3A_324 = arith.muli %add3A_318, %mul3A_323 : i32
      %add3A_325 = arith.constant 16 : i32
      %add3A_326 = arith.addi %mul3A_324, %add3A_325 : i32
      %get3A_327 = arith.index_cast %add3A_326 : i32 to index
      %get3A_328 = tpu.vector_load %arg8[%get3A_327] {strides = array<i32>} : memref<16384xi32, #tpu.memory_space<vmem>>, vector<16xi32>,
      %broadcast_in_dim3A_329 = arith.constant 3 : i32
      %broadcast_in_dim3A_330 = vector.broadcast %broadcast_in_dim3A_329 : i32 to vector<16xi32>
      %gather3A_331 = tpu.vector_load_idx %arg9[%broadcast_in_dim3A_330, %get3A_322] : memref<8x2048xf32, #tpu.memory_space<vmem>>[vector<16xi32>, vector<16xi32>], vector<16xf32>,
      %gather3A_332 = tpu.vector_load_idx %arg9[%broadcast_in_dim3A_330, %get3A_328] : memref<8x2048xf32, #tpu.memory_space<vmem>>[vector<16xi32>, vector<16xi32>], vector<16xf32>,
      %sort3A_333 = arith.constant dense<true> : vector<16xi1>
      %sort3A_334, %sort3A_335, %sort3A_336 = tpu.sort %gather3A_331, %gather3A_331 masked %sort3A_333 : (vector<16xf32>, vector<16xf32>, vector<16xi1>) -> (vector<16xi1>, vector<16xf32>, vector<16xf32>)
      %sort3A_337 = arith.constant dense<true> : vector<16xi1>
      %sort3A_338, %sort3A_339, %sort3A_340 = tpu.sort %gather3A_332, %gather3A_332 masked %sort3A_337 : (vector<16xf32>, vector<16xf32>, vector<16xi1>) -> (vector<16xi1>, vector<16xf32>, vector<16xf32>)
      %rev3A_341 = arith.constant 15 : i32
      %rev3A_342 = vector.broadcast %rev3A_341 : i32 to vector<16xi32>
      %rev3A_343 = tpu.iota {dimensions = array<i32: 0>} : vector<16xi32>
      %rev3A_344 = arith.subi %rev3A_342, %rev3A_343 : vector<16xi32>
      %rev3A_345 = tpu.dynamic_gather %sort3A_339[%rev3A_344] in [0] : vector<16xf32>, vector<16xi32> -> vector<16xf32>
      %min3A_346 = arith.minimumf %sort3A_335, %rev3A_345 : vector<16xf32>
      %eq3A_347 = arith.constant 3 : i32
      %eq3A_348 = vector.broadcast %eq3A_347 : i32 to vector<16xi32>
      %eq3A_349 = arith.cmpi eq, %iota3A, %eq3A_348 : vector<16xi32>
      %reduce_max3A_350 = arith.constant true
      %reduce_max3A_351 = vector.broadcast %reduce_max3A_350 : i1 to vector<16xi1>
      %reduce_max3A_352 = tpu.scan <max>, %min3A_346 masked %reduce_max3A_351 : vector<16xf32>, vector<16xi1> -> vector<16xf32>
      %reduce_max3A_353 = vector.extract %reduce_max3A_352[15] : f32 from vector<16xf32>
      %broadcast_in_dim3A_354 = vector.broadcast %reduce_max3A_353 : f32 to vector<16xf32>
      %select_n3A_355 = arith.select %eq3A_349, %broadcast_in_dim3A_354, %select_n3A_314 : vector<16xi1>, vector<16xf32>
      %mul3A_356 = arith.constant 8 : i32
      %mul3A_357 = arith.muli %add3A_169, %mul3A_356 : i32
      %add3A_358 = arith.constant 4 : i32
      %add3A_359 = arith.addi %mul3A_357, %add3A_358 : i32
      %mul3A_360 = arith.constant 32 : i32
      %mul3A_361 = arith.muli %add3A_359, %mul3A_360 : i32
      %get3A_362 = arith.index_cast %mul3A_361 : i32 to index
      %get3A_363 = tpu.vector_load %arg8[%get3A_362] {strides = array<i32>} : memref<16384xi32, #tpu.memory_space<vmem>>, vector<16xi32>,
      %mul3A_364 = arith.constant 32 : i32
      %mul3A_365 = arith.muli %add3A_359, %mul3A_364 : i32
      %add3A_366 = arith.constant 16 : i32
      %add3A_367 = arith.addi %mul3A_365, %add3A_366 : i32
      %get3A_368 = arith.index_cast %add3A_367 : i32 to index
      %get3A_369 = tpu.vector_load %arg8[%get3A_368] {strides = array<i32>} : memref<16384xi32, #tpu.memory_space<vmem>>, vector<16xi32>,
      %broadcast_in_dim3A_370 = arith.constant 4 : i32
      %broadcast_in_dim3A_371 = vector.broadcast %broadcast_in_dim3A_370 : i32 to vector<16xi32>
      %gather3A_372 = tpu.vector_load_idx %arg9[%broadcast_in_dim3A_371, %get3A_363] : memref<8x2048xf32, #tpu.memory_space<vmem>>[vector<16xi32>, vector<16xi32>], vector<16xf32>,
      %gather3A_373 = tpu.vector_load_idx %arg9[%broadcast_in_dim3A_371, %get3A_369] : memref<8x2048xf32, #tpu.memory_space<vmem>>[vector<16xi32>, vector<16xi32>], vector<16xf32>,
      %sort3A_374 = arith.constant dense<true> : vector<16xi1>
      %sort3A_375, %sort3A_376, %sort3A_377 = tpu.sort %gather3A_372, %gather3A_372 masked %sort3A_374 : (vector<16xf32>, vector<16xf32>, vector<16xi1>) -> (vector<16xi1>, vector<16xf32>, vector<16xf32>)
      %sort3A_378 = arith.constant dense<true> : vector<16xi1>
      %sort3A_379, %sort3A_380, %sort3A_381 = tpu.sort %gather3A_373, %gather3A_373 masked %sort3A_378 : (vector<16xf32>, vector<16xf32>, vector<16xi1>) -> (vector<16xi1>, vector<16xf32>, vector<16xf32>)
      %rev3A_382 = arith.constant 15 : i32
      %rev3A_383 = vector.broadcast %rev3A_382 : i32 to vector<16xi32>
      %rev3A_384 = tpu.iota {dimensions = array<i32: 0>} : vector<16xi32>
      %rev3A_385 = arith.subi %rev3A_383, %rev3A_384 : vector<16xi32>
      %rev3A_386 = tpu.dynamic_gather %sort3A_380[%rev3A_385] in [0] : vector<16xf32>, vector<16xi32> -> vector<16xf32>
      %min3A_387 = arith.minimumf %sort3A_376, %rev3A_386 : vector<16xf32>
      %eq3A_388 = arith.constant 4 : i32
      %eq3A_389 = vector.broadcast %eq3A_388 : i32 to vector<16xi32>
      %eq3A_390 = arith.cmpi eq, %iota3A, %eq3A_389 : vector<16xi32>
      %reduce_max3A_391 = arith.constant true
      %reduce_max3A_392 = vector.broadcast %reduce_max3A_391 : i1 to vector<16xi1>
      %reduce_max3A_393 = tpu.scan <max>, %min3A_387 masked %reduce_max3A_392 : vector<16xf32>, vector<16xi1> -> vector<16xf32>
      %reduce_max3A_394 = vector.extract %reduce_max3A_393[15] : f32 from vector<16xf32>
      %broadcast_in_dim3A_395 = vector.broadcast %reduce_max3A_394 : f32 to vector<16xf32>
      %select_n3A_396 = arith.select %eq3A_390, %broadcast_in_dim3A_395, %select_n3A_355 : vector<16xi1>, vector<16xf32>
      %mul3A_397 = arith.constant 8 : i32
      %mul3A_398 = arith.muli %add3A_169, %mul3A_397 : i32
      %add3A_399 = arith.constant 5 : i32
      %add3A_400 = arith.addi %mul3A_398, %add3A_399 : i32
      %mul3A_401 = arith.constant 32 : i32
      %mul3A_402 = arith.muli %add3A_400, %mul3A_401 : i32
      %get3A_403 = arith.index_cast %mul3A_402 : i32 to index
      %get3A_404 = tpu.vector_load %arg8[%get3A_403] {strides = array<i32>} : memref<16384xi32, #tpu.memory_space<vmem>>, vector<16xi32>,
      %mul3A_405 = arith.constant 32 : i32
      %mul3A_406 = arith.muli %add3A_400, %mul3A_405 : i32
      %add3A_407 = arith.constant 16 : i32
      %add3A_408 = arith.addi %mul3A_406, %add3A_407 : i32
      %get3A_409 = arith.index_cast %add3A_408 : i32 to index
      %get3A_410 = tpu.vector_load %arg8[%get3A_409] {strides = array<i32>} : memref<16384xi32, #tpu.memory_space<vmem>>, vector<16xi32>,
      %broadcast_in_dim3A_411 = arith.constant 5 : i32
      %broadcast_in_dim3A_412 = vector.broadcast %broadcast_in_dim3A_411 : i32 to vector<16xi32>
      %gather3A_413 = tpu.vector_load_idx %arg9[%broadcast_in_dim3A_412, %get3A_404] : memref<8x2048xf32, #tpu.memory_space<vmem>>[vector<16xi32>, vector<16xi32>], vector<16xf32>,
      %gather3A_414 = tpu.vector_load_idx %arg9[%broadcast_in_dim3A_412, %get3A_410] : memref<8x2048xf32, #tpu.memory_space<vmem>>[vector<16xi32>, vector<16xi32>], vector<16xf32>,
      %sort3A_415 = arith.constant dense<true> : vector<16xi1>
      %sort3A_416, %sort3A_417, %sort3A_418 = tpu.sort %gather3A_413, %gather3A_413 masked %sort3A_415 : (vector<16xf32>, vector<16xf32>, vector<16xi1>) -> (vector<16xi1>, vector<16xf32>, vector<16xf32>)
      %sort3A_419 = arith.constant dense<true> : vector<16xi1>
      %sort3A_420, %sort3A_421, %sort3A_422 = tpu.sort %gather3A_414, %gather3A_414 masked %sort3A_419 : (vector<16xf32>, vector<16xf32>, vector<16xi1>) -> (vector<16xi1>, vector<16xf32>, vector<16xf32>)
      %rev3A_423 = arith.constant 15 : i32
      %rev3A_424 = vector.broadcast %rev3A_423 : i32 to vector<16xi32>
      %rev3A_425 = tpu.iota {dimensions = array<i32: 0>} : vector<16xi32>
      %rev3A_426 = arith.subi %rev3A_424, %rev3A_425 : vector<16xi32>
      %rev3A_427 = tpu.dynamic_gather %sort3A_421[%rev3A_426] in [0] : vector<16xf32>, vector<16xi32> -> vector<16xf32>
      %min3A_428 = arith.minimumf %sort3A_417, %rev3A_427 : vector<16xf32>
      %eq3A_429 = arith.constant 5 : i32
      %eq3A_430 = vector.broadcast %eq3A_429 : i32 to vector<16xi32>
      %eq3A_431 = arith.cmpi eq, %iota3A, %eq3A_430 : vector<16xi32>
      %reduce_max3A_432 = arith.constant true
      %reduce_max3A_433 = vector.broadcast %reduce_max3A_432 : i1 to vector<16xi1>
      %reduce_max3A_434 = tpu.scan <max>, %min3A_428 masked %reduce_max3A_433 : vector<16xf32>, vector<16xi1> -> vector<16xf32>
      %reduce_max3A_435 = vector.extract %reduce_max3A_434[15] : f32 from vector<16xf32>
      %broadcast_in_dim3A_436 = vector.broadcast %reduce_max3A_435 : f32 to vector<16xf32>
      %select_n3A_437 = arith.select %eq3A_431, %broadcast_in_dim3A_436, %select_n3A_396 : vector<16xi1>, vector<16xf32>
      %mul3A_438 = arith.constant 8 : i32
      %mul3A_439 = arith.muli %add3A_169, %mul3A_438 : i32
      %add3A_440 = arith.constant 6 : i32
      %add3A_441 = arith.addi %mul3A_439, %add3A_440 : i32
      %mul3A_442 = arith.constant 32 : i32
      %mul3A_443 = arith.muli %add3A_441, %mul3A_442 : i32
      %get3A_444 = arith.index_cast %mul3A_443 : i32 to index
      %get3A_445 = tpu.vector_load %arg8[%get3A_444] {strides = array<i32>} : memref<16384xi32, #tpu.memory_space<vmem>>, vector<16xi32>,
      %mul3A_446 = arith.constant 32 : i32
      %mul3A_447 = arith.muli %add3A_441, %mul3A_446 : i32
      %add3A_448 = arith.constant 16 : i32
      %add3A_449 = arith.addi %mul3A_447, %add3A_448 : i32
      %get3A_450 = arith.index_cast %add3A_449 : i32 to index
      %get3A_451 = tpu.vector_load %arg8[%get3A_450] {strides = array<i32>} : memref<16384xi32, #tpu.memory_space<vmem>>, vector<16xi32>,
      %broadcast_in_dim3A_452 = arith.constant 6 : i32
      %broadcast_in_dim3A_453 = vector.broadcast %broadcast_in_dim3A_452 : i32 to vector<16xi32>
      %gather3A_454 = tpu.vector_load_idx %arg9[%broadcast_in_dim3A_453, %get3A_445] : memref<8x2048xf32, #tpu.memory_space<vmem>>[vector<16xi32>, vector<16xi32>], vector<16xf32>,
      %gather3A_455 = tpu.vector_load_idx %arg9[%broadcast_in_dim3A_453, %get3A_451] : memref<8x2048xf32, #tpu.memory_space<vmem>>[vector<16xi32>, vector<16xi32>], vector<16xf32>,
      %sort3A_456 = arith.constant dense<true> : vector<16xi1>
      %sort3A_457, %sort3A_458, %sort3A_459 = tpu.sort %gather3A_454, %gather3A_454 masked %sort3A_456 : (vector<16xf32>, vector<16xf32>, vector<16xi1>) -> (vector<16xi1>, vector<16xf32>, vector<16xf32>)
      %sort3A_460 = arith.constant dense<true> : vector<16xi1>
      %sort3A_461, %sort3A_462, %sort3A_463 = tpu.sort %gather3A_455, %gather3A_455 masked %sort3A_460 : (vector<16xf32>, vector<16xf32>, vector<16xi1>) -> (vector<16xi1>, vector<16xf32>, vector<16xf32>)
      %rev3A_464 = arith.constant 15 : i32
      %rev3A_465 = vector.broadcast %rev3A_464 : i32 to vector<16xi32>
      %rev3A_466 = tpu.iota {dimensions = array<i32: 0>} : vector<16xi32>
      %rev3A_467 = arith.subi %rev3A_465, %rev3A_466 : vector<16xi32>
      %rev3A_468 = tpu.dynamic_gather %sort3A_462[%rev3A_467] in [0] : vector<16xf32>, vector<16xi32> -> vector<16xf32>
      %min3A_469 = arith.minimumf %sort3A_458, %rev3A_468 : vector<16xf32>
      %eq3A_470 = arith.constant 6 : i32
      %eq3A_471 = vector.broadcast %eq3A_470 : i32 to vector<16xi32>
      %eq3A_472 = arith.cmpi eq, %iota3A, %eq3A_471 : vector<16xi32>
      %reduce_max3A_473 = arith.constant true
      %reduce_max3A_474 = vector.broadcast %reduce_max3A_473 : i1 to vector<16xi1>
      %reduce_max3A_475 = tpu.scan <max>, %min3A_469 masked %reduce_max3A_474 : vector<16xf32>, vector<16xi1> -> vector<16xf32>
      %reduce_max3A_476 = vector.extract %reduce_max3A_475[15] : f32 from vector<16xf32>
      %broadcast_in_dim3A_477 = vector.broadcast %reduce_max3A_476 : f32 to vector<16xf32>
      %select_n3A_478 = arith.select %eq3A_472, %broadcast_in_dim3A_477, %select_n3A_437 : vector<16xi1>, vector<16xf32>
      %mul3A_479 = arith.constant 8 : i32
      %mul3A_480 = arith.muli %add3A_169, %mul3A_479 : i32
      %add3A_481 = arith.constant 7 : i32
      %add3A_482 = arith.addi %mul3A_480, %add3A_481 : i32
      %mul3A_483 = arith.constant 32 : i32
      %mul3A_484 = arith.muli %add3A_482, %mul3A_483 : i32
      %get3A_485 = arith.index_cast %mul3A_484 : i32 to index
      %get3A_486 = tpu.vector_load %arg8[%get3A_485] {strides = array<i32>} : memref<16384xi32, #tpu.memory_space<vmem>>, vector<16xi32>,
      %mul3A_487 = arith.constant 32 : i32
      %mul3A_488 = arith.muli %add3A_482, %mul3A_487 : i32
      %add3A_489 = arith.constant 16 : i32
      %add3A_490 = arith.addi %mul3A_488, %add3A_489 : i32
      %get3A_491 = arith.index_cast %add3A_490 : i32 to index
      %get3A_492 = tpu.vector_load %arg8[%get3A_491] {strides = array<i32>} : memref<16384xi32, #tpu.memory_space<vmem>>, vector<16xi32>,
      %broadcast_in_dim3A_493 = arith.constant 7 : i32
      %broadcast_in_dim3A_494 = vector.broadcast %broadcast_in_dim3A_493 : i32 to vector<16xi32>
      %gather3A_495 = tpu.vector_load_idx %arg9[%broadcast_in_dim3A_494, %get3A_486] : memref<8x2048xf32, #tpu.memory_space<vmem>>[vector<16xi32>, vector<16xi32>], vector<16xf32>,
      %gather3A_496 = tpu.vector_load_idx %arg9[%broadcast_in_dim3A_494, %get3A_492] : memref<8x2048xf32, #tpu.memory_space<vmem>>[vector<16xi32>, vector<16xi32>], vector<16xf32>,
      %sort3A_497 = arith.constant dense<true> : vector<16xi1>
      %sort3A_498, %sort3A_499, %sort3A_500 = tpu.sort %gather3A_495, %gather3A_495 masked %sort3A_497 : (vector<16xf32>, vector<16xf32>, vector<16xi1>) -> (vector<16xi1>, vector<16xf32>, vector<16xf32>)
      %sort3A_501 = arith.constant dense<true> : vector<16xi1>
      %sort3A_502, %sort3A_503, %sort3A_504 = tpu.sort %gather3A_496, %gather3A_496 masked %sort3A_501 : (vector<16xf32>, vector<16xf32>, vector<16xi1>) -> (vector<16xi1>, vector<16xf32>, vector<16xf32>)
      %rev3A_505 = arith.constant 15 : i32
      %rev3A_506 = vector.broadcast %rev3A_505 : i32 to vector<16xi32>
      %rev3A_507 = tpu.iota {dimensions = array<i32: 0>} : vector<16xi32>
      %rev3A_508 = arith.subi %rev3A_506, %rev3A_507 : vector<16xi32>
      %rev3A_509 = tpu.dynamic_gather %sort3A_503[%rev3A_508] in [0] : vector<16xf32>, vector<16xi32> -> vector<16xf32>
      %min3A_510 = arith.minimumf %sort3A_499, %rev3A_509 : vector<16xf32>
      %eq3A_511 = arith.constant 7 : i32
      %eq3A_512 = vector.broadcast %eq3A_511 : i32 to vector<16xi32>
      %eq3A_513 = arith.cmpi eq, %iota3A, %eq3A_512 : vector<16xi32>
      %reduce_max3A_514 = arith.constant true
      %reduce_max3A_515 = vector.broadcast %reduce_max3A_514 : i1 to vector<16xi1>
      %reduce_max3A_516 = tpu.scan <max>, %min3A_510 masked %reduce_max3A_515 : vector<16xf32>, vector<16xi1> -> vector<16xf32>
      %reduce_max3A_517 = vector.extract %reduce_max3A_516[15] : f32 from vector<16xf32>
      %broadcast_in_dim3A_518 = vector.broadcast %reduce_max3A_517 : f32 to vector<16xf32>
      %select_n3A_519 = arith.select %eq3A_513, %broadcast_in_dim3A_518, %select_n3A_478 : vector<16xi1>, vector<16xf32>
      %add3A_520 = arith.constant 4 : i32
      %add3A_521 = arith.addi %add3A_169, %add3A_520 : i32
      %lt3A = arith.constant 64 : i32
      %lt3A_522 = arith.cmpi slt, %add3A_521, %lt3A : i32
      %convert_element_type3A = arith.extui %lt3A_522 : i1 to i32
      %cond3A = arith.constant 0 : i32
      %cond3A_523 = arith.cmpi ne, %convert_element_type3A, %cond3A : i32
      scf.if %cond3A_523 {
        %add3A_1650 = arith.constant 4 : i32
        %add3A_1651 = arith.addi %add3A_169, %add3A_1650 : i32
        %mul3A_1652 = arith.constant 8 : i32
        %mul3A_1653 = arith.muli %add3A_1651, %mul3A_1652 : i32
        %add3A_1654 = arith.addi %sub3A_21, %mul3A_1653 : i32
        %dma_start3A_1655 = arith.constant 0 : i32
        %dma_start3A_1656 = arith.constant 0 : i32
        %dma_start3A_1657 = tpu.memref_slice %arg9[%dma_start3A_1655, %dma_start3A_1656] : memref<8x2048xf32, #tpu.memory_space<vmem>> -> memref<8x1024xf32, #tpu.memory_space<vmem>>
        %dma_start3A_1658 = arith.constant 0 : i32
        %dma_start3A_1659 = tpu.memref_slice %arg2[%select_n3A, %add3A_1654, %dma_start3A_1658] : memref<8x2048x2048xf32, #tpu.memory_space<hbm>> -> memref<1x8x1024xf32, #tpu.memory_space<hbm>>
        %dma_start3A_1660 = tpu.memref_squeeze %dma_start3A_1659 : memref<1x8x1024xf32, #tpu.memory_space<hbm>> -> memref<8x1024xf32, #tpu.memory_space<hbm>>
        %dma_start3A_1661 = arith.constant 0 : i32
        %dma_start3A_1662 = arith.constant 0 : i32
        %dma_start3A_1663 = tpu.memref_slice %arg9[%dma_start3A_1661, %dma_start3A_1662] : memref<8x2048xf32, #tpu.memory_space<vmem>> -> memref<8x1024xf32, #tpu.memory_space<vmem>>
        %dma_start3A_1664 = arith.constant 0 : i32
        %dma_start3A_1665 = tpu.memref_slice %arg2[%select_n3A, %add3A_1654, %dma_start3A_1664] : memref<8x2048x2048xf32, #tpu.memory_space<hbm>> -> memref<1x8x1024xf32, #tpu.memory_space<hbm>>
        %dma_start3A_1666 = tpu.memref_squeeze %dma_start3A_1665 : memref<1x8x1024xf32, #tpu.memory_space<hbm>> -> memref<8x1024xf32, #tpu.memory_space<hbm>>
        tpu.enqueue_dma source(%dma_start3A_1666 : memref<8x1024xf32, #tpu.memory_space<hbm>>) target(%dma_start3A_1663 : memref<8x1024xf32, #tpu.memory_space<vmem>>) target_semaphore(%arg17 : memref<!tpu.dma_semaphore, #tpu.memory_space<semaphore_mem>>)
        %mul3A_1667 = arith.constant 8 : i32
        %mul3A_1668 = arith.muli %add3A_1651, %mul3A_1667 : i32
        %add3A_1669 = arith.addi %sub3A_21, %mul3A_1668 : i32
        %dma_start3A_1670 = arith.constant 0 : i32
        %dma_start3A_1671 = arith.constant 1024 : i32
        %dma_start3A_1672 = tpu.memref_slice %arg9[%dma_start3A_1670, %dma_start3A_1671] : memref<8x2048xf32, #tpu.memory_space<vmem>> -> memref<8x1024xf32, #tpu.memory_space<vmem>>
        %dma_start3A_1673 = arith.constant 1024 : i32
        %dma_start3A_1674 = tpu.memref_slice %arg2[%select_n3A, %add3A_1669, %dma_start3A_1673] : memref<8x2048x2048xf32, #tpu.memory_space<hbm>> -> memref<1x8x1024xf32, #tpu.memory_space<hbm>>
        %dma_start3A_1675 = tpu.memref_squeeze %dma_start3A_1674 : memref<1x8x1024xf32, #tpu.memory_space<hbm>> -> memref<8x1024xf32, #tpu.memory_space<hbm>>
        %dma_start3A_1676 = arith.constant 0 : i32
        %dma_start3A_1677 = arith.constant 1024 : i32
        %dma_start3A_1678 = tpu.memref_slice %arg9[%dma_start3A_1676, %dma_start3A_1677] : memref<8x2048xf32, #tpu.memory_space<vmem>> -> memref<8x1024xf32, #tpu.memory_space<vmem>>
        %dma_start3A_1679 = arith.constant 1024 : i32
        %dma_start3A_1680 = tpu.memref_slice %arg2[%select_n3A, %add3A_1669, %dma_start3A_1679] : memref<8x2048x2048xf32, #tpu.memory_space<hbm>> -> memref<1x8x1024xf32, #tpu.memory_space<hbm>>
        %dma_start3A_1681 = tpu.memref_squeeze %dma_start3A_1680 : memref<1x8x1024xf32, #tpu.memory_space<hbm>> -> memref<8x1024xf32, #tpu.memory_space<hbm>>
        tpu.enqueue_dma source(%dma_start3A_1681 : memref<8x1024xf32, #tpu.memory_space<hbm>>) target(%dma_start3A_1678 : memref<8x1024xf32, #tpu.memory_space<vmem>>) target_semaphore(%arg17 : memref<!tpu.dma_semaphore, #tpu.memory_space<semaphore_mem>>)
      } else {
      }
      %mul3A_524 = arith.constant 4 : i32
      %mul3A_525 = arith.muli %scan3A_164, %mul3A_524 : i32
      %add3A_526 = arith.constant 1 : i32
      %add3A_527 = arith.addi %mul3A_525, %add3A_526 : i32
      %mul3A_528 = arith.constant 8 : i32
      %mul3A_529 = arith.muli %add3A_527, %mul3A_528 : i32
      %add3A_530 = arith.addi %sub3A_21, %mul3A_529 : i32
      %dma_wait3A_531 = arith.constant 0 : i32
      %dma_wait3A_532 = arith.constant 0 : i32
      %dma_wait3A_533 = tpu.memref_slice %arg10[%dma_wait3A_531, %dma_wait3A_532] : memref<8x2048xf32, #tpu.memory_space<vmem>> -> memref<8x1024xf32, #tpu.memory_space<vmem>>
      %dma_wait3A_534 = arith.constant 0 : i32
      %dma_wait3A_535 = tpu.memref_slice %arg2[%select_n3A, %add3A_530, %dma_wait3A_534] : memref<8x2048x2048xf32, #tpu.memory_space<hbm>> -> memref<1x8x1024xf32, #tpu.memory_space<hbm>>
      %dma_wait3A_536 = tpu.memref_squeeze %dma_wait3A_535 : memref<1x8x1024xf32, #tpu.memory_space<hbm>> -> memref<8x1024xf32, #tpu.memory_space<hbm>>
      %dma_wait3A_537 = arith.constant 0 : i32
      %dma_wait3A_538 = arith.constant 0 : i32
      %dma_wait3A_539 = tpu.memref_slice %arg10[%dma_wait3A_537, %dma_wait3A_538] : memref<8x2048xf32, #tpu.memory_space<vmem>> -> memref<8x1024xf32, #tpu.memory_space<vmem>>
      %dma_wait3A_540 = arith.constant 0 : i32
      %dma_wait3A_541 = tpu.memref_slice %arg2[%select_n3A, %add3A_530, %dma_wait3A_540] : memref<8x2048x2048xf32, #tpu.memory_space<hbm>> -> memref<1x8x1024xf32, #tpu.memory_space<hbm>>
      %dma_wait3A_542 = tpu.memref_squeeze %dma_wait3A_541 : memref<1x8x1024xf32, #tpu.memory_space<hbm>> -> memref<8x1024xf32, #tpu.memory_space<hbm>>
      tpu.wait_dma2 semaphore(%arg18 : memref<!tpu.dma_semaphore, #tpu.memory_space<semaphore_mem>>) src(%dma_wait3A_542 : memref<8x1024xf32, #tpu.memory_space<hbm>>) dst(%dma_wait3A_539 : memref<8x1024xf32, #tpu.memory_space<vmem>>)
      %mul3A_543 = arith.constant 8 : i32
      %mul3A_544 = arith.muli %add3A_527, %mul3A_543 : i32
      %add3A_545 = arith.addi %sub3A_21, %mul3A_544 : i32
      %dma_wait3A_546 = arith.constant 0 : i32
      %dma_wait3A_547 = arith.constant 1024 : i32
      %dma_wait3A_548 = tpu.memref_slice %arg10[%dma_wait3A_546, %dma_wait3A_547] : memref<8x2048xf32, #tpu.memory_space<vmem>> -> memref<8x1024xf32, #tpu.memory_space<vmem>>
      %dma_wait3A_549 = arith.constant 1024 : i32
      %dma_wait3A_550 = tpu.memref_slice %arg2[%select_n3A, %add3A_545, %dma_wait3A_549] : memref<8x2048x2048xf32, #tpu.memory_space<hbm>> -> memref<1x8x1024xf32, #tpu.memory_space<hbm>>
      %dma_wait3A_551 = tpu.memref_squeeze %dma_wait3A_550 : memref<1x8x1024xf32, #tpu.memory_space<hbm>> -> memref<8x1024xf32, #tpu.memory_space<hbm>>
      %dma_wait3A_552 = arith.constant 0 : i32
      %dma_wait3A_553 = arith.constant 1024 : i32
      %dma_wait3A_554 = tpu.memref_slice %arg10[%dma_wait3A_552, %dma_wait3A_553] : memref<8x2048xf32, #tpu.memory_space<vmem>> -> memref<8x1024xf32, #tpu.memory_space<vmem>>
      %dma_wait3A_555 = arith.constant 1024 : i32
      %dma_wait3A_556 = tpu.memref_slice %arg2[%select_n3A, %add3A_545, %dma_wait3A_555] : memref<8x2048x2048xf32, #tpu.memory_space<hbm>> -> memref<1x8x1024xf32, #tpu.memory_space<hbm>>
      %dma_wait3A_557 = tpu.memref_squeeze %dma_wait3A_556 : memref<1x8x1024xf32, #tpu.memory_space<hbm>> -> memref<8x1024xf32, #tpu.memory_space<hbm>>
      tpu.wait_dma2 semaphore(%arg18 : memref<!tpu.dma_semaphore, #tpu.memory_space<semaphore_mem>>) src(%dma_wait3A_557 : memref<8x1024xf32, #tpu.memory_space<hbm>>) dst(%dma_wait3A_554 : memref<8x1024xf32, #tpu.memory_space<vmem>>)
      %mul3A_558 = arith.constant 8 : i32
      %mul3A_559 = arith.muli %add3A_527, %mul3A_558 : i32
      %add3A_560 = arith.constant 0 : i32
      %add3A_561 = arith.addi %mul3A_559, %add3A_560 : i32
      %mul3A_562 = arith.constant 32 : i32
      %mul3A_563 = arith.muli %add3A_561, %mul3A_562 : i32
      %get3A_564 = arith.index_cast %mul3A_563 : i32 to index
      %get3A_565 = tpu.vector_load %arg8[%get3A_564] {strides = array<i32>} : memref<16384xi32, #tpu.memory_space<vmem>>, vector<16xi32>,
      %mul3A_566 = arith.constant 32 : i32
      %mul3A_567 = arith.muli %add3A_561, %mul3A_566 : i32
      %add3A_568 = arith.constant 16 : i32
      %add3A_569 = arith.addi %mul3A_567, %add3A_568 : i32
      %get3A_570 = arith.index_cast %add3A_569 : i32 to index
      %get3A_571 = tpu.vector_load %arg8[%get3A_570] {strides = array<i32>} : memref<16384xi32, #tpu.memory_space<vmem>>, vector<16xi32>,
      %broadcast_in_dim3A_572 = arith.constant 0 : i32
      %broadcast_in_dim3A_573 = vector.broadcast %broadcast_in_dim3A_572 : i32 to vector<16xi32>
      %gather3A_574 = tpu.vector_load_idx %arg10[%broadcast_in_dim3A_573, %get3A_565] : memref<8x2048xf32, #tpu.memory_space<vmem>>[vector<16xi32>, vector<16xi32>], vector<16xf32>,
      %gather3A_575 = tpu.vector_load_idx %arg10[%broadcast_in_dim3A_573, %get3A_571] : memref<8x2048xf32, #tpu.memory_space<vmem>>[vector<16xi32>, vector<16xi32>], vector<16xf32>,
      %sort3A_576 = arith.constant dense<true> : vector<16xi1>
      %sort3A_577, %sort3A_578, %sort3A_579 = tpu.sort %gather3A_574, %gather3A_574 masked %sort3A_576 : (vector<16xf32>, vector<16xf32>, vector<16xi1>) -> (vector<16xi1>, vector<16xf32>, vector<16xf32>)
      %sort3A_580 = arith.constant dense<true> : vector<16xi1>
      %sort3A_581, %sort3A_582, %sort3A_583 = tpu.sort %gather3A_575, %gather3A_575 masked %sort3A_580 : (vector<16xf32>, vector<16xf32>, vector<16xi1>) -> (vector<16xi1>, vector<16xf32>, vector<16xf32>)
      %rev3A_584 = arith.constant 15 : i32
      %rev3A_585 = vector.broadcast %rev3A_584 : i32 to vector<16xi32>
      %rev3A_586 = tpu.iota {dimensions = array<i32: 0>} : vector<16xi32>
      %rev3A_587 = arith.subi %rev3A_585, %rev3A_586 : vector<16xi32>
      %rev3A_588 = tpu.dynamic_gather %sort3A_582[%rev3A_587] in [0] : vector<16xf32>, vector<16xi32> -> vector<16xf32>
      %min3A_589 = arith.minimumf %sort3A_578, %rev3A_588 : vector<16xf32>
      %eq3A_590 = arith.constant 8 : i32
      %eq3A_591 = vector.broadcast %eq3A_590 : i32 to vector<16xi32>
      %eq3A_592 = arith.cmpi eq, %iota3A, %eq3A_591 : vector<16xi32>
      %reduce_max3A_593 = arith.constant true
      %reduce_max3A_594 = vector.broadcast %reduce_max3A_593 : i1 to vector<16xi1>
      %reduce_max3A_595 = tpu.scan <max>, %min3A_589 masked %reduce_max3A_594 : vector<16xf32>, vector<16xi1> -> vector<16xf32>
      %reduce_max3A_596 = vector.extract %reduce_max3A_595[15] : f32 from vector<16xf32>
      %broadcast_in_dim3A_597 = vector.broadcast %reduce_max3A_596 : f32 to vector<16xf32>
      %select_n3A_598 = arith.select %eq3A_592, %broadcast_in_dim3A_597, %select_n3A_519 : vector<16xi1>, vector<16xf32>
      %mul3A_599 = arith.constant 8 : i32
      %mul3A_600 = arith.muli %add3A_527, %mul3A_599 : i32
      %add3A_601 = arith.constant 1 : i32
      %add3A_602 = arith.addi %mul3A_600, %add3A_601 : i32
      %mul3A_603 = arith.constant 32 : i32
      %mul3A_604 = arith.muli %add3A_602, %mul3A_603 : i32
      %get3A_605 = arith.index_cast %mul3A_604 : i32 to index
      %get3A_606 = tpu.vector_load %arg8[%get3A_605] {strides = array<i32>} : memref<16384xi32, #tpu.memory_space<vmem>>, vector<16xi32>,
      %mul3A_607 = arith.constant 32 : i32
      %mul3A_608 = arith.muli %add3A_602, %mul3A_607 : i32
      %add3A_609 = arith.constant 16 : i32
      %add3A_610 = arith.addi %mul3A_608, %add3A_609 : i32
      %get3A_611 = arith.index_cast %add3A_610 : i32 to index
      %get3A_612 = tpu.vector_load %arg8[%get3A_611] {strides = array<i32>} : memref<16384xi32, #tpu.memory_space<vmem>>, vector<16xi32>,
      %broadcast_in_dim3A_613 = arith.constant 1 : i32
      %broadcast_in_dim3A_614 = vector.broadcast %broadcast_in_dim3A_613 : i32 to vector<16xi32>
      %gather3A_615 = tpu.vector_load_idx %arg10[%broadcast_in_dim3A_614, %get3A_606] : memref<8x2048xf32, #tpu.memory_space<vmem>>[vector<16xi32>, vector<16xi32>], vector<16xf32>,
      %gather3A_616 = tpu.vector_load_idx %arg10[%broadcast_in_dim3A_614, %get3A_612] : memref<8x2048xf32, #tpu.memory_space<vmem>>[vector<16xi32>, vector<16xi32>], vector<16xf32>,
      %sort3A_617 = arith.constant dense<true> : vector<16xi1>
      %sort3A_618, %sort3A_619, %sort3A_620 = tpu.sort %gather3A_615, %gather3A_615 masked %sort3A_617 : (vector<16xf32>, vector<16xf32>, vector<16xi1>) -> (vector<16xi1>, vector<16xf32>, vector<16xf32>)
      %sort3A_621 = arith.constant dense<true> : vector<16xi1>
      %sort3A_622, %sort3A_623, %sort3A_624 = tpu.sort %gather3A_616, %gather3A_616 masked %sort3A_621 : (vector<16xf32>, vector<16xf32>, vector<16xi1>) -> (vector<16xi1>, vector<16xf32>, vector<16xf32>)
      %rev3A_625 = arith.constant 15 : i32
      %rev3A_626 = vector.broadcast %rev3A_625 : i32 to vector<16xi32>
      %rev3A_627 = tpu.iota {dimensions = array<i32: 0>} : vector<16xi32>
      %rev3A_628 = arith.subi %rev3A_626, %rev3A_627 : vector<16xi32>
      %rev3A_629 = tpu.dynamic_gather %sort3A_623[%rev3A_628] in [0] : vector<16xf32>, vector<16xi32> -> vector<16xf32>
      %min3A_630 = arith.minimumf %sort3A_619, %rev3A_629 : vector<16xf32>
      %eq3A_631 = arith.constant 9 : i32
      %eq3A_632 = vector.broadcast %eq3A_631 : i32 to vector<16xi32>
      %eq3A_633 = arith.cmpi eq, %iota3A, %eq3A_632 : vector<16xi32>
      %reduce_max3A_634 = arith.constant true
      %reduce_max3A_635 = vector.broadcast %reduce_max3A_634 : i1 to vector<16xi1>
      %reduce_max3A_636 = tpu.scan <max>, %min3A_630 masked %reduce_max3A_635 : vector<16xf32>, vector<16xi1> -> vector<16xf32>
      %reduce_max3A_637 = vector.extract %reduce_max3A_636[15] : f32 from vector<16xf32>
      %broadcast_in_dim3A_638 = vector.broadcast %reduce_max3A_637 : f32 to vector<16xf32>
      %select_n3A_639 = arith.select %eq3A_633, %broadcast_in_dim3A_638, %select_n3A_598 : vector<16xi1>, vector<16xf32>
      %mul3A_640 = arith.constant 8 : i32
      %mul3A_641 = arith.muli %add3A_527, %mul3A_640 : i32
      %add3A_642 = arith.constant 2 : i32
      %add3A_643 = arith.addi %mul3A_641, %add3A_642 : i32
      %mul3A_644 = arith.constant 32 : i32
      %mul3A_645 = arith.muli %add3A_643, %mul3A_644 : i32
      %get3A_646 = arith.index_cast %mul3A_645 : i32 to index
      %get3A_647 = tpu.vector_load %arg8[%get3A_646] {strides = array<i32>} : memref<16384xi32, #tpu.memory_space<vmem>>, vector<16xi32>,
      %mul3A_648 = arith.constant 32 : i32
      %mul3A_649 = arith.muli %add3A_643, %mul3A_648 : i32
      %add3A_650 = arith.constant 16 : i32
      %add3A_651 = arith.addi %mul3A_649, %add3A_650 : i32
      %get3A_652 = arith.index_cast %add3A_651 : i32 to index
      %get3A_653 = tpu.vector_load %arg8[%get3A_652] {strides = array<i32>} : memref<16384xi32, #tpu.memory_space<vmem>>, vector<16xi32>,
      %broadcast_in_dim3A_654 = arith.constant 2 : i32
      %broadcast_in_dim3A_655 = vector.broadcast %broadcast_in_dim3A_654 : i32 to vector<16xi32>
      %gather3A_656 = tpu.vector_load_idx %arg10[%broadcast_in_dim3A_655, %get3A_647] : memref<8x2048xf32, #tpu.memory_space<vmem>>[vector<16xi32>, vector<16xi32>], vector<16xf32>,
      %gather3A_657 = tpu.vector_load_idx %arg10[%broadcast_in_dim3A_655, %get3A_653] : memref<8x2048xf32, #tpu.memory_space<vmem>>[vector<16xi32>, vector<16xi32>], vector<16xf32>,
      %sort3A_658 = arith.constant dense<true> : vector<16xi1>
      %sort3A_659, %sort3A_660, %sort3A_661 = tpu.sort %gather3A_656, %gather3A_656 masked %sort3A_658 : (vector<16xf32>, vector<16xf32>, vector<16xi1>) -> (vector<16xi1>, vector<16xf32>, vector<16xf32>)
      %sort3A_662 = arith.constant dense<true> : vector<16xi1>
      %sort3A_663, %sort3A_664, %sort3A_665 = tpu.sort %gather3A_657, %gather3A_657 masked %sort3A_662 : (vector<16xf32>, vector<16xf32>, vector<16xi1>) -> (vector<16xi1>, vector<16xf32>, vector<16xf32>)
      %rev3A_666 = arith.constant 15 : i32
      %rev3A_667 = vector.broadcast %rev3A_666 : i32 to vector<16xi32>
      %rev3A_668 = tpu.iota {dimensions = array<i32: 0>} : vector<16xi32>
      %rev3A_669 = arith.subi %rev3A_667, %rev3A_668 : vector<16xi32>
      %rev3A_670 = tpu.dynamic_gather %sort3A_664[%rev3A_669] in [0] : vector<16xf32>, vector<16xi32> -> vector<16xf32>
      %min3A_671 = arith.minimumf %sort3A_660, %rev3A_670 : vector<16xf32>
      %eq3A_672 = arith.constant 10 : i32
      %eq3A_673 = vector.broadcast %eq3A_672 : i32 to vector<16xi32>
      %eq3A_674 = arith.cmpi eq, %iota3A, %eq3A_673 : vector<16xi32>
      %reduce_max3A_675 = arith.constant true
      %reduce_max3A_676 = vector.broadcast %reduce_max3A_675 : i1 to vector<16xi1>
      %reduce_max3A_677 = tpu.scan <max>, %min3A_671 masked %reduce_max3A_676 : vector<16xf32>, vector<16xi1> -> vector<16xf32>
      %reduce_max3A_678 = vector.extract %reduce_max3A_677[15] : f32 from vector<16xf32>
      %broadcast_in_dim3A_679 = vector.broadcast %reduce_max3A_678 : f32 to vector<16xf32>
      %select_n3A_680 = arith.select %eq3A_674, %broadcast_in_dim3A_679, %select_n3A_639 : vector<16xi1>, vector<16xf32>
      %mul3A_681 = arith.constant 8 : i32
      %mul3A_682 = arith.muli %add3A_527, %mul3A_681 : i32
      %add3A_683 = arith.constant 3 : i32
      %add3A_684 = arith.addi %mul3A_682, %add3A_683 : i32
      %mul3A_685 = arith.constant 32 : i32
      %mul3A_686 = arith.muli %add3A_684, %mul3A_685 : i32
      %get3A_687 = arith.index_cast %mul3A_686 : i32 to index
      %get3A_688 = tpu.vector_load %arg8[%get3A_687] {strides = array<i32>} : memref<16384xi32, #tpu.memory_space<vmem>>, vector<16xi32>,
      %mul3A_689 = arith.constant 32 : i32
      %mul3A_690 = arith.muli %add3A_684, %mul3A_689 : i32
      %add3A_691 = arith.constant 16 : i32
      %add3A_692 = arith.addi %mul3A_690, %add3A_691 : i32
      %get3A_693 = arith.index_cast %add3A_692 : i32 to index
      %get3A_694 = tpu.vector_load %arg8[%get3A_693] {strides = array<i32>} : memref<16384xi32, #tpu.memory_space<vmem>>, vector<16xi32>,
      %broadcast_in_dim3A_695 = arith.constant 3 : i32
      %broadcast_in_dim3A_696 = vector.broadcast %broadcast_in_dim3A_695 : i32 to vector<16xi32>
      %gather3A_697 = tpu.vector_load_idx %arg10[%broadcast_in_dim3A_696, %get3A_688] : memref<8x2048xf32, #tpu.memory_space<vmem>>[vector<16xi32>, vector<16xi32>], vector<16xf32>,
      %gather3A_698 = tpu.vector_load_idx %arg10[%broadcast_in_dim3A_696, %get3A_694] : memref<8x2048xf32, #tpu.memory_space<vmem>>[vector<16xi32>, vector<16xi32>], vector<16xf32>,
      %sort3A_699 = arith.constant dense<true> : vector<16xi1>
      %sort3A_700, %sort3A_701, %sort3A_702 = tpu.sort %gather3A_697, %gather3A_697 masked %sort3A_699 : (vector<16xf32>, vector<16xf32>, vector<16xi1>) -> (vector<16xi1>, vector<16xf32>, vector<16xf32>)
      %sort3A_703 = arith.constant dense<true> : vector<16xi1>
      %sort3A_704, %sort3A_705, %sort3A_706 = tpu.sort %gather3A_698, %gather3A_698 masked %sort3A_703 : (vector<16xf32>, vector<16xf32>, vector<16xi1>) -> (vector<16xi1>, vector<16xf32>, vector<16xf32>)
      %rev3A_707 = arith.constant 15 : i32
      %rev3A_708 = vector.broadcast %rev3A_707 : i32 to vector<16xi32>
      %rev3A_709 = tpu.iota {dimensions = array<i32: 0>} : vector<16xi32>
      %rev3A_710 = arith.subi %rev3A_708, %rev3A_709 : vector<16xi32>
      %rev3A_711 = tpu.dynamic_gather %sort3A_705[%rev3A_710] in [0] : vector<16xf32>, vector<16xi32> -> vector<16xf32>
      %min3A_712 = arith.minimumf %sort3A_701, %rev3A_711 : vector<16xf32>
      %eq3A_713 = arith.constant 11 : i32
      %eq3A_714 = vector.broadcast %eq3A_713 : i32 to vector<16xi32>
      %eq3A_715 = arith.cmpi eq, %iota3A, %eq3A_714 : vector<16xi32>
      %reduce_max3A_716 = arith.constant true
      %reduce_max3A_717 = vector.broadcast %reduce_max3A_716 : i1 to vector<16xi1>
      %reduce_max3A_718 = tpu.scan <max>, %min3A_712 masked %reduce_max3A_717 : vector<16xf32>, vector<16xi1> -> vector<16xf32>
      %reduce_max3A_719 = vector.extract %reduce_max3A_718[15] : f32 from vector<16xf32>
      %broadcast_in_dim3A_720 = vector.broadcast %reduce_max3A_719 : f32 to vector<16xf32>
      %select_n3A_721 = arith.select %eq3A_715, %broadcast_in_dim3A_720, %select_n3A_680 : vector<16xi1>, vector<16xf32>
      %mul3A_722 = arith.constant 8 : i32
      %mul3A_723 = arith.muli %add3A_527, %mul3A_722 : i32
      %add3A_724 = arith.constant 4 : i32
      %add3A_725 = arith.addi %mul3A_723, %add3A_724 : i32
      %mul3A_726 = arith.constant 32 : i32
      %mul3A_727 = arith.muli %add3A_725, %mul3A_726 : i32
      %get3A_728 = arith.index_cast %mul3A_727 : i32 to index
      %get3A_729 = tpu.vector_load %arg8[%get3A_728] {strides = array<i32>} : memref<16384xi32, #tpu.memory_space<vmem>>, vector<16xi32>,
      %mul3A_730 = arith.constant 32 : i32
      %mul3A_731 = arith.muli %add3A_725, %mul3A_730 : i32
      %add3A_732 = arith.constant 16 : i32
      %add3A_733 = arith.addi %mul3A_731, %add3A_732 : i32
      %get3A_734 = arith.index_cast %add3A_733 : i32 to index
      %get3A_735 = tpu.vector_load %arg8[%get3A_734] {strides = array<i32>} : memref<16384xi32, #tpu.memory_space<vmem>>, vector<16xi32>,
      %broadcast_in_dim3A_736 = arith.constant 4 : i32
      %broadcast_in_dim3A_737 = vector.broadcast %broadcast_in_dim3A_736 : i32 to vector<16xi32>
      %gather3A_738 = tpu.vector_load_idx %arg10[%broadcast_in_dim3A_737, %get3A_729] : memref<8x2048xf32, #tpu.memory_space<vmem>>[vector<16xi32>, vector<16xi32>], vector<16xf32>,
      %gather3A_739 = tpu.vector_load_idx %arg10[%broadcast_in_dim3A_737, %get3A_735] : memref<8x2048xf32, #tpu.memory_space<vmem>>[vector<16xi32>, vector<16xi32>], vector<16xf32>,
      %sort3A_740 = arith.constant dense<true> : vector<16xi1>
      %sort3A_741, %sort3A_742, %sort3A_743 = tpu.sort %gather3A_738, %gather3A_738 masked %sort3A_740 : (vector<16xf32>, vector<16xf32>, vector<16xi1>) -> (vector<16xi1>, vector<16xf32>, vector<16xf32>)
      %sort3A_744 = arith.constant dense<true> : vector<16xi1>
      %sort3A_745, %sort3A_746, %sort3A_747 = tpu.sort %gather3A_739, %gather3A_739 masked %sort3A_744 : (vector<16xf32>, vector<16xf32>, vector<16xi1>) -> (vector<16xi1>, vector<16xf32>, vector<16xf32>)
      %rev3A_748 = arith.constant 15 : i32
      %rev3A_749 = vector.broadcast %rev3A_748 : i32 to vector<16xi32>
      %rev3A_750 = tpu.iota {dimensions = array<i32: 0>} : vector<16xi32>
      %rev3A_751 = arith.subi %rev3A_749, %rev3A_750 : vector<16xi32>
      %rev3A_752 = tpu.dynamic_gather %sort3A_746[%rev3A_751] in [0] : vector<16xf32>, vector<16xi32> -> vector<16xf32>
      %min3A_753 = arith.minimumf %sort3A_742, %rev3A_752 : vector<16xf32>
      %eq3A_754 = arith.constant 12 : i32
      %eq3A_755 = vector.broadcast %eq3A_754 : i32 to vector<16xi32>
      %eq3A_756 = arith.cmpi eq, %iota3A, %eq3A_755 : vector<16xi32>
      %reduce_max3A_757 = arith.constant true
      %reduce_max3A_758 = vector.broadcast %reduce_max3A_757 : i1 to vector<16xi1>
      %reduce_max3A_759 = tpu.scan <max>, %min3A_753 masked %reduce_max3A_758 : vector<16xf32>, vector<16xi1> -> vector<16xf32>
      %reduce_max3A_760 = vector.extract %reduce_max3A_759[15] : f32 from vector<16xf32>
      %broadcast_in_dim3A_761 = vector.broadcast %reduce_max3A_760 : f32 to vector<16xf32>
      %select_n3A_762 = arith.select %eq3A_756, %broadcast_in_dim3A_761, %select_n3A_721 : vector<16xi1>, vector<16xf32>
      %mul3A_763 = arith.constant 8 : i32
      %mul3A_764 = arith.muli %add3A_527, %mul3A_763 : i32
      %add3A_765 = arith.constant 5 : i32
      %add3A_766 = arith.addi %mul3A_764, %add3A_765 : i32
      %mul3A_767 = arith.constant 32 : i32
      %mul3A_768 = arith.muli %add3A_766, %mul3A_767 : i32
      %get3A_769 = arith.index_cast %mul3A_768 : i32 to index
      %get3A_770 = tpu.vector_load %arg8[%get3A_769] {strides = array<i32>} : memref<16384xi32, #tpu.memory_space<vmem>>, vector<16xi32>,
      %mul3A_771 = arith.constant 32 : i32
      %mul3A_772 = arith.muli %add3A_766, %mul3A_771 : i32
      %add3A_773 = arith.constant 16 : i32
      %add3A_774 = arith.addi %mul3A_772, %add3A_773 : i32
      %get3A_775 = arith.index_cast %add3A_774 : i32 to index
      %get3A_776 = tpu.vector_load %arg8[%get3A_775] {strides = array<i32>} : memref<16384xi32, #tpu.memory_space<vmem>>, vector<16xi32>,
      %broadcast_in_dim3A_777 = arith.constant 5 : i32
      %broadcast_in_dim3A_778 = vector.broadcast %broadcast_in_dim3A_777 : i32 to vector<16xi32>
      %gather3A_779 = tpu.vector_load_idx %arg10[%broadcast_in_dim3A_778, %get3A_770] : memref<8x2048xf32, #tpu.memory_space<vmem>>[vector<16xi32>, vector<16xi32>], vector<16xf32>,
      %gather3A_780 = tpu.vector_load_idx %arg10[%broadcast_in_dim3A_778, %get3A_776] : memref<8x2048xf32, #tpu.memory_space<vmem>>[vector<16xi32>, vector<16xi32>], vector<16xf32>,
      %sort3A_781 = arith.constant dense<true> : vector<16xi1>
      %sort3A_782, %sort3A_783, %sort3A_784 = tpu.sort %gather3A_779, %gather3A_779 masked %sort3A_781 : (vector<16xf32>, vector<16xf32>, vector<16xi1>) -> (vector<16xi1>, vector<16xf32>, vector<16xf32>)
      %sort3A_785 = arith.constant dense<true> : vector<16xi1>
      %sort3A_786, %sort3A_787, %sort3A_788 = tpu.sort %gather3A_780, %gather3A_780 masked %sort3A_785 : (vector<16xf32>, vector<16xf32>, vector<16xi1>) -> (vector<16xi1>, vector<16xf32>, vector<16xf32>)
      %rev3A_789 = arith.constant 15 : i32
      %rev3A_790 = vector.broadcast %rev3A_789 : i32 to vector<16xi32>
      %rev3A_791 = tpu.iota {dimensions = array<i32: 0>} : vector<16xi32>
      %rev3A_792 = arith.subi %rev3A_790, %rev3A_791 : vector<16xi32>
      %rev3A_793 = tpu.dynamic_gather %sort3A_787[%rev3A_792] in [0] : vector<16xf32>, vector<16xi32> -> vector<16xf32>
      %min3A_794 = arith.minimumf %sort3A_783, %rev3A_793 : vector<16xf32>
      %eq3A_795 = arith.constant 13 : i32
      %eq3A_796 = vector.broadcast %eq3A_795 : i32 to vector<16xi32>
      %eq3A_797 = arith.cmpi eq, %iota3A, %eq3A_796 : vector<16xi32>
      %reduce_max3A_798 = arith.constant true
      %reduce_max3A_799 = vector.broadcast %reduce_max3A_798 : i1 to vector<16xi1>
      %reduce_max3A_800 = tpu.scan <max>, %min3A_794 masked %reduce_max3A_799 : vector<16xf32>, vector<16xi1> -> vector<16xf32>
      %reduce_max3A_801 = vector.extract %reduce_max3A_800[15] : f32 from vector<16xf32>
      %broadcast_in_dim3A_802 = vector.broadcast %reduce_max3A_801 : f32 to vector<16xf32>
      %select_n3A_803 = arith.select %eq3A_797, %broadcast_in_dim3A_802, %select_n3A_762 : vector<16xi1>, vector<16xf32>
      %mul3A_804 = arith.constant 8 : i32
      %mul3A_805 = arith.muli %add3A_527, %mul3A_804 : i32
      %add3A_806 = arith.constant 6 : i32
      %add3A_807 = arith.addi %mul3A_805, %add3A_806 : i32
      %mul3A_808 = arith.constant 32 : i32
      %mul3A_809 = arith.muli %add3A_807, %mul3A_808 : i32
      %get3A_810 = arith.index_cast %mul3A_809 : i32 to index
      %get3A_811 = tpu.vector_load %arg8[%get3A_810] {strides = array<i32>} : memref<16384xi32, #tpu.memory_space<vmem>>, vector<16xi32>,
      %mul3A_812 = arith.constant 32 : i32
      %mul3A_813 = arith.muli %add3A_807, %mul3A_812 : i32
      %add3A_814 = arith.constant 16 : i32
      %add3A_815 = arith.addi %mul3A_813, %add3A_814 : i32
      %get3A_816 = arith.index_cast %add3A_815 : i32 to index
      %get3A_817 = tpu.vector_load %arg8[%get3A_816] {strides = array<i32>} : memref<16384xi32, #tpu.memory_space<vmem>>, vector<16xi32>,
      %broadcast_in_dim3A_818 = arith.constant 6 : i32
      %broadcast_in_dim3A_819 = vector.broadcast %broadcast_in_dim3A_818 : i32 to vector<16xi32>
      %gather3A_820 = tpu.vector_load_idx %arg10[%broadcast_in_dim3A_819, %get3A_811] : memref<8x2048xf32, #tpu.memory_space<vmem>>[vector<16xi32>, vector<16xi32>], vector<16xf32>,
      %gather3A_821 = tpu.vector_load_idx %arg10[%broadcast_in_dim3A_819, %get3A_817] : memref<8x2048xf32, #tpu.memory_space<vmem>>[vector<16xi32>, vector<16xi32>], vector<16xf32>,
      %sort3A_822 = arith.constant dense<true> : vector<16xi1>
      %sort3A_823, %sort3A_824, %sort3A_825 = tpu.sort %gather3A_820, %gather3A_820 masked %sort3A_822 : (vector<16xf32>, vector<16xf32>, vector<16xi1>) -> (vector<16xi1>, vector<16xf32>, vector<16xf32>)
      %sort3A_826 = arith.constant dense<true> : vector<16xi1>
      %sort3A_827, %sort3A_828, %sort3A_829 = tpu.sort %gather3A_821, %gather3A_821 masked %sort3A_826 : (vector<16xf32>, vector<16xf32>, vector<16xi1>) -> (vector<16xi1>, vector<16xf32>, vector<16xf32>)
      %rev3A_830 = arith.constant 15 : i32
      %rev3A_831 = vector.broadcast %rev3A_830 : i32 to vector<16xi32>
      %rev3A_832 = tpu.iota {dimensions = array<i32: 0>} : vector<16xi32>
      %rev3A_833 = arith.subi %rev3A_831, %rev3A_832 : vector<16xi32>
      %rev3A_834 = tpu.dynamic_gather %sort3A_828[%rev3A_833] in [0] : vector<16xf32>, vector<16xi32> -> vector<16xf32>
      %min3A_835 = arith.minimumf %sort3A_824, %rev3A_834 : vector<16xf32>
      %eq3A_836 = arith.constant 14 : i32
      %eq3A_837 = vector.broadcast %eq3A_836 : i32 to vector<16xi32>
      %eq3A_838 = arith.cmpi eq, %iota3A, %eq3A_837 : vector<16xi32>
      %reduce_max3A_839 = arith.constant true
      %reduce_max3A_840 = vector.broadcast %reduce_max3A_839 : i1 to vector<16xi1>
      %reduce_max3A_841 = tpu.scan <max>, %min3A_835 masked %reduce_max3A_840 : vector<16xf32>, vector<16xi1> -> vector<16xf32>
      %reduce_max3A_842 = vector.extract %reduce_max3A_841[15] : f32 from vector<16xf32>
      %broadcast_in_dim3A_843 = vector.broadcast %reduce_max3A_842 : f32 to vector<16xf32>
      %select_n3A_844 = arith.select %eq3A_838, %broadcast_in_dim3A_843, %select_n3A_803 : vector<16xi1>, vector<16xf32>
      %mul3A_845 = arith.constant 8 : i32
      %mul3A_846 = arith.muli %add3A_527, %mul3A_845 : i32
      %add3A_847 = arith.constant 7 : i32
      %add3A_848 = arith.addi %mul3A_846, %add3A_847 : i32
      %mul3A_849 = arith.constant 32 : i32
      %mul3A_850 = arith.muli %add3A_848, %mul3A_849 : i32
      %get3A_851 = arith.index_cast %mul3A_850 : i32 to index
      %get3A_852 = tpu.vector_load %arg8[%get3A_851] {strides = array<i32>} : memref<16384xi32, #tpu.memory_space<vmem>>, vector<16xi32>,
      %mul3A_853 = arith.constant 32 : i32
      %mul3A_854 = arith.muli %add3A_848, %mul3A_853 : i32
      %add3A_855 = arith.constant 16 : i32
      %add3A_856 = arith.addi %mul3A_854, %add3A_855 : i32
      %get3A_857 = arith.index_cast %add3A_856 : i32 to index
      %get3A_858 = tpu.vector_load %arg8[%get3A_857] {strides = array<i32>} : memref<16384xi32, #tpu.memory_space<vmem>>, vector<16xi32>,
      %broadcast_in_dim3A_859 = arith.constant 7 : i32
      %broadcast_in_dim3A_860 = vector.broadcast %broadcast_in_dim3A_859 : i32 to vector<16xi32>
      %gather3A_861 = tpu.vector_load_idx %arg10[%broadcast_in_dim3A_860, %get3A_852] : memref<8x2048xf32, #tpu.memory_space<vmem>>[vector<16xi32>, vector<16xi32>], vector<16xf32>,
      %gather3A_862 = tpu.vector_load_idx %arg10[%broadcast_in_dim3A_860, %get3A_858] : memref<8x2048xf32, #tpu.memory_space<vmem>>[vector<16xi32>, vector<16xi32>], vector<16xf32>,
      %sort3A_863 = arith.constant dense<true> : vector<16xi1>
      %sort3A_864, %sort3A_865, %sort3A_866 = tpu.sort %gather3A_861, %gather3A_861 masked %sort3A_863 : (vector<16xf32>, vector<16xf32>, vector<16xi1>) -> (vector<16xi1>, vector<16xf32>, vector<16xf32>)
      %sort3A_867 = arith.constant dense<true> : vector<16xi1>
      %sort3A_868, %sort3A_869, %sort3A_870 = tpu.sort %gather3A_862, %gather3A_862 masked %sort3A_867 : (vector<16xf32>, vector<16xf32>, vector<16xi1>) -> (vector<16xi1>, vector<16xf32>, vector<16xf32>)
      %rev3A_871 = arith.constant 15 : i32
      %rev3A_872 = vector.broadcast %rev3A_871 : i32 to vector<16xi32>
      %rev3A_873 = tpu.iota {dimensions = array<i32: 0>} : vector<16xi32>
      %rev3A_874 = arith.subi %rev3A_872, %rev3A_873 : vector<16xi32>
      %rev3A_875 = tpu.dynamic_gather %sort3A_869[%rev3A_874] in [0] : vector<16xf32>, vector<16xi32> -> vector<16xf32>
      %min3A_876 = arith.minimumf %sort3A_865, %rev3A_875 : vector<16xf32>
      %eq3A_877 = arith.constant 15 : i32
      %eq3A_878 = vector.broadcast %eq3A_877 : i32 to vector<16xi32>
      %eq3A_879 = arith.cmpi eq, %iota3A, %eq3A_878 : vector<16xi32>
      %reduce_max3A_880 = arith.constant true
      %reduce_max3A_881 = vector.broadcast %reduce_max3A_880 : i1 to vector<16xi1>
      %reduce_max3A_882 = tpu.scan <max>, %min3A_876 masked %reduce_max3A_881 : vector<16xf32>, vector<16xi1> -> vector<16xf32>
      %reduce_max3A_883 = vector.extract %reduce_max3A_882[15] : f32 from vector<16xf32>
      %broadcast_in_dim3A_884 = vector.broadcast %reduce_max3A_883 : f32 to vector<16xf32>
      %select_n3A_885 = arith.select %eq3A_879, %broadcast_in_dim3A_884, %select_n3A_844 : vector<16xi1>, vector<16xf32>
      %add3A_886 = arith.constant 4 : i32
      %add3A_887 = arith.addi %add3A_527, %add3A_886 : i32
      %lt3A_888 = arith.constant 64 : i32
      %lt3A_889 = arith.cmpi slt, %add3A_887, %lt3A_888 : i32
      %convert_element_type3A_890 = arith.extui %lt3A_889 : i1 to i32
      %cond3A_891 = arith.constant 0 : i32
      %cond3A_892 = arith.cmpi ne, %convert_element_type3A_890, %cond3A_891 : i32
      scf.if %cond3A_892 {
        %add3A_1650 = arith.constant 4 : i32
        %add3A_1651 = arith.addi %add3A_527, %add3A_1650 : i32
        %mul3A_1652 = arith.constant 8 : i32
        %mul3A_1653 = arith.muli %add3A_1651, %mul3A_1652 : i32
        %add3A_1654 = arith.addi %sub3A_21, %mul3A_1653 : i32
        %dma_start3A_1655 = arith.constant 0 : i32
        %dma_start3A_1656 = arith.constant 0 : i32
        %dma_start3A_1657 = tpu.memref_slice %arg10[%dma_start3A_1655, %dma_start3A_1656] : memref<8x2048xf32, #tpu.memory_space<vmem>> -> memref<8x1024xf32, #tpu.memory_space<vmem>>
        %dma_start3A_1658 = arith.constant 0 : i32
        %dma_start3A_1659 = tpu.memref_slice %arg2[%select_n3A, %add3A_1654, %dma_start3A_1658] : memref<8x2048x2048xf32, #tpu.memory_space<hbm>> -> memref<1x8x1024xf32, #tpu.memory_space<hbm>>
        %dma_start3A_1660 = tpu.memref_squeeze %dma_start3A_1659 : memref<1x8x1024xf32, #tpu.memory_space<hbm>> -> memref<8x1024xf32, #tpu.memory_space<hbm>>
        %dma_start3A_1661 = arith.constant 0 : i32
        %dma_start3A_1662 = arith.constant 0 : i32
        %dma_start3A_1663 = tpu.memref_slice %arg10[%dma_start3A_1661, %dma_start3A_1662] : memref<8x2048xf32, #tpu.memory_space<vmem>> -> memref<8x1024xf32, #tpu.memory_space<vmem>>
        %dma_start3A_1664 = arith.constant 0 : i32
        %dma_start3A_1665 = tpu.memref_slice %arg2[%select_n3A, %add3A_1654, %dma_start3A_1664] : memref<8x2048x2048xf32, #tpu.memory_space<hbm>> -> memref<1x8x1024xf32, #tpu.memory_space<hbm>>
        %dma_start3A_1666 = tpu.memref_squeeze %dma_start3A_1665 : memref<1x8x1024xf32, #tpu.memory_space<hbm>> -> memref<8x1024xf32, #tpu.memory_space<hbm>>
        tpu.enqueue_dma source(%dma_start3A_1666 : memref<8x1024xf32, #tpu.memory_space<hbm>>) target(%dma_start3A_1663 : memref<8x1024xf32, #tpu.memory_space<vmem>>) target_semaphore(%arg18 : memref<!tpu.dma_semaphore, #tpu.memory_space<semaphore_mem>>)
        %mul3A_1667 = arith.constant 8 : i32
        %mul3A_1668 = arith.muli %add3A_1651, %mul3A_1667 : i32
        %add3A_1669 = arith.addi %sub3A_21, %mul3A_1668 : i32
        %dma_start3A_1670 = arith.constant 0 : i32
        %dma_start3A_1671 = arith.constant 1024 : i32
        %dma_start3A_1672 = tpu.memref_slice %arg10[%dma_start3A_1670, %dma_start3A_1671] : memref<8x2048xf32, #tpu.memory_space<vmem>> -> memref<8x1024xf32, #tpu.memory_space<vmem>>
        %dma_start3A_1673 = arith.constant 1024 : i32
        %dma_start3A_1674 = tpu.memref_slice %arg2[%select_n3A, %add3A_1669, %dma_start3A_1673] : memref<8x2048x2048xf32, #tpu.memory_space<hbm>> -> memref<1x8x1024xf32, #tpu.memory_space<hbm>>
        %dma_start3A_1675 = tpu.memref_squeeze %dma_start3A_1674 : memref<1x8x1024xf32, #tpu.memory_space<hbm>> -> memref<8x1024xf32, #tpu.memory_space<hbm>>
        %dma_start3A_1676 = arith.constant 0 : i32
        %dma_start3A_1677 = arith.constant 1024 : i32
        %dma_start3A_1678 = tpu.memref_slice %arg10[%dma_start3A_1676, %dma_start3A_1677] : memref<8x2048xf32, #tpu.memory_space<vmem>> -> memref<8x1024xf32, #tpu.memory_space<vmem>>
        %dma_start3A_1679 = arith.constant 1024 : i32
        %dma_start3A_1680 = tpu.memref_slice %arg2[%select_n3A, %add3A_1669, %dma_start3A_1679] : memref<8x2048x2048xf32, #tpu.memory_space<hbm>> -> memref<1x8x1024xf32, #tpu.memory_space<hbm>>
        %dma_start3A_1681 = tpu.memref_squeeze %dma_start3A_1680 : memref<1x8x1024xf32, #tpu.memory_space<hbm>> -> memref<8x1024xf32, #tpu.memory_space<hbm>>
        tpu.enqueue_dma source(%dma_start3A_1681 : memref<8x1024xf32, #tpu.memory_space<hbm>>) target(%dma_start3A_1678 : memref<8x1024xf32, #tpu.memory_space<vmem>>) target_semaphore(%arg18 : memref<!tpu.dma_semaphore, #tpu.memory_space<semaphore_mem>>)
      } else {
      }
      %mul3A_893 = arith.constant 2 : i32
      %mul3A_894 = arith.muli %scan3A_164, %mul3A_893 : i32
      %add3A_895 = arith.constant 0 : i32
      %add3A_896 = arith.addi %mul3A_894, %add3A_895 : i32
      %mul3A_897 = arith.constant 16 : i32
      %mul3A_898 = arith.muli %add3A_896, %mul3A_897 : i32
      %swap3A = arith.index_cast %mul3A_898 : i32 to index
      %swap3A_899 = tpu.vector_load %arg15[%swap3A] {strides = array<i32>} : memref<512xf32, #tpu.memory_space<vmem>>, vector<16xf32>,
      tpu.vector_store %arg15[%swap3A], %select_n3A_885 {strides = array<i32>} : memref<512xf32, #tpu.memory_space<vmem>>, vector<16xf32>,
      %broadcast_in_dim3A_900 = arith.constant 0.000000e+00 : f32
      %broadcast_in_dim3A_901 = vector.broadcast %broadcast_in_dim3A_900 : f32 to vector<16xf32>
      %mul3A_902 = arith.constant 4 : i32
      %mul3A_903 = arith.muli %scan3A_164, %mul3A_902 : i32
      %add3A_904 = arith.constant 2 : i32
      %add3A_905 = arith.addi %mul3A_903, %add3A_904 : i32
      %mul3A_906 = arith.constant 8 : i32
      %mul3A_907 = arith.muli %add3A_905, %mul3A_906 : i32
      %add3A_908 = arith.addi %sub3A_21, %mul3A_907 : i32
      %dma_wait3A_909 = arith.constant 0 : i32
      %dma_wait3A_910 = arith.constant 0 : i32
      %dma_wait3A_911 = tpu.memref_slice %arg11[%dma_wait3A_909, %dma_wait3A_910] : memref<8x2048xf32, #tpu.memory_space<vmem>> -> memref<8x1024xf32, #tpu.memory_space<vmem>>
      %dma_wait3A_912 = arith.constant 0 : i32
      %dma_wait3A_913 = tpu.memref_slice %arg2[%select_n3A, %add3A_908, %dma_wait3A_912] : memref<8x2048x2048xf32, #tpu.memory_space<hbm>> -> memref<1x8x1024xf32, #tpu.memory_space<hbm>>
      %dma_wait3A_914 = tpu.memref_squeeze %dma_wait3A_913 : memref<1x8x1024xf32, #tpu.memory_space<hbm>> -> memref<8x1024xf32, #tpu.memory_space<hbm>>
      %dma_wait3A_915 = arith.constant 0 : i32
      %dma_wait3A_916 = arith.constant 0 : i32
      %dma_wait3A_917 = tpu.memref_slice %arg11[%dma_wait3A_915, %dma_wait3A_916] : memref<8x2048xf32, #tpu.memory_space<vmem>> -> memref<8x1024xf32, #tpu.memory_space<vmem>>
      %dma_wait3A_918 = arith.constant 0 : i32
      %dma_wait3A_919 = tpu.memref_slice %arg2[%select_n3A, %add3A_908, %dma_wait3A_918] : memref<8x2048x2048xf32, #tpu.memory_space<hbm>> -> memref<1x8x1024xf32, #tpu.memory_space<hbm>>
      %dma_wait3A_920 = tpu.memref_squeeze %dma_wait3A_919 : memref<1x8x1024xf32, #tpu.memory_space<hbm>> -> memref<8x1024xf32, #tpu.memory_space<hbm>>
      tpu.wait_dma2 semaphore(%arg19 : memref<!tpu.dma_semaphore, #tpu.memory_space<semaphore_mem>>) src(%dma_wait3A_920 : memref<8x1024xf32, #tpu.memory_space<hbm>>) dst(%dma_wait3A_917 : memref<8x1024xf32, #tpu.memory_space<vmem>>)
      %mul3A_921 = arith.constant 8 : i32
      %mul3A_922 = arith.muli %add3A_905, %mul3A_921 : i32
      %add3A_923 = arith.addi %sub3A_21, %mul3A_922 : i32
      %dma_wait3A_924 = arith.constant 0 : i32
      %dma_wait3A_925 = arith.constant 1024 : i32
      %dma_wait3A_926 = tpu.memref_slice %arg11[%dma_wait3A_924, %dma_wait3A_925] : memref<8x2048xf32, #tpu.memory_space<vmem>> -> memref<8x1024xf32, #tpu.memory_space<vmem>>
      %dma_wait3A_927 = arith.constant 1024 : i32
      %dma_wait3A_928 = tpu.memref_slice %arg2[%select_n3A, %add3A_923, %dma_wait3A_927] : memref<8x2048x2048xf32, #tpu.memory_space<hbm>> -> memref<1x8x1024xf32, #tpu.memory_space<hbm>>
      %dma_wait3A_929 = tpu.memref_squeeze %dma_wait3A_928 : memref<1x8x1024xf32, #tpu.memory_space<hbm>> -> memref<8x1024xf32, #tpu.memory_space<hbm>>
      %dma_wait3A_930 = arith.constant 0 : i32
      %dma_wait3A_931 = arith.constant 1024 : i32
      %dma_wait3A_932 = tpu.memref_slice %arg11[%dma_wait3A_930, %dma_wait3A_931] : memref<8x2048xf32, #tpu.memory_space<vmem>> -> memref<8x1024xf32, #tpu.memory_space<vmem>>
      %dma_wait3A_933 = arith.constant 1024 : i32
      %dma_wait3A_934 = tpu.memref_slice %arg2[%select_n3A, %add3A_923, %dma_wait3A_933] : memref<8x2048x2048xf32, #tpu.memory_space<hbm>> -> memref<1x8x1024xf32, #tpu.memory_space<hbm>>
      %dma_wait3A_935 = tpu.memref_squeeze %dma_wait3A_934 : memref<1x8x1024xf32, #tpu.memory_space<hbm>> -> memref<8x1024xf32, #tpu.memory_space<hbm>>
      tpu.wait_dma2 semaphore(%arg19 : memref<!tpu.dma_semaphore, #tpu.memory_space<semaphore_mem>>) src(%dma_wait3A_935 : memref<8x1024xf32, #tpu.memory_space<hbm>>) dst(%dma_wait3A_932 : memref<8x1024xf32, #tpu.memory_space<vmem>>)
      %mul3A_936 = arith.constant 8 : i32
      %mul3A_937 = arith.muli %add3A_905, %mul3A_936 : i32
      %add3A_938 = arith.constant 0 : i32
      %add3A_939 = arith.addi %mul3A_937, %add3A_938 : i32
      %mul3A_940 = arith.constant 32 : i32
      %mul3A_941 = arith.muli %add3A_939, %mul3A_940 : i32
      %get3A_942 = arith.index_cast %mul3A_941 : i32 to index
      %get3A_943 = tpu.vector_load %arg8[%get3A_942] {strides = array<i32>} : memref<16384xi32, #tpu.memory_space<vmem>>, vector<16xi32>,
      %mul3A_944 = arith.constant 32 : i32
      %mul3A_945 = arith.muli %add3A_939, %mul3A_944 : i32
      %add3A_946 = arith.constant 16 : i32
      %add3A_947 = arith.addi %mul3A_945, %add3A_946 : i32
      %get3A_948 = arith.index_cast %add3A_947 : i32 to index
      %get3A_949 = tpu.vector_load %arg8[%get3A_948] {strides = array<i32>} : memref<16384xi32, #tpu.memory_space<vmem>>, vector<16xi32>,
      %broadcast_in_dim3A_950 = arith.constant 0 : i32
      %broadcast_in_dim3A_951 = vector.broadcast %broadcast_in_dim3A_950 : i32 to vector<16xi32>
      %gather3A_952 = tpu.vector_load_idx %arg11[%broadcast_in_dim3A_951, %get3A_943] : memref<8x2048xf32, #tpu.memory_space<vmem>>[vector<16xi32>, vector<16xi32>], vector<16xf32>,
      %gather3A_953 = tpu.vector_load_idx %arg11[%broadcast_in_dim3A_951, %get3A_949] : memref<8x2048xf32, #tpu.memory_space<vmem>>[vector<16xi32>, vector<16xi32>], vector<16xf32>,
      %sort3A_954 = arith.constant dense<true> : vector<16xi1>
      %sort3A_955, %sort3A_956, %sort3A_957 = tpu.sort %gather3A_952, %gather3A_952 masked %sort3A_954 : (vector<16xf32>, vector<16xf32>, vector<16xi1>) -> (vector<16xi1>, vector<16xf32>, vector<16xf32>)
      %sort3A_958 = arith.constant dense<true> : vector<16xi1>
      %sort3A_959, %sort3A_960, %sort3A_961 = tpu.sort %gather3A_953, %gather3A_953 masked %sort3A_958 : (vector<16xf32>, vector<16xf32>, vector<16xi1>) -> (vector<16xi1>, vector<16xf32>, vector<16xf32>)
      %rev3A_962 = arith.constant 15 : i32
      %rev3A_963 = vector.broadcast %rev3A_962 : i32 to vector<16xi32>
      %rev3A_964 = tpu.iota {dimensions = array<i32: 0>} : vector<16xi32>
      %rev3A_965 = arith.subi %rev3A_963, %rev3A_964 : vector<16xi32>
      %rev3A_966 = tpu.dynamic_gather %sort3A_960[%rev3A_965] in [0] : vector<16xf32>, vector<16xi32> -> vector<16xf32>
      %min3A_967 = arith.minimumf %sort3A_956, %rev3A_966 : vector<16xf32>
      %eq3A_968 = arith.constant 0 : i32
      %eq3A_969 = vector.broadcast %eq3A_968 : i32 to vector<16xi32>
      %eq3A_970 = arith.cmpi eq, %iota3A, %eq3A_969 : vector<16xi32>
      %reduce_max3A_971 = arith.constant true
      %reduce_max3A_972 = vector.broadcast %reduce_max3A_971 : i1 to vector<16xi1>
      %reduce_max3A_973 = tpu.scan <max>, %min3A_967 masked %reduce_max3A_972 : vector<16xf32>, vector<16xi1> -> vector<16xf32>
      %reduce_max3A_974 = vector.extract %reduce_max3A_973[15] : f32 from vector<16xf32>
      %broadcast_in_dim3A_975 = vector.broadcast %reduce_max3A_974 : f32 to vector<16xf32>
      %select_n3A_976 = arith.select %eq3A_970, %broadcast_in_dim3A_975, %broadcast_in_dim3A_901 : vector<16xi1>, vector<16xf32>
      %mul3A_977 = arith.constant 8 : i32
      %mul3A_978 = arith.muli %add3A_905, %mul3A_977 : i32
      %add3A_979 = arith.constant 1 : i32
      %add3A_980 = arith.addi %mul3A_978, %add3A_979 : i32
      %mul3A_981 = arith.constant 32 : i32
      %mul3A_982 = arith.muli %add3A_980, %mul3A_981 : i32
      %get3A_983 = arith.index_cast %mul3A_982 : i32 to index
      %get3A_984 = tpu.vector_load %arg8[%get3A_983] {strides = array<i32>} : memref<16384xi32, #tpu.memory_space<vmem>>, vector<16xi32>,
      %mul3A_985 = arith.constant 32 : i32
      %mul3A_986 = arith.muli %add3A_980, %mul3A_985 : i32
      %add3A_987 = arith.constant 16 : i32
      %add3A_988 = arith.addi %mul3A_986, %add3A_987 : i32
      %get3A_989 = arith.index_cast %add3A_988 : i32 to index
      %get3A_990 = tpu.vector_load %arg8[%get3A_989] {strides = array<i32>} : memref<16384xi32, #tpu.memory_space<vmem>>, vector<16xi32>,
      %broadcast_in_dim3A_991 = arith.constant 1 : i32
      %broadcast_in_dim3A_992 = vector.broadcast %broadcast_in_dim3A_991 : i32 to vector<16xi32>
      %gather3A_993 = tpu.vector_load_idx %arg11[%broadcast_in_dim3A_992, %get3A_984] : memref<8x2048xf32, #tpu.memory_space<vmem>>[vector<16xi32>, vector<16xi32>], vector<16xf32>,
      %gather3A_994 = tpu.vector_load_idx %arg11[%broadcast_in_dim3A_992, %get3A_990] : memref<8x2048xf32, #tpu.memory_space<vmem>>[vector<16xi32>, vector<16xi32>], vector<16xf32>,
      %sort3A_995 = arith.constant dense<true> : vector<16xi1>
      %sort3A_996, %sort3A_997, %sort3A_998 = tpu.sort %gather3A_993, %gather3A_993 masked %sort3A_995 : (vector<16xf32>, vector<16xf32>, vector<16xi1>) -> (vector<16xi1>, vector<16xf32>, vector<16xf32>)
      %sort3A_999 = arith.constant dense<true> : vector<16xi1>
      %sort3A_1000, %sort3A_1001, %sort3A_1002 = tpu.sort %gather3A_994, %gather3A_994 masked %sort3A_999 : (vector<16xf32>, vector<16xf32>, vector<16xi1>) -> (vector<16xi1>, vector<16xf32>, vector<16xf32>)
      %rev3A_1003 = arith.constant 15 : i32
      %rev3A_1004 = vector.broadcast %rev3A_1003 : i32 to vector<16xi32>
      %rev3A_1005 = tpu.iota {dimensions = array<i32: 0>} : vector<16xi32>
      %rev3A_1006 = arith.subi %rev3A_1004, %rev3A_1005 : vector<16xi32>
      %rev3A_1007 = tpu.dynamic_gather %sort3A_1001[%rev3A_1006] in [0] : vector<16xf32>, vector<16xi32> -> vector<16xf32>
      %min3A_1008 = arith.minimumf %sort3A_997, %rev3A_1007 : vector<16xf32>
      %eq3A_1009 = arith.constant 1 : i32
      %eq3A_1010 = vector.broadcast %eq3A_1009 : i32 to vector<16xi32>
      %eq3A_1011 = arith.cmpi eq, %iota3A, %eq3A_1010 : vector<16xi32>
      %reduce_max3A_1012 = arith.constant true
      %reduce_max3A_1013 = vector.broadcast %reduce_max3A_1012 : i1 to vector<16xi1>
      %reduce_max3A_1014 = tpu.scan <max>, %min3A_1008 masked %reduce_max3A_1013 : vector<16xf32>, vector<16xi1> -> vector<16xf32>
      %reduce_max3A_1015 = vector.extract %reduce_max3A_1014[15] : f32 from vector<16xf32>
      %broadcast_in_dim3A_1016 = vector.broadcast %reduce_max3A_1015 : f32 to vector<16xf32>
      %select_n3A_1017 = arith.select %eq3A_1011, %broadcast_in_dim3A_1016, %select_n3A_976 : vector<16xi1>, vector<16xf32>
      %mul3A_1018 = arith.constant 8 : i32
      %mul3A_1019 = arith.muli %add3A_905, %mul3A_1018 : i32
      %add3A_1020 = arith.constant 2 : i32
      %add3A_1021 = arith.addi %mul3A_1019, %add3A_1020 : i32
      %mul3A_1022 = arith.constant 32 : i32
      %mul3A_1023 = arith.muli %add3A_1021, %mul3A_1022 : i32
      %get3A_1024 = arith.index_cast %mul3A_1023 : i32 to index
      %get3A_1025 = tpu.vector_load %arg8[%get3A_1024] {strides = array<i32>} : memref<16384xi32, #tpu.memory_space<vmem>>, vector<16xi32>,
      %mul3A_1026 = arith.constant 32 : i32
      %mul3A_1027 = arith.muli %add3A_1021, %mul3A_1026 : i32
      %add3A_1028 = arith.constant 16 : i32
      %add3A_1029 = arith.addi %mul3A_1027, %add3A_1028 : i32
      %get3A_1030 = arith.index_cast %add3A_1029 : i32 to index
      %get3A_1031 = tpu.vector_load %arg8[%get3A_1030] {strides = array<i32>} : memref<16384xi32, #tpu.memory_space<vmem>>, vector<16xi32>,
      %broadcast_in_dim3A_1032 = arith.constant 2 : i32
      %broadcast_in_dim3A_1033 = vector.broadcast %broadcast_in_dim3A_1032 : i32 to vector<16xi32>
      %gather3A_1034 = tpu.vector_load_idx %arg11[%broadcast_in_dim3A_1033, %get3A_1025] : memref<8x2048xf32, #tpu.memory_space<vmem>>[vector<16xi32>, vector<16xi32>], vector<16xf32>,
      %gather3A_1035 = tpu.vector_load_idx %arg11[%broadcast_in_dim3A_1033, %get3A_1031] : memref<8x2048xf32, #tpu.memory_space<vmem>>[vector<16xi32>, vector<16xi32>], vector<16xf32>,
      %sort3A_1036 = arith.constant dense<true> : vector<16xi1>
      %sort3A_1037, %sort3A_1038, %sort3A_1039 = tpu.sort %gather3A_1034, %gather3A_1034 masked %sort3A_1036 : (vector<16xf32>, vector<16xf32>, vector<16xi1>) -> (vector<16xi1>, vector<16xf32>, vector<16xf32>)
      %sort3A_1040 = arith.constant dense<true> : vector<16xi1>
      %sort3A_1041, %sort3A_1042, %sort3A_1043 = tpu.sort %gather3A_1035, %gather3A_1035 masked %sort3A_1040 : (vector<16xf32>, vector<16xf32>, vector<16xi1>) -> (vector<16xi1>, vector<16xf32>, vector<16xf32>)
      %rev3A_1044 = arith.constant 15 : i32
      %rev3A_1045 = vector.broadcast %rev3A_1044 : i32 to vector<16xi32>
      %rev3A_1046 = tpu.iota {dimensions = array<i32: 0>} : vector<16xi32>
      %rev3A_1047 = arith.subi %rev3A_1045, %rev3A_1046 : vector<16xi32>
      %rev3A_1048 = tpu.dynamic_gather %sort3A_1042[%rev3A_1047] in [0] : vector<16xf32>, vector<16xi32> -> vector<16xf32>
      %min3A_1049 = arith.minimumf %sort3A_1038, %rev3A_1048 : vector<16xf32>
      %eq3A_1050 = arith.constant 2 : i32
      %eq3A_1051 = vector.broadcast %eq3A_1050 : i32 to vector<16xi32>
      %eq3A_1052 = arith.cmpi eq, %iota3A, %eq3A_1051 : vector<16xi32>
      %reduce_max3A_1053 = arith.constant true
      %reduce_max3A_1054 = vector.broadcast %reduce_max3A_1053 : i1 to vector<16xi1>
      %reduce_max3A_1055 = tpu.scan <max>, %min3A_1049 masked %reduce_max3A_1054 : vector<16xf32>, vector<16xi1> -> vector<16xf32>
      %reduce_max3A_1056 = vector.extract %reduce_max3A_1055[15] : f32 from vector<16xf32>
      %broadcast_in_dim3A_1057 = vector.broadcast %reduce_max3A_1056 : f32 to vector<16xf32>
      %select_n3A_1058 = arith.select %eq3A_1052, %broadcast_in_dim3A_1057, %select_n3A_1017 : vector<16xi1>, vector<16xf32>
      %mul3A_1059 = arith.constant 8 : i32
      %mul3A_1060 = arith.muli %add3A_905, %mul3A_1059 : i32
      %add3A_1061 = arith.constant 3 : i32
      %add3A_1062 = arith.addi %mul3A_1060, %add3A_1061 : i32
      %mul3A_1063 = arith.constant 32 : i32
      %mul3A_1064 = arith.muli %add3A_1062, %mul3A_1063 : i32
      %get3A_1065 = arith.index_cast %mul3A_1064 : i32 to index
      %get3A_1066 = tpu.vector_load %arg8[%get3A_1065] {strides = array<i32>} : memref<16384xi32, #tpu.memory_space<vmem>>, vector<16xi32>,
      %mul3A_1067 = arith.constant 32 : i32
      %mul3A_1068 = arith.muli %add3A_1062, %mul3A_1067 : i32
      %add3A_1069 = arith.constant 16 : i32
      %add3A_1070 = arith.addi %mul3A_1068, %add3A_1069 : i32
      %get3A_1071 = arith.index_cast %add3A_1070 : i32 to index
      %get3A_1072 = tpu.vector_load %arg8[%get3A_1071] {strides = array<i32>} : memref<16384xi32, #tpu.memory_space<vmem>>, vector<16xi32>,
      %broadcast_in_dim3A_1073 = arith.constant 3 : i32
      %broadcast_in_dim3A_1074 = vector.broadcast %broadcast_in_dim3A_1073 : i32 to vector<16xi32>
      %gather3A_1075 = tpu.vector_load_idx %arg11[%broadcast_in_dim3A_1074, %get3A_1066] : memref<8x2048xf32, #tpu.memory_space<vmem>>[vector<16xi32>, vector<16xi32>], vector<16xf32>,
      %gather3A_1076 = tpu.vector_load_idx %arg11[%broadcast_in_dim3A_1074, %get3A_1072] : memref<8x2048xf32, #tpu.memory_space<vmem>>[vector<16xi32>, vector<16xi32>], vector<16xf32>,
      %sort3A_1077 = arith.constant dense<true> : vector<16xi1>
      %sort3A_1078, %sort3A_1079, %sort3A_1080 = tpu.sort %gather3A_1075, %gather3A_1075 masked %sort3A_1077 : (vector<16xf32>, vector<16xf32>, vector<16xi1>) -> (vector<16xi1>, vector<16xf32>, vector<16xf32>)
      %sort3A_1081 = arith.constant dense<true> : vector<16xi1>
      %sort3A_1082, %sort3A_1083, %sort3A_1084 = tpu.sort %gather3A_1076, %gather3A_1076 masked %sort3A_1081 : (vector<16xf32>, vector<16xf32>, vector<16xi1>) -> (vector<16xi1>, vector<16xf32>, vector<16xf32>)
      %rev3A_1085 = arith.constant 15 : i32
      %rev3A_1086 = vector.broadcast %rev3A_1085 : i32 to vector<16xi32>
      %rev3A_1087 = tpu.iota {dimensions = array<i32: 0>} : vector<16xi32>
      %rev3A_1088 = arith.subi %rev3A_1086, %rev3A_1087 : vector<16xi32>
      %rev3A_1089 = tpu.dynamic_gather %sort3A_1083[%rev3A_1088] in [0] : vector<16xf32>, vector<16xi32> -> vector<16xf32>
      %min3A_1090 = arith.minimumf %sort3A_1079, %rev3A_1089 : vector<16xf32>
      %eq3A_1091 = arith.constant 3 : i32
      %eq3A_1092 = vector.broadcast %eq3A_1091 : i32 to vector<16xi32>
      %eq3A_1093 = arith.cmpi eq, %iota3A, %eq3A_1092 : vector<16xi32>
      %reduce_max3A_1094 = arith.constant true
      %reduce_max3A_1095 = vector.broadcast %reduce_max3A_1094 : i1 to vector<16xi1>
      %reduce_max3A_1096 = tpu.scan <max>, %min3A_1090 masked %reduce_max3A_1095 : vector<16xf32>, vector<16xi1> -> vector<16xf32>
      %reduce_max3A_1097 = vector.extract %reduce_max3A_1096[15] : f32 from vector<16xf32>
      %broadcast_in_dim3A_1098 = vector.broadcast %reduce_max3A_1097 : f32 to vector<16xf32>
      %select_n3A_1099 = arith.select %eq3A_1093, %broadcast_in_dim3A_1098, %select_n3A_1058 : vector<16xi1>, vector<16xf32>
      %mul3A_1100 = arith.constant 8 : i32
      %mul3A_1101 = arith.muli %add3A_905, %mul3A_1100 : i32
      %add3A_1102 = arith.constant 4 : i32
      %add3A_1103 = arith.addi %mul3A_1101, %add3A_1102 : i32
      %mul3A_1104 = arith.constant 32 : i32
      %mul3A_1105 = arith.muli %add3A_1103, %mul3A_1104 : i32
      %get3A_1106 = arith.index_cast %mul3A_1105 : i32 to index
      %get3A_1107 = tpu.vector_load %arg8[%get3A_1106] {strides = array<i32>} : memref<16384xi32, #tpu.memory_space<vmem>>, vector<16xi32>,
      %mul3A_1108 = arith.constant 32 : i32
      %mul3A_1109 = arith.muli %add3A_1103, %mul3A_1108 : i32
      %add3A_1110 = arith.constant 16 : i32
      %add3A_1111 = arith.addi %mul3A_1109, %add3A_1110 : i32
      %get3A_1112 = arith.index_cast %add3A_1111 : i32 to index
      %get3A_1113 = tpu.vector_load %arg8[%get3A_1112] {strides = array<i32>} : memref<16384xi32, #tpu.memory_space<vmem>>, vector<16xi32>,
      %broadcast_in_dim3A_1114 = arith.constant 4 : i32
      %broadcast_in_dim3A_1115 = vector.broadcast %broadcast_in_dim3A_1114 : i32 to vector<16xi32>
      %gather3A_1116 = tpu.vector_load_idx %arg11[%broadcast_in_dim3A_1115, %get3A_1107] : memref<8x2048xf32, #tpu.memory_space<vmem>>[vector<16xi32>, vector<16xi32>], vector<16xf32>,
      %gather3A_1117 = tpu.vector_load_idx %arg11[%broadcast_in_dim3A_1115, %get3A_1113] : memref<8x2048xf32, #tpu.memory_space<vmem>>[vector<16xi32>, vector<16xi32>], vector<16xf32>,
      %sort3A_1118 = arith.constant dense<true> : vector<16xi1>
      %sort3A_1119, %sort3A_1120, %sort3A_1121 = tpu.sort %gather3A_1116, %gather3A_1116 masked %sort3A_1118 : (vector<16xf32>, vector<16xf32>, vector<16xi1>) -> (vector<16xi1>, vector<16xf32>, vector<16xf32>)
      %sort3A_1122 = arith.constant dense<true> : vector<16xi1>
      %sort3A_1123, %sort3A_1124, %sort3A_1125 = tpu.sort %gather3A_1117, %gather3A_1117 masked %sort3A_1122 : (vector<16xf32>, vector<16xf32>, vector<16xi1>) -> (vector<16xi1>, vector<16xf32>, vector<16xf32>)
      %rev3A_1126 = arith.constant 15 : i32
      %rev3A_1127 = vector.broadcast %rev3A_1126 : i32 to vector<16xi32>
      %rev3A_1128 = tpu.iota {dimensions = array<i32: 0>} : vector<16xi32>
      %rev3A_1129 = arith.subi %rev3A_1127, %rev3A_1128 : vector<16xi32>
      %rev3A_1130 = tpu.dynamic_gather %sort3A_1124[%rev3A_1129] in [0] : vector<16xf32>, vector<16xi32> -> vector<16xf32>
      %min3A_1131 = arith.minimumf %sort3A_1120, %rev3A_1130 : vector<16xf32>
      %eq3A_1132 = arith.constant 4 : i32
      %eq3A_1133 = vector.broadcast %eq3A_1132 : i32 to vector<16xi32>
      %eq3A_1134 = arith.cmpi eq, %iota3A, %eq3A_1133 : vector<16xi32>
      %reduce_max3A_1135 = arith.constant true
      %reduce_max3A_1136 = vector.broadcast %reduce_max3A_1135 : i1 to vector<16xi1>
      %reduce_max3A_1137 = tpu.scan <max>, %min3A_1131 masked %reduce_max3A_1136 : vector<16xf32>, vector<16xi1> -> vector<16xf32>
      %reduce_max3A_1138 = vector.extract %reduce_max3A_1137[15] : f32 from vector<16xf32>
      %broadcast_in_dim3A_1139 = vector.broadcast %reduce_max3A_1138 : f32 to vector<16xf32>
      %select_n3A_1140 = arith.select %eq3A_1134, %broadcast_in_dim3A_1139, %select_n3A_1099 : vector<16xi1>, vector<16xf32>
      %mul3A_1141 = arith.constant 8 : i32
      %mul3A_1142 = arith.muli %add3A_905, %mul3A_1141 : i32
      %add3A_1143 = arith.constant 5 : i32
      %add3A_1144 = arith.addi %mul3A_1142, %add3A_1143 : i32
      %mul3A_1145 = arith.constant 32 : i32
      %mul3A_1146 = arith.muli %add3A_1144, %mul3A_1145 : i32
      %get3A_1147 = arith.index_cast %mul3A_1146 : i32 to index
      %get3A_1148 = tpu.vector_load %arg8[%get3A_1147] {strides = array<i32>} : memref<16384xi32, #tpu.memory_space<vmem>>, vector<16xi32>,
      %mul3A_1149 = arith.constant 32 : i32
      %mul3A_1150 = arith.muli %add3A_1144, %mul3A_1149 : i32
      %add3A_1151 = arith.constant 16 : i32
      %add3A_1152 = arith.addi %mul3A_1150, %add3A_1151 : i32
      %get3A_1153 = arith.index_cast %add3A_1152 : i32 to index
      %get3A_1154 = tpu.vector_load %arg8[%get3A_1153] {strides = array<i32>} : memref<16384xi32, #tpu.memory_space<vmem>>, vector<16xi32>,
      %broadcast_in_dim3A_1155 = arith.constant 5 : i32
      %broadcast_in_dim3A_1156 = vector.broadcast %broadcast_in_dim3A_1155 : i32 to vector<16xi32>
      %gather3A_1157 = tpu.vector_load_idx %arg11[%broadcast_in_dim3A_1156, %get3A_1148] : memref<8x2048xf32, #tpu.memory_space<vmem>>[vector<16xi32>, vector<16xi32>], vector<16xf32>,
      %gather3A_1158 = tpu.vector_load_idx %arg11[%broadcast_in_dim3A_1156, %get3A_1154] : memref<8x2048xf32, #tpu.memory_space<vmem>>[vector<16xi32>, vector<16xi32>], vector<16xf32>,
      %sort3A_1159 = arith.constant dense<true> : vector<16xi1>
      %sort3A_1160, %sort3A_1161, %sort3A_1162 = tpu.sort %gather3A_1157, %gather3A_1157 masked %sort3A_1159 : (vector<16xf32>, vector<16xf32>, vector<16xi1>) -> (vector<16xi1>, vector<16xf32>, vector<16xf32>)
      %sort3A_1163 = arith.constant dense<true> : vector<16xi1>
      %sort3A_1164, %sort3A_1165, %sort3A_1166 = tpu.sort %gather3A_1158, %gather3A_1158 masked %sort3A_1163 : (vector<16xf32>, vector<16xf32>, vector<16xi1>) -> (vector<16xi1>, vector<16xf32>, vector<16xf32>)
      %rev3A_1167 = arith.constant 15 : i32
      %rev3A_1168 = vector.broadcast %rev3A_1167 : i32 to vector<16xi32>
      %rev3A_1169 = tpu.iota {dimensions = array<i32: 0>} : vector<16xi32>
      %rev3A_1170 = arith.subi %rev3A_1168, %rev3A_1169 : vector<16xi32>
      %rev3A_1171 = tpu.dynamic_gather %sort3A_1165[%rev3A_1170] in [0] : vector<16xf32>, vector<16xi32> -> vector<16xf32>
      %min3A_1172 = arith.minimumf %sort3A_1161, %rev3A_1171 : vector<16xf32>
      %eq3A_1173 = arith.constant 5 : i32
      %eq3A_1174 = vector.broadcast %eq3A_1173 : i32 to vector<16xi32>
      %eq3A_1175 = arith.cmpi eq, %iota3A, %eq3A_1174 : vector<16xi32>
      %reduce_max3A_1176 = arith.constant true
      %reduce_max3A_1177 = vector.broadcast %reduce_max3A_1176 : i1 to vector<16xi1>
      %reduce_max3A_1178 = tpu.scan <max>, %min3A_1172 masked %reduce_max3A_1177 : vector<16xf32>, vector<16xi1> -> vector<16xf32>
      %reduce_max3A_1179 = vector.extract %reduce_max3A_1178[15] : f32 from vector<16xf32>
      %broadcast_in_dim3A_1180 = vector.broadcast %reduce_max3A_1179 : f32 to vector<16xf32>
      %select_n3A_1181 = arith.select %eq3A_1175, %broadcast_in_dim3A_1180, %select_n3A_1140 : vector<16xi1>, vector<16xf32>
      %mul3A_1182 = arith.constant 8 : i32
      %mul3A_1183 = arith.muli %add3A_905, %mul3A_1182 : i32
      %add3A_1184 = arith.constant 6 : i32
      %add3A_1185 = arith.addi %mul3A_1183, %add3A_1184 : i32
      %mul3A_1186 = arith.constant 32 : i32
      %mul3A_1187 = arith.muli %add3A_1185, %mul3A_1186 : i32
      %get3A_1188 = arith.index_cast %mul3A_1187 : i32 to index
      %get3A_1189 = tpu.vector_load %arg8[%get3A_1188] {strides = array<i32>} : memref<16384xi32, #tpu.memory_space<vmem>>, vector<16xi32>,
      %mul3A_1190 = arith.constant 32 : i32
      %mul3A_1191 = arith.muli %add3A_1185, %mul3A_1190 : i32
      %add3A_1192 = arith.constant 16 : i32
      %add3A_1193 = arith.addi %mul3A_1191, %add3A_1192 : i32
      %get3A_1194 = arith.index_cast %add3A_1193 : i32 to index
      %get3A_1195 = tpu.vector_load %arg8[%get3A_1194] {strides = array<i32>} : memref<16384xi32, #tpu.memory_space<vmem>>, vector<16xi32>,
      %broadcast_in_dim3A_1196 = arith.constant 6 : i32
      %broadcast_in_dim3A_1197 = vector.broadcast %broadcast_in_dim3A_1196 : i32 to vector<16xi32>
      %gather3A_1198 = tpu.vector_load_idx %arg11[%broadcast_in_dim3A_1197, %get3A_1189] : memref<8x2048xf32, #tpu.memory_space<vmem>>[vector<16xi32>, vector<16xi32>], vector<16xf32>,
      %gather3A_1199 = tpu.vector_load_idx %arg11[%broadcast_in_dim3A_1197, %get3A_1195] : memref<8x2048xf32, #tpu.memory_space<vmem>>[vector<16xi32>, vector<16xi32>], vector<16xf32>,
      %sort3A_1200 = arith.constant dense<true> : vector<16xi1>
      %sort3A_1201, %sort3A_1202, %sort3A_1203 = tpu.sort %gather3A_1198, %gather3A_1198 masked %sort3A_1200 : (vector<16xf32>, vector<16xf32>, vector<16xi1>) -> (vector<16xi1>, vector<16xf32>, vector<16xf32>)
      %sort3A_1204 = arith.constant dense<true> : vector<16xi1>
      %sort3A_1205, %sort3A_1206, %sort3A_1207 = tpu.sort %gather3A_1199, %gather3A_1199 masked %sort3A_1204 : (vector<16xf32>, vector<16xf32>, vector<16xi1>) -> (vector<16xi1>, vector<16xf32>, vector<16xf32>)
      %rev3A_1208 = arith.constant 15 : i32
      %rev3A_1209 = vector.broadcast %rev3A_1208 : i32 to vector<16xi32>
      %rev3A_1210 = tpu.iota {dimensions = array<i32: 0>} : vector<16xi32>
      %rev3A_1211 = arith.subi %rev3A_1209, %rev3A_1210 : vector<16xi32>
      %rev3A_1212 = tpu.dynamic_gather %sort3A_1206[%rev3A_1211] in [0] : vector<16xf32>, vector<16xi32> -> vector<16xf32>
      %min3A_1213 = arith.minimumf %sort3A_1202, %rev3A_1212 : vector<16xf32>
      %eq3A_1214 = arith.constant 6 : i32
      %eq3A_1215 = vector.broadcast %eq3A_1214 : i32 to vector<16xi32>
      %eq3A_1216 = arith.cmpi eq, %iota3A, %eq3A_1215 : vector<16xi32>
      %reduce_max3A_1217 = arith.constant true
      %reduce_max3A_1218 = vector.broadcast %reduce_max3A_1217 : i1 to vector<16xi1>
      %reduce_max3A_1219 = tpu.scan <max>, %min3A_1213 masked %reduce_max3A_1218 : vector<16xf32>, vector<16xi1> -> vector<16xf32>
      %reduce_max3A_1220 = vector.extract %reduce_max3A_1219[15] : f32 from vector<16xf32>
      %broadcast_in_dim3A_1221 = vector.broadcast %reduce_max3A_1220 : f32 to vector<16xf32>
      %select_n3A_1222 = arith.select %eq3A_1216, %broadcast_in_dim3A_1221, %select_n3A_1181 : vector<16xi1>, vector<16xf32>
      %mul3A_1223 = arith.constant 8 : i32
      %mul3A_1224 = arith.muli %add3A_905, %mul3A_1223 : i32
      %add3A_1225 = arith.constant 7 : i32
      %add3A_1226 = arith.addi %mul3A_1224, %add3A_1225 : i32
      %mul3A_1227 = arith.constant 32 : i32
      %mul3A_1228 = arith.muli %add3A_1226, %mul3A_1227 : i32
      %get3A_1229 = arith.index_cast %mul3A_1228 : i32 to index
      %get3A_1230 = tpu.vector_load %arg8[%get3A_1229] {strides = array<i32>} : memref<16384xi32, #tpu.memory_space<vmem>>, vector<16xi32>,
      %mul3A_1231 = arith.constant 32 : i32
      %mul3A_1232 = arith.muli %add3A_1226, %mul3A_1231 : i32
      %add3A_1233 = arith.constant 16 : i32
      %add3A_1234 = arith.addi %mul3A_1232, %add3A_1233 : i32
      %get3A_1235 = arith.index_cast %add3A_1234 : i32 to index
      %get3A_1236 = tpu.vector_load %arg8[%get3A_1235] {strides = array<i32>} : memref<16384xi32, #tpu.memory_space<vmem>>, vector<16xi32>,
      %broadcast_in_dim3A_1237 = arith.constant 7 : i32
      %broadcast_in_dim3A_1238 = vector.broadcast %broadcast_in_dim3A_1237 : i32 to vector<16xi32>
      %gather3A_1239 = tpu.vector_load_idx %arg11[%broadcast_in_dim3A_1238, %get3A_1230] : memref<8x2048xf32, #tpu.memory_space<vmem>>[vector<16xi32>, vector<16xi32>], vector<16xf32>,
      %gather3A_1240 = tpu.vector_load_idx %arg11[%broadcast_in_dim3A_1238, %get3A_1236] : memref<8x2048xf32, #tpu.memory_space<vmem>>[vector<16xi32>, vector<16xi32>], vector<16xf32>,
      %sort3A_1241 = arith.constant dense<true> : vector<16xi1>
      %sort3A_1242, %sort3A_1243, %sort3A_1244 = tpu.sort %gather3A_1239, %gather3A_1239 masked %sort3A_1241 : (vector<16xf32>, vector<16xf32>, vector<16xi1>) -> (vector<16xi1>, vector<16xf32>, vector<16xf32>)
      %sort3A_1245 = arith.constant dense<true> : vector<16xi1>
      %sort3A_1246, %sort3A_1247, %sort3A_1248 = tpu.sort %gather3A_1240, %gather3A_1240 masked %sort3A_1245 : (vector<16xf32>, vector<16xf32>, vector<16xi1>) -> (vector<16xi1>, vector<16xf32>, vector<16xf32>)
      %rev3A_1249 = arith.constant 15 : i32
      %rev3A_1250 = vector.broadcast %rev3A_1249 : i32 to vector<16xi32>
      %rev3A_1251 = tpu.iota {dimensions = array<i32: 0>} : vector<16xi32>
      %rev3A_1252 = arith.subi %rev3A_1250, %rev3A_1251 : vector<16xi32>
      %rev3A_1253 = tpu.dynamic_gather %sort3A_1247[%rev3A_1252] in [0] : vector<16xf32>, vector<16xi32> -> vector<16xf32>
      %min3A_1254 = arith.minimumf %sort3A_1243, %rev3A_1253 : vector<16xf32>
      %eq3A_1255 = arith.constant 7 : i32
      %eq3A_1256 = vector.broadcast %eq3A_1255 : i32 to vector<16xi32>
      %eq3A_1257 = arith.cmpi eq, %iota3A, %eq3A_1256 : vector<16xi32>
      %reduce_max3A_1258 = arith.constant true
      %reduce_max3A_1259 = vector.broadcast %reduce_max3A_1258 : i1 to vector<16xi1>
      %reduce_max3A_1260 = tpu.scan <max>, %min3A_1254 masked %reduce_max3A_1259 : vector<16xf32>, vector<16xi1> -> vector<16xf32>
      %reduce_max3A_1261 = vector.extract %reduce_max3A_1260[15] : f32 from vector<16xf32>
      %broadcast_in_dim3A_1262 = vector.broadcast %reduce_max3A_1261 : f32 to vector<16xf32>
      %select_n3A_1263 = arith.select %eq3A_1257, %broadcast_in_dim3A_1262, %select_n3A_1222 : vector<16xi1>, vector<16xf32>
      %add3A_1264 = arith.constant 4 : i32
      %add3A_1265 = arith.addi %add3A_905, %add3A_1264 : i32
      %lt3A_1266 = arith.constant 64 : i32
      %lt3A_1267 = arith.cmpi slt, %add3A_1265, %lt3A_1266 : i32
      %convert_element_type3A_1268 = arith.extui %lt3A_1267 : i1 to i32
      %cond3A_1269 = arith.constant 0 : i32
      %cond3A_1270 = arith.cmpi ne, %convert_element_type3A_1268, %cond3A_1269 : i32
      scf.if %cond3A_1270 {
        %add3A_1650 = arith.constant 4 : i32
        %add3A_1651 = arith.addi %add3A_905, %add3A_1650 : i32
        %mul3A_1652 = arith.constant 8 : i32
        %mul3A_1653 = arith.muli %add3A_1651, %mul3A_1652 : i32
        %add3A_1654 = arith.addi %sub3A_21, %mul3A_1653 : i32
        %dma_start3A_1655 = arith.constant 0 : i32
        %dma_start3A_1656 = arith.constant 0 : i32
        %dma_start3A_1657 = tpu.memref_slice %arg11[%dma_start3A_1655, %dma_start3A_1656] : memref<8x2048xf32, #tpu.memory_space<vmem>> -> memref<8x1024xf32, #tpu.memory_space<vmem>>
        %dma_start3A_1658 = arith.constant 0 : i32
        %dma_start3A_1659 = tpu.memref_slice %arg2[%select_n3A, %add3A_1654, %dma_start3A_1658] : memref<8x2048x2048xf32, #tpu.memory_space<hbm>> -> memref<1x8x1024xf32, #tpu.memory_space<hbm>>
        %dma_start3A_1660 = tpu.memref_squeeze %dma_start3A_1659 : memref<1x8x1024xf32, #tpu.memory_space<hbm>> -> memref<8x1024xf32, #tpu.memory_space<hbm>>
        %dma_start3A_1661 = arith.constant 0 : i32
        %dma_start3A_1662 = arith.constant 0 : i32
        %dma_start3A_1663 = tpu.memref_slice %arg11[%dma_start3A_1661, %dma_start3A_1662] : memref<8x2048xf32, #tpu.memory_space<vmem>> -> memref<8x1024xf32, #tpu.memory_space<vmem>>
        %dma_start3A_1664 = arith.constant 0 : i32
        %dma_start3A_1665 = tpu.memref_slice %arg2[%select_n3A, %add3A_1654, %dma_start3A_1664] : memref<8x2048x2048xf32, #tpu.memory_space<hbm>> -> memref<1x8x1024xf32, #tpu.memory_space<hbm>>
        %dma_start3A_1666 = tpu.memref_squeeze %dma_start3A_1665 : memref<1x8x1024xf32, #tpu.memory_space<hbm>> -> memref<8x1024xf32, #tpu.memory_space<hbm>>
        tpu.enqueue_dma source(%dma_start3A_1666 : memref<8x1024xf32, #tpu.memory_space<hbm>>) target(%dma_start3A_1663 : memref<8x1024xf32, #tpu.memory_space<vmem>>) target_semaphore(%arg19 : memref<!tpu.dma_semaphore, #tpu.memory_space<semaphore_mem>>)
        %mul3A_1667 = arith.constant 8 : i32
        %mul3A_1668 = arith.muli %add3A_1651, %mul3A_1667 : i32
        %add3A_1669 = arith.addi %sub3A_21, %mul3A_1668 : i32
        %dma_start3A_1670 = arith.constant 0 : i32
        %dma_start3A_1671 = arith.constant 1024 : i32
        %dma_start3A_1672 = tpu.memref_slice %arg11[%dma_start3A_1670, %dma_start3A_1671] : memref<8x2048xf32, #tpu.memory_space<vmem>> -> memref<8x1024xf32, #tpu.memory_space<vmem>>
        %dma_start3A_1673 = arith.constant 1024 : i32
        %dma_start3A_1674 = tpu.memref_slice %arg2[%select_n3A, %add3A_1669, %dma_start3A_1673] : memref<8x2048x2048xf32, #tpu.memory_space<hbm>> -> memref<1x8x1024xf32, #tpu.memory_space<hbm>>
        %dma_start3A_1675 = tpu.memref_squeeze %dma_start3A_1674 : memref<1x8x1024xf32, #tpu.memory_space<hbm>> -> memref<8x1024xf32, #tpu.memory_space<hbm>>
        %dma_start3A_1676 = arith.constant 0 : i32
        %dma_start3A_1677 = arith.constant 1024 : i32
        %dma_start3A_1678 = tpu.memref_slice %arg11[%dma_start3A_1676, %dma_start3A_1677] : memref<8x2048xf32, #tpu.memory_space<vmem>> -> memref<8x1024xf32, #tpu.memory_space<vmem>>
        %dma_start3A_1679 = arith.constant 1024 : i32
        %dma_start3A_1680 = tpu.memref_slice %arg2[%select_n3A, %add3A_1669, %dma_start3A_1679] : memref<8x2048x2048xf32, #tpu.memory_space<hbm>> -> memref<1x8x1024xf32, #tpu.memory_space<hbm>>
        %dma_start3A_1681 = tpu.memref_squeeze %dma_start3A_1680 : memref<1x8x1024xf32, #tpu.memory_space<hbm>> -> memref<8x1024xf32, #tpu.memory_space<hbm>>
        tpu.enqueue_dma source(%dma_start3A_1681 : memref<8x1024xf32, #tpu.memory_space<hbm>>) target(%dma_start3A_1678 : memref<8x1024xf32, #tpu.memory_space<vmem>>) target_semaphore(%arg19 : memref<!tpu.dma_semaphore, #tpu.memory_space<semaphore_mem>>)
      } else {
      }
      %mul3A_1271 = arith.constant 4 : i32
      %mul3A_1272 = arith.muli %scan3A_164, %mul3A_1271 : i32
      %add3A_1273 = arith.constant 3 : i32
      %add3A_1274 = arith.addi %mul3A_1272, %add3A_1273 : i32
      %mul3A_1275 = arith.constant 8 : i32
      %mul3A_1276 = arith.muli %add3A_1274, %mul3A_1275 : i32
      %add3A_1277 = arith.addi %sub3A_21, %mul3A_1276 : i32
      %dma_wait3A_1278 = arith.constant 0 : i32
      %dma_wait3A_1279 = arith.constant 0 : i32
      %dma_wait3A_1280 = tpu.memref_slice %arg12[%dma_wait3A_1278, %dma_wait3A_1279] : memref<8x2048xf32, #tpu.memory_space<vmem>> -> memref<8x1024xf32, #tpu.memory_space<vmem>>
      %dma_wait3A_1281 = arith.constant 0 : i32
      %dma_wait3A_1282 = tpu.memref_slice %arg2[%select_n3A, %add3A_1277, %dma_wait3A_1281] : memref<8x2048x2048xf32, #tpu.memory_space<hbm>> -> memref<1x8x1024xf32, #tpu.memory_space<hbm>>
      %dma_wait3A_1283 = tpu.memref_squeeze %dma_wait3A_1282 : memref<1x8x1024xf32, #tpu.memory_space<hbm>> -> memref<8x1024xf32, #tpu.memory_space<hbm>>
      %dma_wait3A_1284 = arith.constant 0 : i32
      %dma_wait3A_1285 = arith.constant 0 : i32
      %dma_wait3A_1286 = tpu.memref_slice %arg12[%dma_wait3A_1284, %dma_wait3A_1285] : memref<8x2048xf32, #tpu.memory_space<vmem>> -> memref<8x1024xf32, #tpu.memory_space<vmem>>
      %dma_wait3A_1287 = arith.constant 0 : i32
      %dma_wait3A_1288 = tpu.memref_slice %arg2[%select_n3A, %add3A_1277, %dma_wait3A_1287] : memref<8x2048x2048xf32, #tpu.memory_space<hbm>> -> memref<1x8x1024xf32, #tpu.memory_space<hbm>>
      %dma_wait3A_1289 = tpu.memref_squeeze %dma_wait3A_1288 : memref<1x8x1024xf32, #tpu.memory_space<hbm>> -> memref<8x1024xf32, #tpu.memory_space<hbm>>
      tpu.wait_dma2 semaphore(%arg20 : memref<!tpu.dma_semaphore, #tpu.memory_space<semaphore_mem>>) src(%dma_wait3A_1289 : memref<8x1024xf32, #tpu.memory_space<hbm>>) dst(%dma_wait3A_1286 : memref<8x1024xf32, #tpu.memory_space<vmem>>)
      %mul3A_1290 = arith.constant 8 : i32
      %mul3A_1291 = arith.muli %add3A_1274, %mul3A_1290 : i32
      %add3A_1292 = arith.addi %sub3A_21, %mul3A_1291 : i32
      %dma_wait3A_1293 = arith.constant 0 : i32
      %dma_wait3A_1294 = arith.constant 1024 : i32
      %dma_wait3A_1295 = tpu.memref_slice %arg12[%dma_wait3A_1293, %dma_wait3A_1294] : memref<8x2048xf32, #tpu.memory_space<vmem>> -> memref<8x1024xf32, #tpu.memory_space<vmem>>
      %dma_wait3A_1296 = arith.constant 1024 : i32
      %dma_wait3A_1297 = tpu.memref_slice %arg2[%select_n3A, %add3A_1292, %dma_wait3A_1296] : memref<8x2048x2048xf32, #tpu.memory_space<hbm>> -> memref<1x8x1024xf32, #tpu.memory_space<hbm>>
      %dma_wait3A_1298 = tpu.memref_squeeze %dma_wait3A_1297 : memref<1x8x1024xf32, #tpu.memory_space<hbm>> -> memref<8x1024xf32, #tpu.memory_space<hbm>>
      %dma_wait3A_1299 = arith.constant 0 : i32
      %dma_wait3A_1300 = arith.constant 1024 : i32
      %dma_wait3A_1301 = tpu.memref_slice %arg12[%dma_wait3A_1299, %dma_wait3A_1300] : memref<8x2048xf32, #tpu.memory_space<vmem>> -> memref<8x1024xf32, #tpu.memory_space<vmem>>
      %dma_wait3A_1302 = arith.constant 1024 : i32
      %dma_wait3A_1303 = tpu.memref_slice %arg2[%select_n3A, %add3A_1292, %dma_wait3A_1302] : memref<8x2048x2048xf32, #tpu.memory_space<hbm>> -> memref<1x8x1024xf32, #tpu.memory_space<hbm>>
      %dma_wait3A_1304 = tpu.memref_squeeze %dma_wait3A_1303 : memref<1x8x1024xf32, #tpu.memory_space<hbm>> -> memref<8x1024xf32, #tpu.memory_space<hbm>>
      tpu.wait_dma2 semaphore(%arg20 : memref<!tpu.dma_semaphore, #tpu.memory_space<semaphore_mem>>) src(%dma_wait3A_1304 : memref<8x1024xf32, #tpu.memory_space<hbm>>) dst(%dma_wait3A_1301 : memref<8x1024xf32, #tpu.memory_space<vmem>>)
      %mul3A_1305 = arith.constant 8 : i32
      %mul3A_1306 = arith.muli %add3A_1274, %mul3A_1305 : i32
      %add3A_1307 = arith.constant 0 : i32
      %add3A_1308 = arith.addi %mul3A_1306, %add3A_1307 : i32
      %mul3A_1309 = arith.constant 32 : i32
      %mul3A_1310 = arith.muli %add3A_1308, %mul3A_1309 : i32
      %get3A_1311 = arith.index_cast %mul3A_1310 : i32 to index
      %get3A_1312 = tpu.vector_load %arg8[%get3A_1311] {strides = array<i32>} : memref<16384xi32, #tpu.memory_space<vmem>>, vector<16xi32>,
      %mul3A_1313 = arith.constant 32 : i32
      %mul3A_1314 = arith.muli %add3A_1308, %mul3A_1313 : i32
      %add3A_1315 = arith.constant 16 : i32
      %add3A_1316 = arith.addi %mul3A_1314, %add3A_1315 : i32
      %get3A_1317 = arith.index_cast %add3A_1316 : i32 to index
      %get3A_1318 = tpu.vector_load %arg8[%get3A_1317] {strides = array<i32>} : memref<16384xi32, #tpu.memory_space<vmem>>, vector<16xi32>,
      %broadcast_in_dim3A_1319 = arith.constant 0 : i32
      %broadcast_in_dim3A_1320 = vector.broadcast %broadcast_in_dim3A_1319 : i32 to vector<16xi32>
      %gather3A_1321 = tpu.vector_load_idx %arg12[%broadcast_in_dim3A_1320, %get3A_1312] : memref<8x2048xf32, #tpu.memory_space<vmem>>[vector<16xi32>, vector<16xi32>], vector<16xf32>,
      %gather3A_1322 = tpu.vector_load_idx %arg12[%broadcast_in_dim3A_1320, %get3A_1318] : memref<8x2048xf32, #tpu.memory_space<vmem>>[vector<16xi32>, vector<16xi32>], vector<16xf32>,
      %sort3A_1323 = arith.constant dense<true> : vector<16xi1>
      %sort3A_1324, %sort3A_1325, %sort3A_1326 = tpu.sort %gather3A_1321, %gather3A_1321 masked %sort3A_1323 : (vector<16xf32>, vector<16xf32>, vector<16xi1>) -> (vector<16xi1>, vector<16xf32>, vector<16xf32>)
      %sort3A_1327 = arith.constant dense<true> : vector<16xi1>
      %sort3A_1328, %sort3A_1329, %sort3A_1330 = tpu.sort %gather3A_1322, %gather3A_1322 masked %sort3A_1327 : (vector<16xf32>, vector<16xf32>, vector<16xi1>) -> (vector<16xi1>, vector<16xf32>, vector<16xf32>)
      %rev3A_1331 = arith.constant 15 : i32
      %rev3A_1332 = vector.broadcast %rev3A_1331 : i32 to vector<16xi32>
      %rev3A_1333 = tpu.iota {dimensions = array<i32: 0>} : vector<16xi32>
      %rev3A_1334 = arith.subi %rev3A_1332, %rev3A_1333 : vector<16xi32>
      %rev3A_1335 = tpu.dynamic_gather %sort3A_1329[%rev3A_1334] in [0] : vector<16xf32>, vector<16xi32> -> vector<16xf32>
      %min3A_1336 = arith.minimumf %sort3A_1325, %rev3A_1335 : vector<16xf32>
      %eq3A_1337 = arith.constant 8 : i32
      %eq3A_1338 = vector.broadcast %eq3A_1337 : i32 to vector<16xi32>
      %eq3A_1339 = arith.cmpi eq, %iota3A, %eq3A_1338 : vector<16xi32>
      %reduce_max3A_1340 = arith.constant true
      %reduce_max3A_1341 = vector.broadcast %reduce_max3A_1340 : i1 to vector<16xi1>
      %reduce_max3A_1342 = tpu.scan <max>, %min3A_1336 masked %reduce_max3A_1341 : vector<16xf32>, vector<16xi1> -> vector<16xf32>
      %reduce_max3A_1343 = vector.extract %reduce_max3A_1342[15] : f32 from vector<16xf32>
      %broadcast_in_dim3A_1344 = vector.broadcast %reduce_max3A_1343 : f32 to vector<16xf32>
      %select_n3A_1345 = arith.select %eq3A_1339, %broadcast_in_dim3A_1344, %select_n3A_1263 : vector<16xi1>, vector<16xf32>
      %mul3A_1346 = arith.constant 8 : i32
      %mul3A_1347 = arith.muli %add3A_1274, %mul3A_1346 : i32
      %add3A_1348 = arith.constant 1 : i32
      %add3A_1349 = arith.addi %mul3A_1347, %add3A_1348 : i32
      %mul3A_1350 = arith.constant 32 : i32
      %mul3A_1351 = arith.muli %add3A_1349, %mul3A_1350 : i32
      %get3A_1352 = arith.index_cast %mul3A_1351 : i32 to index
      %get3A_1353 = tpu.vector_load %arg8[%get3A_1352] {strides = array<i32>} : memref<16384xi32, #tpu.memory_space<vmem>>, vector<16xi32>,
      %mul3A_1354 = arith.constant 32 : i32
      %mul3A_1355 = arith.muli %add3A_1349, %mul3A_1354 : i32
      %add3A_1356 = arith.constant 16 : i32
      %add3A_1357 = arith.addi %mul3A_1355, %add3A_1356 : i32
      %get3A_1358 = arith.index_cast %add3A_1357 : i32 to index
      %get3A_1359 = tpu.vector_load %arg8[%get3A_1358] {strides = array<i32>} : memref<16384xi32, #tpu.memory_space<vmem>>, vector<16xi32>,
      %broadcast_in_dim3A_1360 = arith.constant 1 : i32
      %broadcast_in_dim3A_1361 = vector.broadcast %broadcast_in_dim3A_1360 : i32 to vector<16xi32>
      %gather3A_1362 = tpu.vector_load_idx %arg12[%broadcast_in_dim3A_1361, %get3A_1353] : memref<8x2048xf32, #tpu.memory_space<vmem>>[vector<16xi32>, vector<16xi32>], vector<16xf32>,
      %gather3A_1363 = tpu.vector_load_idx %arg12[%broadcast_in_dim3A_1361, %get3A_1359] : memref<8x2048xf32, #tpu.memory_space<vmem>>[vector<16xi32>, vector<16xi32>], vector<16xf32>,
      %sort3A_1364 = arith.constant dense<true> : vector<16xi1>
      %sort3A_1365, %sort3A_1366, %sort3A_1367 = tpu.sort %gather3A_1362, %gather3A_1362 masked %sort3A_1364 : (vector<16xf32>, vector<16xf32>, vector<16xi1>) -> (vector<16xi1>, vector<16xf32>, vector<16xf32>)
      %sort3A_1368 = arith.constant dense<true> : vector<16xi1>
      %sort3A_1369, %sort3A_1370, %sort3A_1371 = tpu.sort %gather3A_1363, %gather3A_1363 masked %sort3A_1368 : (vector<16xf32>, vector<16xf32>, vector<16xi1>) -> (vector<16xi1>, vector<16xf32>, vector<16xf32>)
      %rev3A_1372 = arith.constant 15 : i32
      %rev3A_1373 = vector.broadcast %rev3A_1372 : i32 to vector<16xi32>
      %rev3A_1374 = tpu.iota {dimensions = array<i32: 0>} : vector<16xi32>
      %rev3A_1375 = arith.subi %rev3A_1373, %rev3A_1374 : vector<16xi32>
      %rev3A_1376 = tpu.dynamic_gather %sort3A_1370[%rev3A_1375] in [0] : vector<16xf32>, vector<16xi32> -> vector<16xf32>
      %min3A_1377 = arith.minimumf %sort3A_1366, %rev3A_1376 : vector<16xf32>
      %eq3A_1378 = arith.constant 9 : i32
      %eq3A_1379 = vector.broadcast %eq3A_1378 : i32 to vector<16xi32>
      %eq3A_1380 = arith.cmpi eq, %iota3A, %eq3A_1379 : vector<16xi32>
      %reduce_max3A_1381 = arith.constant true
      %reduce_max3A_1382 = vector.broadcast %reduce_max3A_1381 : i1 to vector<16xi1>
      %reduce_max3A_1383 = tpu.scan <max>, %min3A_1377 masked %reduce_max3A_1382 : vector<16xf32>, vector<16xi1> -> vector<16xf32>
      %reduce_max3A_1384 = vector.extract %reduce_max3A_1383[15] : f32 from vector<16xf32>
      %broadcast_in_dim3A_1385 = vector.broadcast %reduce_max3A_1384 : f32 to vector<16xf32>
      %select_n3A_1386 = arith.select %eq3A_1380, %broadcast_in_dim3A_1385, %select_n3A_1345 : vector<16xi1>, vector<16xf32>
      %mul3A_1387 = arith.constant 8 : i32
      %mul3A_1388 = arith.muli %add3A_1274, %mul3A_1387 : i32
      %add3A_1389 = arith.constant 2 : i32
      %add3A_1390 = arith.addi %mul3A_1388, %add3A_1389 : i32
      %mul3A_1391 = arith.constant 32 : i32
      %mul3A_1392 = arith.muli %add3A_1390, %mul3A_1391 : i32
      %get3A_1393 = arith.index_cast %mul3A_1392 : i32 to index
      %get3A_1394 = tpu.vector_load %arg8[%get3A_1393] {strides = array<i32>} : memref<16384xi32, #tpu.memory_space<vmem>>, vector<16xi32>,
      %mul3A_1395 = arith.constant 32 : i32
      %mul3A_1396 = arith.muli %add3A_1390, %mul3A_1395 : i32
      %add3A_1397 = arith.constant 16 : i32
      %add3A_1398 = arith.addi %mul3A_1396, %add3A_1397 : i32
      %get3A_1399 = arith.index_cast %add3A_1398 : i32 to index
      %get3A_1400 = tpu.vector_load %arg8[%get3A_1399] {strides = array<i32>} : memref<16384xi32, #tpu.memory_space<vmem>>, vector<16xi32>,
      %broadcast_in_dim3A_1401 = arith.constant 2 : i32
      %broadcast_in_dim3A_1402 = vector.broadcast %broadcast_in_dim3A_1401 : i32 to vector<16xi32>
      %gather3A_1403 = tpu.vector_load_idx %arg12[%broadcast_in_dim3A_1402, %get3A_1394] : memref<8x2048xf32, #tpu.memory_space<vmem>>[vector<16xi32>, vector<16xi32>], vector<16xf32>,
      %gather3A_1404 = tpu.vector_load_idx %arg12[%broadcast_in_dim3A_1402, %get3A_1400] : memref<8x2048xf32, #tpu.memory_space<vmem>>[vector<16xi32>, vector<16xi32>], vector<16xf32>,
      %sort3A_1405 = arith.constant dense<true> : vector<16xi1>
      %sort3A_1406, %sort3A_1407, %sort3A_1408 = tpu.sort %gather3A_1403, %gather3A_1403 masked %sort3A_1405 : (vector<16xf32>, vector<16xf32>, vector<16xi1>) -> (vector<16xi1>, vector<16xf32>, vector<16xf32>)
      %sort3A_1409 = arith.constant dense<true> : vector<16xi1>
      %sort3A_1410, %sort3A_1411, %sort3A_1412 = tpu.sort %gather3A_1404, %gather3A_1404 masked %sort3A_1409 : (vector<16xf32>, vector<16xf32>, vector<16xi1>) -> (vector<16xi1>, vector<16xf32>, vector<16xf32>)
      %rev3A_1413 = arith.constant 15 : i32
      %rev3A_1414 = vector.broadcast %rev3A_1413 : i32 to vector<16xi32>
      %rev3A_1415 = tpu.iota {dimensions = array<i32: 0>} : vector<16xi32>
      %rev3A_1416 = arith.subi %rev3A_1414, %rev3A_1415 : vector<16xi32>
      %rev3A_1417 = tpu.dynamic_gather %sort3A_1411[%rev3A_1416] in [0] : vector<16xf32>, vector<16xi32> -> vector<16xf32>
      %min3A_1418 = arith.minimumf %sort3A_1407, %rev3A_1417 : vector<16xf32>
      %eq3A_1419 = arith.constant 10 : i32
      %eq3A_1420 = vector.broadcast %eq3A_1419 : i32 to vector<16xi32>
      %eq3A_1421 = arith.cmpi eq, %iota3A, %eq3A_1420 : vector<16xi32>
      %reduce_max3A_1422 = arith.constant true
      %reduce_max3A_1423 = vector.broadcast %reduce_max3A_1422 : i1 to vector<16xi1>
      %reduce_max3A_1424 = tpu.scan <max>, %min3A_1418 masked %reduce_max3A_1423 : vector<16xf32>, vector<16xi1> -> vector<16xf32>
      %reduce_max3A_1425 = vector.extract %reduce_max3A_1424[15] : f32 from vector<16xf32>
      %broadcast_in_dim3A_1426 = vector.broadcast %reduce_max3A_1425 : f32 to vector<16xf32>
      %select_n3A_1427 = arith.select %eq3A_1421, %broadcast_in_dim3A_1426, %select_n3A_1386 : vector<16xi1>, vector<16xf32>
      %mul3A_1428 = arith.constant 8 : i32
      %mul3A_1429 = arith.muli %add3A_1274, %mul3A_1428 : i32
      %add3A_1430 = arith.constant 3 : i32
      %add3A_1431 = arith.addi %mul3A_1429, %add3A_1430 : i32
      %mul3A_1432 = arith.constant 32 : i32
      %mul3A_1433 = arith.muli %add3A_1431, %mul3A_1432 : i32
      %get3A_1434 = arith.index_cast %mul3A_1433 : i32 to index
      %get3A_1435 = tpu.vector_load %arg8[%get3A_1434] {strides = array<i32>} : memref<16384xi32, #tpu.memory_space<vmem>>, vector<16xi32>,
      %mul3A_1436 = arith.constant 32 : i32
      %mul3A_1437 = arith.muli %add3A_1431, %mul3A_1436 : i32
      %add3A_1438 = arith.constant 16 : i32
      %add3A_1439 = arith.addi %mul3A_1437, %add3A_1438 : i32
      %get3A_1440 = arith.index_cast %add3A_1439 : i32 to index
      %get3A_1441 = tpu.vector_load %arg8[%get3A_1440] {strides = array<i32>} : memref<16384xi32, #tpu.memory_space<vmem>>, vector<16xi32>,
      %broadcast_in_dim3A_1442 = arith.constant 3 : i32
      %broadcast_in_dim3A_1443 = vector.broadcast %broadcast_in_dim3A_1442 : i32 to vector<16xi32>
      %gather3A_1444 = tpu.vector_load_idx %arg12[%broadcast_in_dim3A_1443, %get3A_1435] : memref<8x2048xf32, #tpu.memory_space<vmem>>[vector<16xi32>, vector<16xi32>], vector<16xf32>,
      %gather3A_1445 = tpu.vector_load_idx %arg12[%broadcast_in_dim3A_1443, %get3A_1441] : memref<8x2048xf32, #tpu.memory_space<vmem>>[vector<16xi32>, vector<16xi32>], vector<16xf32>,
      %sort3A_1446 = arith.constant dense<true> : vector<16xi1>
      %sort3A_1447, %sort3A_1448, %sort3A_1449 = tpu.sort %gather3A_1444, %gather3A_1444 masked %sort3A_1446 : (vector<16xf32>, vector<16xf32>, vector<16xi1>) -> (vector<16xi1>, vector<16xf32>, vector<16xf32>)
      %sort3A_1450 = arith.constant dense<true> : vector<16xi1>
      %sort3A_1451, %sort3A_1452, %sort3A_1453 = tpu.sort %gather3A_1445, %gather3A_1445 masked %sort3A_1450 : (vector<16xf32>, vector<16xf32>, vector<16xi1>) -> (vector<16xi1>, vector<16xf32>, vector<16xf32>)
      %rev3A_1454 = arith.constant 15 : i32
      %rev3A_1455 = vector.broadcast %rev3A_1454 : i32 to vector<16xi32>
      %rev3A_1456 = tpu.iota {dimensions = array<i32: 0>} : vector<16xi32>
      %rev3A_1457 = arith.subi %rev3A_1455, %rev3A_1456 : vector<16xi32>
      %rev3A_1458 = tpu.dynamic_gather %sort3A_1452[%rev3A_1457] in [0] : vector<16xf32>, vector<16xi32> -> vector<16xf32>
      %min3A_1459 = arith.minimumf %sort3A_1448, %rev3A_1458 : vector<16xf32>
      %eq3A_1460 = arith.constant 11 : i32
      %eq3A_1461 = vector.broadcast %eq3A_1460 : i32 to vector<16xi32>
      %eq3A_1462 = arith.cmpi eq, %iota3A, %eq3A_1461 : vector<16xi32>
      %reduce_max3A_1463 = arith.constant true
      %reduce_max3A_1464 = vector.broadcast %reduce_max3A_1463 : i1 to vector<16xi1>
      %reduce_max3A_1465 = tpu.scan <max>, %min3A_1459 masked %reduce_max3A_1464 : vector<16xf32>, vector<16xi1> -> vector<16xf32>
      %reduce_max3A_1466 = vector.extract %reduce_max3A_1465[15] : f32 from vector<16xf32>
      %broadcast_in_dim3A_1467 = vector.broadcast %reduce_max3A_1466 : f32 to vector<16xf32>
      %select_n3A_1468 = arith.select %eq3A_1462, %broadcast_in_dim3A_1467, %select_n3A_1427 : vector<16xi1>, vector<16xf32>
      %mul3A_1469 = arith.constant 8 : i32
      %mul3A_1470 = arith.muli %add3A_1274, %mul3A_1469 : i32
      %add3A_1471 = arith.constant 4 : i32
      %add3A_1472 = arith.addi %mul3A_1470, %add3A_1471 : i32
      %mul3A_1473 = arith.constant 32 : i32
      %mul3A_1474 = arith.muli %add3A_1472, %mul3A_1473 : i32
      %get3A_1475 = arith.index_cast %mul3A_1474 : i32 to index
      %get3A_1476 = tpu.vector_load %arg8[%get3A_1475] {strides = array<i32>} : memref<16384xi32, #tpu.memory_space<vmem>>, vector<16xi32>,
      %mul3A_1477 = arith.constant 32 : i32
      %mul3A_1478 = arith.muli %add3A_1472, %mul3A_1477 : i32
      %add3A_1479 = arith.constant 16 : i32
      %add3A_1480 = arith.addi %mul3A_1478, %add3A_1479 : i32
      %get3A_1481 = arith.index_cast %add3A_1480 : i32 to index
      %get3A_1482 = tpu.vector_load %arg8[%get3A_1481] {strides = array<i32>} : memref<16384xi32, #tpu.memory_space<vmem>>, vector<16xi32>,
      %broadcast_in_dim3A_1483 = arith.constant 4 : i32
      %broadcast_in_dim3A_1484 = vector.broadcast %broadcast_in_dim3A_1483 : i32 to vector<16xi32>
      %gather3A_1485 = tpu.vector_load_idx %arg12[%broadcast_in_dim3A_1484, %get3A_1476] : memref<8x2048xf32, #tpu.memory_space<vmem>>[vector<16xi32>, vector<16xi32>], vector<16xf32>,
      %gather3A_1486 = tpu.vector_load_idx %arg12[%broadcast_in_dim3A_1484, %get3A_1482] : memref<8x2048xf32, #tpu.memory_space<vmem>>[vector<16xi32>, vector<16xi32>], vector<16xf32>,
      %sort3A_1487 = arith.constant dense<true> : vector<16xi1>
      %sort3A_1488, %sort3A_1489, %sort3A_1490 = tpu.sort %gather3A_1485, %gather3A_1485 masked %sort3A_1487 : (vector<16xf32>, vector<16xf32>, vector<16xi1>) -> (vector<16xi1>, vector<16xf32>, vector<16xf32>)
      %sort3A_1491 = arith.constant dense<true> : vector<16xi1>
      %sort3A_1492, %sort3A_1493, %sort3A_1494 = tpu.sort %gather3A_1486, %gather3A_1486 masked %sort3A_1491 : (vector<16xf32>, vector<16xf32>, vector<16xi1>) -> (vector<16xi1>, vector<16xf32>, vector<16xf32>)
      %rev3A_1495 = arith.constant 15 : i32
      %rev3A_1496 = vector.broadcast %rev3A_1495 : i32 to vector<16xi32>
      %rev3A_1497 = tpu.iota {dimensions = array<i32: 0>} : vector<16xi32>
      %rev3A_1498 = arith.subi %rev3A_1496, %rev3A_1497 : vector<16xi32>
      %rev3A_1499 = tpu.dynamic_gather %sort3A_1493[%rev3A_1498] in [0] : vector<16xf32>, vector<16xi32> -> vector<16xf32>
      %min3A_1500 = arith.minimumf %sort3A_1489, %rev3A_1499 : vector<16xf32>
      %eq3A_1501 = arith.constant 12 : i32
      %eq3A_1502 = vector.broadcast %eq3A_1501 : i32 to vector<16xi32>
      %eq3A_1503 = arith.cmpi eq, %iota3A, %eq3A_1502 : vector<16xi32>
      %reduce_max3A_1504 = arith.constant true
      %reduce_max3A_1505 = vector.broadcast %reduce_max3A_1504 : i1 to vector<16xi1>
      %reduce_max3A_1506 = tpu.scan <max>, %min3A_1500 masked %reduce_max3A_1505 : vector<16xf32>, vector<16xi1> -> vector<16xf32>
      %reduce_max3A_1507 = vector.extract %reduce_max3A_1506[15] : f32 from vector<16xf32>
      %broadcast_in_dim3A_1508 = vector.broadcast %reduce_max3A_1507 : f32 to vector<16xf32>
      %select_n3A_1509 = arith.select %eq3A_1503, %broadcast_in_dim3A_1508, %select_n3A_1468 : vector<16xi1>, vector<16xf32>
      %mul3A_1510 = arith.constant 8 : i32
      %mul3A_1511 = arith.muli %add3A_1274, %mul3A_1510 : i32
      %add3A_1512 = arith.constant 5 : i32
      %add3A_1513 = arith.addi %mul3A_1511, %add3A_1512 : i32
      %mul3A_1514 = arith.constant 32 : i32
      %mul3A_1515 = arith.muli %add3A_1513, %mul3A_1514 : i32
      %get3A_1516 = arith.index_cast %mul3A_1515 : i32 to index
      %get3A_1517 = tpu.vector_load %arg8[%get3A_1516] {strides = array<i32>} : memref<16384xi32, #tpu.memory_space<vmem>>, vector<16xi32>,
      %mul3A_1518 = arith.constant 32 : i32
      %mul3A_1519 = arith.muli %add3A_1513, %mul3A_1518 : i32
      %add3A_1520 = arith.constant 16 : i32
      %add3A_1521 = arith.addi %mul3A_1519, %add3A_1520 : i32
      %get3A_1522 = arith.index_cast %add3A_1521 : i32 to index
      %get3A_1523 = tpu.vector_load %arg8[%get3A_1522] {strides = array<i32>} : memref<16384xi32, #tpu.memory_space<vmem>>, vector<16xi32>,
      %broadcast_in_dim3A_1524 = arith.constant 5 : i32
      %broadcast_in_dim3A_1525 = vector.broadcast %broadcast_in_dim3A_1524 : i32 to vector<16xi32>
      %gather3A_1526 = tpu.vector_load_idx %arg12[%broadcast_in_dim3A_1525, %get3A_1517] : memref<8x2048xf32, #tpu.memory_space<vmem>>[vector<16xi32>, vector<16xi32>], vector<16xf32>,
      %gather3A_1527 = tpu.vector_load_idx %arg12[%broadcast_in_dim3A_1525, %get3A_1523] : memref<8x2048xf32, #tpu.memory_space<vmem>>[vector<16xi32>, vector<16xi32>], vector<16xf32>,
      %sort3A_1528 = arith.constant dense<true> : vector<16xi1>
      %sort3A_1529, %sort3A_1530, %sort3A_1531 = tpu.sort %gather3A_1526, %gather3A_1526 masked %sort3A_1528 : (vector<16xf32>, vector<16xf32>, vector<16xi1>) -> (vector<16xi1>, vector<16xf32>, vector<16xf32>)
      %sort3A_1532 = arith.constant dense<true> : vector<16xi1>
      %sort3A_1533, %sort3A_1534, %sort3A_1535 = tpu.sort %gather3A_1527, %gather3A_1527 masked %sort3A_1532 : (vector<16xf32>, vector<16xf32>, vector<16xi1>) -> (vector<16xi1>, vector<16xf32>, vector<16xf32>)
      %rev3A_1536 = arith.constant 15 : i32
      %rev3A_1537 = vector.broadcast %rev3A_1536 : i32 to vector<16xi32>
      %rev3A_1538 = tpu.iota {dimensions = array<i32: 0>} : vector<16xi32>
      %rev3A_1539 = arith.subi %rev3A_1537, %rev3A_1538 : vector<16xi32>
      %rev3A_1540 = tpu.dynamic_gather %sort3A_1534[%rev3A_1539] in [0] : vector<16xf32>, vector<16xi32> -> vector<16xf32>
      %min3A_1541 = arith.minimumf %sort3A_1530, %rev3A_1540 : vector<16xf32>
      %eq3A_1542 = arith.constant 13 : i32
      %eq3A_1543 = vector.broadcast %eq3A_1542 : i32 to vector<16xi32>
      %eq3A_1544 = arith.cmpi eq, %iota3A, %eq3A_1543 : vector<16xi32>
      %reduce_max3A_1545 = arith.constant true
      %reduce_max3A_1546 = vector.broadcast %reduce_max3A_1545 : i1 to vector<16xi1>
      %reduce_max3A_1547 = tpu.scan <max>, %min3A_1541 masked %reduce_max3A_1546 : vector<16xf32>, vector<16xi1> -> vector<16xf32>
      %reduce_max3A_1548 = vector.extract %reduce_max3A_1547[15] : f32 from vector<16xf32>
      %broadcast_in_dim3A_1549 = vector.broadcast %reduce_max3A_1548 : f32 to vector<16xf32>
      %select_n3A_1550 = arith.select %eq3A_1544, %broadcast_in_dim3A_1549, %select_n3A_1509 : vector<16xi1>, vector<16xf32>
      %mul3A_1551 = arith.constant 8 : i32
      %mul3A_1552 = arith.muli %add3A_1274, %mul3A_1551 : i32
      %add3A_1553 = arith.constant 6 : i32
      %add3A_1554 = arith.addi %mul3A_1552, %add3A_1553 : i32
      %mul3A_1555 = arith.constant 32 : i32
      %mul3A_1556 = arith.muli %add3A_1554, %mul3A_1555 : i32
      %get3A_1557 = arith.index_cast %mul3A_1556 : i32 to index
      %get3A_1558 = tpu.vector_load %arg8[%get3A_1557] {strides = array<i32>} : memref<16384xi32, #tpu.memory_space<vmem>>, vector<16xi32>,
      %mul3A_1559 = arith.constant 32 : i32
      %mul3A_1560 = arith.muli %add3A_1554, %mul3A_1559 : i32
      %add3A_1561 = arith.constant 16 : i32
      %add3A_1562 = arith.addi %mul3A_1560, %add3A_1561 : i32
      %get3A_1563 = arith.index_cast %add3A_1562 : i32 to index
      %get3A_1564 = tpu.vector_load %arg8[%get3A_1563] {strides = array<i32>} : memref<16384xi32, #tpu.memory_space<vmem>>, vector<16xi32>,
      %broadcast_in_dim3A_1565 = arith.constant 6 : i32
      %broadcast_in_dim3A_1566 = vector.broadcast %broadcast_in_dim3A_1565 : i32 to vector<16xi32>
      %gather3A_1567 = tpu.vector_load_idx %arg12[%broadcast_in_dim3A_1566, %get3A_1558] : memref<8x2048xf32, #tpu.memory_space<vmem>>[vector<16xi32>, vector<16xi32>], vector<16xf32>,
      %gather3A_1568 = tpu.vector_load_idx %arg12[%broadcast_in_dim3A_1566, %get3A_1564] : memref<8x2048xf32, #tpu.memory_space<vmem>>[vector<16xi32>, vector<16xi32>], vector<16xf32>,
      %sort3A_1569 = arith.constant dense<true> : vector<16xi1>
      %sort3A_1570, %sort3A_1571, %sort3A_1572 = tpu.sort %gather3A_1567, %gather3A_1567 masked %sort3A_1569 : (vector<16xf32>, vector<16xf32>, vector<16xi1>) -> (vector<16xi1>, vector<16xf32>, vector<16xf32>)
      %sort3A_1573 = arith.constant dense<true> : vector<16xi1>
      %sort3A_1574, %sort3A_1575, %sort3A_1576 = tpu.sort %gather3A_1568, %gather3A_1568 masked %sort3A_1573 : (vector<16xf32>, vector<16xf32>, vector<16xi1>) -> (vector<16xi1>, vector<16xf32>, vector<16xf32>)
      %rev3A_1577 = arith.constant 15 : i32
      %rev3A_1578 = vector.broadcast %rev3A_1577 : i32 to vector<16xi32>
      %rev3A_1579 = tpu.iota {dimensions = array<i32: 0>} : vector<16xi32>
      %rev3A_1580 = arith.subi %rev3A_1578, %rev3A_1579 : vector<16xi32>
      %rev3A_1581 = tpu.dynamic_gather %sort3A_1575[%rev3A_1580] in [0] : vector<16xf32>, vector<16xi32> -> vector<16xf32>
      %min3A_1582 = arith.minimumf %sort3A_1571, %rev3A_1581 : vector<16xf32>
      %eq3A_1583 = arith.constant 14 : i32
      %eq3A_1584 = vector.broadcast %eq3A_1583 : i32 to vector<16xi32>
      %eq3A_1585 = arith.cmpi eq, %iota3A, %eq3A_1584 : vector<16xi32>
      %reduce_max3A_1586 = arith.constant true
      %reduce_max3A_1587 = vector.broadcast %reduce_max3A_1586 : i1 to vector<16xi1>
      %reduce_max3A_1588 = tpu.scan <max>, %min3A_1582 masked %reduce_max3A_1587 : vector<16xf32>, vector<16xi1> -> vector<16xf32>
      %reduce_max3A_1589 = vector.extract %reduce_max3A_1588[15] : f32 from vector<16xf32>
      %broadcast_in_dim3A_1590 = vector.broadcast %reduce_max3A_1589 : f32 to vector<16xf32>
      %select_n3A_1591 = arith.select %eq3A_1585, %broadcast_in_dim3A_1590, %select_n3A_1550 : vector<16xi1>, vector<16xf32>
      %mul3A_1592 = arith.constant 8 : i32
      %mul3A_1593 = arith.muli %add3A_1274, %mul3A_1592 : i32
      %add3A_1594 = arith.constant 7 : i32
      %add3A_1595 = arith.addi %mul3A_1593, %add3A_1594 : i32
      %mul3A_1596 = arith.constant 32 : i32
      %mul3A_1597 = arith.muli %add3A_1595, %mul3A_1596 : i32
      %get3A_1598 = arith.index_cast %mul3A_1597 : i32 to index
      %get3A_1599 = tpu.vector_load %arg8[%get3A_1598] {strides = array<i32>} : memref<16384xi32, #tpu.memory_space<vmem>>, vector<16xi32>,
      %mul3A_1600 = arith.constant 32 : i32
      %mul3A_1601 = arith.muli %add3A_1595, %mul3A_1600 : i32
      %add3A_1602 = arith.constant 16 : i32
      %add3A_1603 = arith.addi %mul3A_1601, %add3A_1602 : i32
      %get3A_1604 = arith.index_cast %add3A_1603 : i32 to index
      %get3A_1605 = tpu.vector_load %arg8[%get3A_1604] {strides = array<i32>} : memref<16384xi32, #tpu.memory_space<vmem>>, vector<16xi32>,
      %broadcast_in_dim3A_1606 = arith.constant 7 : i32
      %broadcast_in_dim3A_1607 = vector.broadcast %broadcast_in_dim3A_1606 : i32 to vector<16xi32>
      %gather3A_1608 = tpu.vector_load_idx %arg12[%broadcast_in_dim3A_1607, %get3A_1599] : memref<8x2048xf32, #tpu.memory_space<vmem>>[vector<16xi32>, vector<16xi32>], vector<16xf32>,
      %gather3A_1609 = tpu.vector_load_idx %arg12[%broadcast_in_dim3A_1607, %get3A_1605] : memref<8x2048xf32, #tpu.memory_space<vmem>>[vector<16xi32>, vector<16xi32>], vector<16xf32>,
      %sort3A_1610 = arith.constant dense<true> : vector<16xi1>
      %sort3A_1611, %sort3A_1612, %sort3A_1613 = tpu.sort %gather3A_1608, %gather3A_1608 masked %sort3A_1610 : (vector<16xf32>, vector<16xf32>, vector<16xi1>) -> (vector<16xi1>, vector<16xf32>, vector<16xf32>)
      %sort3A_1614 = arith.constant dense<true> : vector<16xi1>
      %sort3A_1615, %sort3A_1616, %sort3A_1617 = tpu.sort %gather3A_1609, %gather3A_1609 masked %sort3A_1614 : (vector<16xf32>, vector<16xf32>, vector<16xi1>) -> (vector<16xi1>, vector<16xf32>, vector<16xf32>)
      %rev3A_1618 = arith.constant 15 : i32
      %rev3A_1619 = vector.broadcast %rev3A_1618 : i32 to vector<16xi32>
      %rev3A_1620 = tpu.iota {dimensions = array<i32: 0>} : vector<16xi32>
      %rev3A_1621 = arith.subi %rev3A_1619, %rev3A_1620 : vector<16xi32>
      %rev3A_1622 = tpu.dynamic_gather %sort3A_1616[%rev3A_1621] in [0] : vector<16xf32>, vector<16xi32> -> vector<16xf32>
      %min3A_1623 = arith.minimumf %sort3A_1612, %rev3A_1622 : vector<16xf32>
      %eq3A_1624 = arith.constant 15 : i32
      %eq3A_1625 = vector.broadcast %eq3A_1624 : i32 to vector<16xi32>
      %eq3A_1626 = arith.cmpi eq, %iota3A, %eq3A_1625 : vector<16xi32>
      %reduce_max3A_1627 = arith.constant true
      %reduce_max3A_1628 = vector.broadcast %reduce_max3A_1627 : i1 to vector<16xi1>
      %reduce_max3A_1629 = tpu.scan <max>, %min3A_1623 masked %reduce_max3A_1628 : vector<16xf32>, vector<16xi1> -> vector<16xf32>
      %reduce_max3A_1630 = vector.extract %reduce_max3A_1629[15] : f32 from vector<16xf32>
      %broadcast_in_dim3A_1631 = vector.broadcast %reduce_max3A_1630 : f32 to vector<16xf32>
      %select_n3A_1632 = arith.select %eq3A_1626, %broadcast_in_dim3A_1631, %select_n3A_1591 : vector<16xi1>, vector<16xf32>
      %add3A_1633 = arith.constant 4 : i32
      %add3A_1634 = arith.addi %add3A_1274, %add3A_1633 : i32
      %lt3A_1635 = arith.constant 64 : i32
      %lt3A_1636 = arith.cmpi slt, %add3A_1634, %lt3A_1635 : i32
      %convert_element_type3A_1637 = arith.extui %lt3A_1636 : i1 to i32
      %cond3A_1638 = arith.constant 0 : i32
      %cond3A_1639 = arith.cmpi ne, %convert_element_type3A_1637, %cond3A_1638 : i32
      scf.if %cond3A_1639 {
        %add3A_1650 = arith.constant 4 : i32
        %add3A_1651 = arith.addi %add3A_1274, %add3A_1650 : i32
        %mul3A_1652 = arith.constant 8 : i32
        %mul3A_1653 = arith.muli %add3A_1651, %mul3A_1652 : i32
        %add3A_1654 = arith.addi %sub3A_21, %mul3A_1653 : i32
        %dma_start3A_1655 = arith.constant 0 : i32
        %dma_start3A_1656 = arith.constant 0 : i32
        %dma_start3A_1657 = tpu.memref_slice %arg12[%dma_start3A_1655, %dma_start3A_1656] : memref<8x2048xf32, #tpu.memory_space<vmem>> -> memref<8x1024xf32, #tpu.memory_space<vmem>>
        %dma_start3A_1658 = arith.constant 0 : i32
        %dma_start3A_1659 = tpu.memref_slice %arg2[%select_n3A, %add3A_1654, %dma_start3A_1658] : memref<8x2048x2048xf32, #tpu.memory_space<hbm>> -> memref<1x8x1024xf32, #tpu.memory_space<hbm>>
        %dma_start3A_1660 = tpu.memref_squeeze %dma_start3A_1659 : memref<1x8x1024xf32, #tpu.memory_space<hbm>> -> memref<8x1024xf32, #tpu.memory_space<hbm>>
        %dma_start3A_1661 = arith.constant 0 : i32
        %dma_start3A_1662 = arith.constant 0 : i32
        %dma_start3A_1663 = tpu.memref_slice %arg12[%dma_start3A_1661, %dma_start3A_1662] : memref<8x2048xf32, #tpu.memory_space<vmem>> -> memref<8x1024xf32, #tpu.memory_space<vmem>>
        %dma_start3A_1664 = arith.constant 0 : i32
        %dma_start3A_1665 = tpu.memref_slice %arg2[%select_n3A, %add3A_1654, %dma_start3A_1664] : memref<8x2048x2048xf32, #tpu.memory_space<hbm>> -> memref<1x8x1024xf32, #tpu.memory_space<hbm>>
        %dma_start3A_1666 = tpu.memref_squeeze %dma_start3A_1665 : memref<1x8x1024xf32, #tpu.memory_space<hbm>> -> memref<8x1024xf32, #tpu.memory_space<hbm>>
        tpu.enqueue_dma source(%dma_start3A_1666 : memref<8x1024xf32, #tpu.memory_space<hbm>>) target(%dma_start3A_1663 : memref<8x1024xf32, #tpu.memory_space<vmem>>) target_semaphore(%arg20 : memref<!tpu.dma_semaphore, #tpu.memory_space<semaphore_mem>>)
        %mul3A_1667 = arith.constant 8 : i32
        %mul3A_1668 = arith.muli %add3A_1651, %mul3A_1667 : i32
        %add3A_1669 = arith.addi %sub3A_21, %mul3A_1668 : i32
        %dma_start3A_1670 = arith.constant 0 : i32
        %dma_start3A_1671 = arith.constant 1024 : i32
        %dma_start3A_1672 = tpu.memref_slice %arg12[%dma_start3A_1670, %dma_start3A_1671] : memref<8x2048xf32, #tpu.memory_space<vmem>> -> memref<8x1024xf32, #tpu.memory_space<vmem>>
        %dma_start3A_1673 = arith.constant 1024 : i32
        %dma_start3A_1674 = tpu.memref_slice %arg2[%select_n3A, %add3A_1669, %dma_start3A_1673] : memref<8x2048x2048xf32, #tpu.memory_space<hbm>> -> memref<1x8x1024xf32, #tpu.memory_space<hbm>>
        %dma_start3A_1675 = tpu.memref_squeeze %dma_start3A_1674 : memref<1x8x1024xf32, #tpu.memory_space<hbm>> -> memref<8x1024xf32, #tpu.memory_space<hbm>>
        %dma_start3A_1676 = arith.constant 0 : i32
        %dma_start3A_1677 = arith.constant 1024 : i32
        %dma_start3A_1678 = tpu.memref_slice %arg12[%dma_start3A_1676, %dma_start3A_1677] : memref<8x2048xf32, #tpu.memory_space<vmem>> -> memref<8x1024xf32, #tpu.memory_space<vmem>>
        %dma_start3A_1679 = arith.constant 1024 : i32
        %dma_start3A_1680 = tpu.memref_slice %arg2[%select_n3A, %add3A_1669, %dma_start3A_1679] : memref<8x2048x2048xf32, #tpu.memory_space<hbm>> -> memref<1x8x1024xf32, #tpu.memory_space<hbm>>
        %dma_start3A_1681 = tpu.memref_squeeze %dma_start3A_1680 : memref<1x8x1024xf32, #tpu.memory_space<hbm>> -> memref<8x1024xf32, #tpu.memory_space<hbm>>
        tpu.enqueue_dma source(%dma_start3A_1681 : memref<8x1024xf32, #tpu.memory_space<hbm>>) target(%dma_start3A_1678 : memref<8x1024xf32, #tpu.memory_space<vmem>>) target_semaphore(%arg20 : memref<!tpu.dma_semaphore, #tpu.memory_space<semaphore_mem>>)
      } else {
      }
      %mul3A_1640 = arith.constant 2 : i32
      %mul3A_1641 = arith.muli %scan3A_164, %mul3A_1640 : i32
      %add3A_1642 = arith.constant 1 : i32
      %add3A_1643 = arith.addi %mul3A_1641, %add3A_1642 : i32
      %mul3A_1644 = arith.constant 16 : i32
      %mul3A_1645 = arith.muli %add3A_1643, %mul3A_1644 : i32
      %swap3A_1646 = arith.index_cast %mul3A_1645 : i32 to index
      %swap3A_1647 = tpu.vector_load %arg15[%swap3A_1646] {strides = array<i32>} : memref<512xf32, #tpu.memory_space<vmem>>, vector<16xf32>,
      tpu.vector_store %arg15[%swap3A_1646], %select_n3A_1632 {strides = array<i32>} : memref<512xf32, #tpu.memory_space<vmem>>, vector<16xf32>,
      %broadcast_in_dim3A_1648 = arith.constant 0.000000e+00 : f32
      %broadcast_in_dim3A_1649 = vector.broadcast %broadcast_in_dim3A_1648 : f32 to vector<16xf32>
    }
    %scan3A_157 = arith.constant 16 : i32
    "tpu.region"() ({
      %run_scoped3A = tpu.sem_alloc : memref<!tpu.dma_semaphore, #tpu.memory_space<semaphore_mem>>
      %dma_start3A_164 = tpu.memref_slice %arg6[%mul3A_2] : memref<16384xf32, #tpu.memory_space<hbm>> -> memref<512xf32, #tpu.memory_space<hbm>>
      %dma_start3A_165 = tpu.memref_slice %arg6[%mul3A_2] : memref<16384xf32, #tpu.memory_space<hbm>> -> memref<512xf32, #tpu.memory_space<hbm>>
      tpu.enqueue_dma source(%arg15 : memref<512xf32, #tpu.memory_space<vmem>>) target(%dma_start3A_165 : memref<512xf32, #tpu.memory_space<hbm>>) target_semaphore(%run_scoped3A : memref<!tpu.dma_semaphore, #tpu.memory_space<semaphore_mem>>)
      %dma_wait3A = tpu.memref_slice %arg6[%mul3A_2] : memref<16384xf32, #tpu.memory_space<hbm>> -> memref<512xf32, #tpu.memory_space<hbm>>
      %dma_wait3A_166 = tpu.memref_slice %arg6[%mul3A_2] : memref<16384xf32, #tpu.memory_space<hbm>> -> memref<512xf32, #tpu.memory_space<hbm>>
      tpu.wait_dma2 semaphore(%run_scoped3A : memref<!tpu.dma_semaphore, #tpu.memory_space<semaphore_mem>>) src(%arg15 : memref<512xf32, #tpu.memory_space<vmem>>) dst(%dma_wait3A_166 : memref<512xf32, #tpu.memory_space<hbm>>)
      tpu.yield
    }) : () -> ()
    %add3A_158 = arith.constant 0 : i32
    %add3A_159 = arith.addi %add3A_158, %mul3A_2 : i32
    "tpu.region"() ({
      %run_scoped3A = tpu.sem_alloc : memref<!tpu.dma_semaphore, #tpu.memory_space<semaphore_mem>>
      %dma_start3A_164 = arith.constant 0 : i32
      %dma_start3A_165 = tpu.memref_slice %arg16[%dma_start3A_164] : memref<1536xf32, #tpu.memory_space<vmem>> -> memref<512xf32, #tpu.memory_space<vmem>>
      %dma_start3A_166 = tpu.memref_slice %arg7[%add3A_159] : memref<49152xf32, #tpu.memory_space<hbm>> -> memref<512xf32, #tpu.memory_space<hbm>>
      %dma_start3A_167 = tpu.memref_slice %arg7[%add3A_159] : memref<49152xf32, #tpu.memory_space<hbm>> -> memref<512xf32, #tpu.memory_space<hbm>>
      %dma_start3A_168 = arith.constant 0 : i32
      %dma_start3A_169 = tpu.memref_slice %arg16[%dma_start3A_168] : memref<1536xf32, #tpu.memory_space<vmem>> -> memref<512xf32, #tpu.memory_space<vmem>>
      tpu.enqueue_dma source(%dma_start3A_169 : memref<512xf32, #tpu.memory_space<vmem>>) target(%dma_start3A_167 : memref<512xf32, #tpu.memory_space<hbm>>) target_semaphore(%run_scoped3A : memref<!tpu.dma_semaphore, #tpu.memory_space<semaphore_mem>>)
      %dma_wait3A = arith.constant 0 : i32
      %dma_wait3A_170 = tpu.memref_slice %arg16[%dma_wait3A] : memref<1536xf32, #tpu.memory_space<vmem>> -> memref<512xf32, #tpu.memory_space<vmem>>
      %dma_wait3A_171 = tpu.memref_slice %arg7[%add3A_159] : memref<49152xf32, #tpu.memory_space<hbm>> -> memref<512xf32, #tpu.memory_space<hbm>>
      %dma_wait3A_172 = tpu.memref_slice %arg7[%add3A_159] : memref<49152xf32, #tpu.memory_space<hbm>> -> memref<512xf32, #tpu.memory_space<hbm>>
      %dma_wait3A_173 = arith.constant 0 : i32
      %dma_wait3A_174 = tpu.memref_slice %arg16[%dma_wait3A_173] : memref<1536xf32, #tpu.memory_space<vmem>> -> memref<512xf32, #tpu.memory_space<vmem>>
      tpu.wait_dma2 semaphore(%run_scoped3A : memref<!tpu.dma_semaphore, #tpu.memory_space<semaphore_mem>>) src(%dma_wait3A_174 : memref<512xf32, #tpu.memory_space<vmem>>) dst(%dma_wait3A_172 : memref<512xf32, #tpu.memory_space<hbm>>)
      tpu.yield
    }) : () -> ()
    %add3A_160 = arith.constant 16384 : i32
    %add3A_161 = arith.addi %add3A_160, %mul3A_2 : i32
    "tpu.region"() ({
      %run_scoped3A = tpu.sem_alloc : memref<!tpu.dma_semaphore, #tpu.memory_space<semaphore_mem>>
      %dma_start3A_164 = arith.constant 512 : i32
      %dma_start3A_165 = tpu.memref_slice %arg16[%dma_start3A_164] : memref<1536xf32, #tpu.memory_space<vmem>> -> memref<512xf32, #tpu.memory_space<vmem>>
      %dma_start3A_166 = tpu.memref_slice %arg7[%add3A_161] : memref<49152xf32, #tpu.memory_space<hbm>> -> memref<512xf32, #tpu.memory_space<hbm>>
      %dma_start3A_167 = tpu.memref_slice %arg7[%add3A_161] : memref<49152xf32, #tpu.memory_space<hbm>> -> memref<512xf32, #tpu.memory_space<hbm>>
      %dma_start3A_168 = arith.constant 512 : i32
      %dma_start3A_169 = tpu.memref_slice %arg16[%dma_start3A_168] : memref<1536xf32, #tpu.memory_space<vmem>> -> memref<512xf32, #tpu.memory_space<vmem>>
      tpu.enqueue_dma source(%dma_start3A_169 : memref<512xf32, #tpu.memory_space<vmem>>) target(%dma_start3A_167 : memref<512xf32, #tpu.memory_space<hbm>>) target_semaphore(%run_scoped3A : memref<!tpu.dma_semaphore, #tpu.memory_space<semaphore_mem>>)
      %dma_wait3A = arith.constant 512 : i32
      %dma_wait3A_170 = tpu.memref_slice %arg16[%dma_wait3A] : memref<1536xf32, #tpu.memory_space<vmem>> -> memref<512xf32, #tpu.memory_space<vmem>>
      %dma_wait3A_171 = tpu.memref_slice %arg7[%add3A_161] : memref<49152xf32, #tpu.memory_space<hbm>> -> memref<512xf32, #tpu.memory_space<hbm>>
      %dma_wait3A_172 = tpu.memref_slice %arg7[%add3A_161] : memref<49152xf32, #tpu.memory_space<hbm>> -> memref<512xf32, #tpu.memory_space<hbm>>
      %dma_wait3A_173 = arith.constant 512 : i32
      %dma_wait3A_174 = tpu.memref_slice %arg16[%dma_wait3A_173] : memref<1536xf32, #tpu.memory_space<vmem>> -> memref<512xf32, #tpu.memory_space<vmem>>
      tpu.wait_dma2 semaphore(%run_scoped3A : memref<!tpu.dma_semaphore, #tpu.memory_space<semaphore_mem>>) src(%dma_wait3A_174 : memref<512xf32, #tpu.memory_space<vmem>>) dst(%dma_wait3A_172 : memref<512xf32, #tpu.memory_space<hbm>>)
      tpu.yield
    }) : () -> ()
    %add3A_162 = arith.constant 32768 : i32
    %add3A_163 = arith.addi %add3A_162, %mul3A_2 : i32
    "tpu.region"() ({
      %run_scoped3A = tpu.sem_alloc : memref<!tpu.dma_semaphore, #tpu.memory_space<semaphore_mem>>
      %dma_start3A_164 = arith.constant 1024 : i32
      %dma_start3A_165 = tpu.memref_slice %arg16[%dma_start3A_164] : memref<1536xf32, #tpu.memory_space<vmem>> -> memref<512xf32, #tpu.memory_space<vmem>>
      %dma_start3A_166 = tpu.memref_slice %arg7[%add3A_163] : memref<49152xf32, #tpu.memory_space<hbm>> -> memref<512xf32, #tpu.memory_space<hbm>>
      %dma_start3A_167 = tpu.memref_slice %arg7[%add3A_163] : memref<49152xf32, #tpu.memory_space<hbm>> -> memref<512xf32, #tpu.memory_space<hbm>>
      %dma_start3A_168 = arith.constant 1024 : i32
      %dma_start3A_169 = tpu.memref_slice %arg16[%dma_start3A_168] : memref<1536xf32, #tpu.memory_space<vmem>> -> memref<512xf32, #tpu.memory_space<vmem>>
      tpu.enqueue_dma source(%dma_start3A_169 : memref<512xf32, #tpu.memory_space<vmem>>) target(%dma_start3A_167 : memref<512xf32, #tpu.memory_space<hbm>>) target_semaphore(%run_scoped3A : memref<!tpu.dma_semaphore, #tpu.memory_space<semaphore_mem>>)
      %dma_wait3A = arith.constant 1024 : i32
      %dma_wait3A_170 = tpu.memref_slice %arg16[%dma_wait3A] : memref<1536xf32, #tpu.memory_space<vmem>> -> memref<512xf32, #tpu.memory_space<vmem>>
      %dma_wait3A_171 = tpu.memref_slice %arg7[%add3A_163] : memref<49152xf32, #tpu.memory_space<hbm>> -> memref<512xf32, #tpu.memory_space<hbm>>
      %dma_wait3A_172 = tpu.memref_slice %arg7[%add3A_163] : memref<49152xf32, #tpu.memory_space<hbm>> -> memref<512xf32, #tpu.memory_space<hbm>>
      %dma_wait3A_173 = arith.constant 1024 : i32
      %dma_wait3A_174 = tpu.memref_slice %arg16[%dma_wait3A_173] : memref<1536xf32, #tpu.memory_space<vmem>> -> memref<512xf32, #tpu.memory_space<vmem>>
      tpu.wait_dma2 semaphore(%run_scoped3A : memref<!tpu.dma_semaphore, #tpu.memory_space<semaphore_mem>>) src(%dma_wait3A_174 : memref<512xf32, #tpu.memory_space<vmem>>) dst(%dma_wait3A_172 : memref<512xf32, #tpu.memory_space<hbm>>)
      tpu.yield
    }) : () -> ()
    return
  }
}

module attributes {stable_mosaic.version = 14 : i64} {
  func.func @_tc_body(%arg0: memref<3x16384xf32, #tpu.memory_space<vmem>>, %arg1: memref<3x16384xf32, #tpu.memory_space<vmem>>, %arg2: memref<3x16384xf32, #tpu.memory_space<vmem>>, %arg3: memref<1x16384xf32, #tpu.memory_space<vmem>>, %arg4: memref<3x16384xf32, #tpu.memory_space<vmem>>) attributes {dimension_semantics = [], scalar_prefetch = 0 : i64, scratch_operands = 0 : i64, tpu.core_type = #tpu.core_type<tc>} {
    %get3A = arith.constant 0 : index
    %get3A_0 = arith.constant 0 : index
    %get3A_1 = vector.load %arg0[%get3A, %get3A_0] : memref<3x16384xf32, #tpu.memory_space<vmem>>, vector<3x16384xf32>
    %get3A_2 = arith.constant 0 : index
    %get3A_3 = arith.constant 0 : index
    %get3A_4 = vector.load %arg1[%get3A_2, %get3A_3] : memref<3x16384xf32, #tpu.memory_space<vmem>>, vector<3x16384xf32>
    %get3A_5 = arith.constant 0 : index
    %get3A_6 = arith.constant 0 : index
    %get3A_7 = vector.load %arg2[%get3A_5, %get3A_6] : memref<3x16384xf32, #tpu.memory_space<vmem>>, vector<3x16384xf32>
    %sub3A = arith.subf %get3A_7, %get3A_1 : vector<3x16384xf32>
    %mul3A = arith.mulf %sub3A, %get3A_4 : vector<3x16384xf32>
    %reduce_sum3A = arith.constant dense<0.000000e+00> : vector<16384xf32>
    %reduce_sum3A_8 = vector.multi_reduction <add>, %mul3A, %reduce_sum3A [0] : vector<3x16384xf32> to vector<16384xf32>
    %broadcast_in_dim3A = vector.shape_cast %reduce_sum3A_8 : vector<16384xf32> to vector<1x16384xf32>
    %mul3A_9 = vector.broadcast %broadcast_in_dim3A : vector<1x16384xf32> to vector<3x16384xf32>
    %mul3A_10 = arith.mulf %mul3A_9, %get3A_4 : vector<3x16384xf32>
    %sub3A_11 = arith.subf %sub3A, %mul3A_10 : vector<3x16384xf32>
    %mul3A_12 = arith.mulf %sub3A_11, %sub3A_11 : vector<3x16384xf32>
    %reduce_sum3A_13 = arith.constant dense<0.000000e+00> : vector<16384xf32>
    %reduce_sum3A_14 = vector.multi_reduction <add>, %mul3A_12, %reduce_sum3A_13 [0] : vector<3x16384xf32> to vector<16384xf32>
    %broadcast_in_dim3A_15 = vector.shape_cast %reduce_sum3A_14 : vector<16384xf32> to vector<1x16384xf32>
    %sqrt3A = math.sqrt %broadcast_in_dim3A_15 : vector<1x16384xf32>
    %max3A = arith.constant 9.99999997E-7 : f32
    %max3A_16 = vector.broadcast %max3A : f32 to vector<1x16384xf32>
    %max3A_17 = arith.maximumf %sqrt3A, %max3A_16 : vector<1x16384xf32>
    %mul3A_18 = arith.constant 5.000000e-01 : f32
    %mul3A_19 = vector.broadcast %mul3A_18 : f32 to vector<1x16384xf32>
    %mul3A_20 = arith.mulf %max3A_17, %mul3A_19 : vector<1x16384xf32>
    %get3A_21 = arith.constant 0 : index
    %get3A_22 = arith.constant 0 : index
    %get3A_23 = vector.load %arg3[%get3A_21, %get3A_22] : memref<1x16384xf32, #tpu.memory_space<vmem>>, vector<1x16384xf32>
    %sqrt3A_24 = math.sqrt %get3A_23 : vector<1x16384xf32>
    %gt3A = arith.cmpf ogt, %mul3A_20, %sqrt3A_24 : vector<1x16384xf32>
    %select_n3A = arith.select %gt3A, %sqrt3A_24, %mul3A_20 : vector<1x16384xi1>, vector<1x16384xf32>
    %div3A = arith.divf %select_n3A, %max3A_17 : vector<1x16384xf32>
    %mul3A_25 = vector.broadcast %div3A : vector<1x16384xf32> to vector<3x16384xf32>
    %mul3A_26 = arith.mulf %sub3A_11, %mul3A_25 : vector<3x16384xf32>
    %add3A = arith.addf %get3A_1, %mul3A_26 : vector<3x16384xf32>
    %swap3A = arith.constant 0 : index
    %swap3A_27 = arith.constant 0 : index
    %swap3A_28 = vector.load %arg4[%swap3A, %swap3A_27] : memref<3x16384xf32, #tpu.memory_space<vmem>>, vector<3x16384xf32>
    tpu.vector_store %arg4[%swap3A, %swap3A_27], %add3A {strides = array<i32>} : memref<3x16384xf32, #tpu.memory_space<vmem>>, vector<3x16384xf32>,
    return
  }
}

</mosaic_0001>

<sc_bundles>
// kernel: kernel.4.cloned.1.call-start
scs
__scs_entry_jumppad:
0x0: {  	(pc) =	sbr.rel $0x88, $3  }
0x1: {  	(tag) =	ssettag $0x0;
	lr =	simm.s32 $0x1  }
0x2: {  	[smem:$0x3F9D] =	sst lr;
	_ =	strace $0xD0000000  }
0x3: {  	_ = 	snop  }
0x4: {  	_ = 	snop  }
0x5: {  	_ = 	snop  }
0x6: {  	_ = 	snop  }
0x7: {  	_ = 	snop  }
__scs_overlays_trampoline_lowered:
0x8: {  	[smem:$0x3FAC] =	sst s0  }
0x9: {  	[smem:$0x3FAD] =	sst s1  }
0xa: {  	[smem:$0x3FAE] =	sst s2  }
0xb: {  	[smem:$0x3FAF] =	sst s3  }
0xc: {  	[smem:$0x3FB0] =	sst s4  }
0xd: {  	[smem:$0x3FB1] =	sst s5  }
0xe: {  	[smem:$0x3FB2] =	sst s6  }
0xf: {  	[smem:$0x3FB3] =	sst s7  }
0x10: {  	[smem:$0x3FB4] =	sst s8  }
0x11: {  	[smem:$0x3FB5] =	sst s9;
	s0 =	simm.s32 @!p0 $0x0  }
0x12: {  	s1 =	sld [smem:$0x3F9B];
	s0 =	simm.s32 @p0 $0x1  }
0x13: {  	[smem:$0x3FB6] =	sst s0;
	s0 =	simm.s32 @!p1 $0x0  }
0x14: {  	s2 =	sld [smem:$0x3F9A];
	s0 =	simm.s32 @p1 $0x1  }
0x15: {  	[smem:$0x3FB7] =	sst s0;
	s0 =	simm.s32 @!p2 $0x0  }
0x16: {  	s3 =	sld [smem:$0x3FDB];
	s0 =	simm.s32 @p2 $0x1  }
0x17: {  	s4 =	simm.s32 $0x1BF5;
	[smem:$0x3FB9] =	sst s0  }
0x18: {  	s0 =	sld [smem:$0x3F9C];
	_ =	swait.ge [sflag:s4], $0x0  }
0x19: {  	s7 =	sld [smem:$0x3F9D]  }
0x1a: {  	s8 =	sadd.s32 $0xFFFFE003, lr  }
0x1b: {  	s9 =	sadd.s32 $0xFFFFFEF7, lr;
	s5 =	simm.s32 $0xFFFFFFFF;
	p2 =	slt.u32 s8, $0xFFFFF086  }
0x1c: {  	p1 =	slt.u32 s9, $0xF7A;
	s5 =	simm.s32 @!p2 $0x0  }
0x1d: {  	s5 =	simm.s32 @p1 $0x1;
	p0 =	seq.s32 s7, s2  }
0x1e: {  	s7 =	smul.u32 @!p0 $0xF7A, s2;
	p2 =	seq.s32 @!p0 s5, $0x0  }
0x1f: {  	s9 =	smul.u32 $0xF7A, s1;
	s8 =	simm.s32 @!p0 $0x1BF5;
	p2 =	por !p2, p0  }
0x20: {  	[sflag:s8] =	ssyncset.s32 @!p0 $0xFFFFF086;
	s6 =	sadd.s32 @!p0 s3, s7;
	s7 =	simm.s32 @!p0 $0x108  }
0x21: {  	s3 =	sadd.s32 s3, s9;
	s6 =	sadd.s32 @!p0 $0x88, s6;
	s7 =	simm.s32 @p2 $0x1082  }
0x22: {  	[simem:s7], [sflag:s8] =	dma.local @!p0 [hbm:s6], $0xF7A  }
0x23: {  	s9 =	sor.u32 $0xD0000000, s2;
	s6 =	simm.s32 $0x108;
	_ =	swait.ge @!p0 [sflag:s8], $0x0  }
0x24: {  	s3 =	sadd.s32 $0x88, s3;
	s6 =	simm.s32 @!p1 $0x1082;
	[sflag:s4] =	ssyncset.s32 $0xFFFFF086  }
0x25: {  	[simem:s6], [sflag:s4] =	dma.local [hbm:s3], $0xF7A  }
0x26: {  	[smem:$0x3F9D] =	sst s1;
	(tag) =	ssettag s2;
	_ =	strace s9  }
0x27: {  	s1 =	sld [smem:$0x3FAD]  }
0x28: {  	s2 =	sld [smem:$0x3FAE]  }
0x29: {  	s4 =	sld [smem:$0x3FB0]  }
0x2a: {  	p0 =	seq.s32 s5, $0x0;
	s5 =	sld [smem:$0x3FB1]  }
0x2b: {  	s6 =	sld [smem:$0x3FB2]  }
0x2c: {  	s7 =	sld [smem:$0x3FB3]  }
0x2d: {  	s3 =	simm.s32 $0x108;
	s8 =	sld [smem:$0x3FB4]  }
0x2e: {  	s3 =	simm.s32 @!p0 $0x1082;
	s9 =	sld [smem:$0x3FB5]  }
0x2f: {  	lr =	sadd.s32 s0, s3;
	s0 =	sld [smem:$0x3FAC]  }
0x30: {  	s3 =	sld [smem:$0x3FAF]  }
0x31: {  	[smem:$0x3FB8] =	sst s10  }
0x32: {  	s10 =	sld [smem:$0x3FB6];
	_ =	sdelay $0x3  }
0x33: {  	p0 =	seq.s32 s10, $0x1;
	s10 =	sld [smem:$0x3FB8];
	_ =	sdelay $0x3  }
0x34: {  	[smem:$0x3FB8] =	sst s10  }
0x35: {  	s10 =	sld [smem:$0x3FB7];
	_ =	sdelay $0x3  }
0x36: {  	p1 =	seq.s32 s10, $0x1;
	s10 =	sld [smem:$0x3FB8];
	_ =	sdelay $0x3  }
0x37: {  	[smem:$0x3FB8] =	sst s10  }
0x38: {  	s10 =	sld [smem:$0x3FB9]  }
0x39: {  	_ = 	snop;
	(pc) =	sbr.ind lr, $3  }
0x3a: {  	_ = 	snop  }
0x3b: {  	_ = 	snop  }
0x3c: {  	p2 =	seq.s32 s10, $0x1;
	s10 =	sld [smem:$0x3FB8]  }
0x3d: {  	_ =	shalt  }
0x3e: {  	_ =	shalt  }
0x3f: {  	_ =	shalt  }
0x40: {  	_ =	shalt  }
0x41: {  	_ =	shalt  }
0x42: {  	_ =	shalt  }
0x43: {  	_ =	shalt  }
0x44: {  	_ =	shalt  }
0x45: {  	_ =	shalt  }
0x46: {  	_ =	shalt  }
0x47: {  	_ =	shalt  }
0x48: {  	_ =	shalt  }
0x49: {  	_ =	shalt  }
0x4a: {  	_ =	shalt  }
0x4b: {  	_ =	shalt  }
0x4c: {  	_ =	shalt  }
0x4d: {  	_ =	shalt  }
0x4e: {  	_ =	shalt  }
0x4f: {  	_ =	shalt  }
0x50: {  	_ =	shalt  }
0x51: {  	_ =	shalt  }
0x52: {  	_ =	shalt  }
0x53: {  	_ =	shalt  }
0x54: {  	_ =	shalt  }
0x55: {  	_ =	shalt  }
0x56: {  	_ =	shalt  }
0x57: {  	_ =	shalt  }
0x58: {  	_ =	shalt  }
0x59: {  	_ =	shalt  }
0x5a: {  	_ =	shalt  }
0x5b: {  	_ =	shalt  }
0x5c: {  	_ =	shalt  }
0x5d: {  	_ =	shalt  }
0x5e: {  	_ =	shalt  }
0x5f: {  	_ =	shalt  }
0x60: {  	_ =	shalt  }
0x61: {  	_ =	shalt  }
0x62: {  	_ =	shalt  }
0x63: {  	_ =	shalt  }
0x64: {  	_ =	shalt  }
0x65: {  	_ =	shalt  }
0x66: {  	_ =	shalt  }
0x67: {  	_ =	shalt  }
0x68: {  	_ =	shalt  }
0x69: {  	_ =	shalt  }
0x6a: {  	_ =	shalt  }
0x6b: {  	_ =	shalt  }
0x6c: {  	_ =	shalt  }
0x6d: {  	_ =	shalt  }
0x6e: {  	_ =	shalt  }
0x6f: {  	_ =	shalt  }
0x70: {  	_ =	shalt  }
0x71: {  	_ =	shalt  }
0x72: {  	_ =	shalt  }
0x73: {  	_ =	shalt  }
0x74: {  	_ =	shalt  }
0x75: {  	_ =	shalt  }
0x76: {  	_ =	shalt  }
0x77: {  	_ =	shalt  }
0x78: {  	_ =	shalt  }
0x79: {  	_ =	shalt  }
0x7a: {  	_ =	shalt  }
0x7b: {  	_ =	shalt  }
0x7c: {  	_ =	shalt  }
0x7d: {  	_ =	shalt  }
0x7e: {  	_ =	shalt  }
0x7f: {  	_ =	shalt  }
0x80: {  	_ =	shalt  }
0x81: {  	_ =	shalt  }
0x82: {  	_ =	shalt  }
0x83: {  	_ =	shalt  }
0x84: {  	_ =	shalt  }
0x85: {  	_ =	shalt  }
0x86: {  	_ =	shalt  }
0x87: {  	_ =	shalt  }
.Lfunc_end0:
.L_simem_size_0:
called_computation_lowered:
.L_overlay_start_0:
0x88: {  	s2 =	sld [smem:$0x3FD9]  }
0x89: {  	s3 =	sld [smem:$0x3FFE];
	_ =	sdelay $0x1  }
0x8a: {  	s1 =	srdreg.scid  }
0x8b: {  	s0 =	sand.u32 $0x1, s1  }
0x8c: {  	s17 =	sshll.u32 s0, $0xA;
	s2 =	sadd.s32 s3, s2  }
0x8d: {  	s2 =	sadd.s32 s2, s17  }
0x8e: {  	[smem:$0x3FC4] =	sst s2  }
0x8f: {  	_ = 	snop  }
0x90: {  	s2 =	sld [smem:$0x3FC8]  }
0x91: {  	s18 =	sld [smem:$0x3FD0];
	(tm) =	ssettm $0x1  }
0x92: {  	s4 =	sld [smem:$0x3FFB];
	_ =	sdelay $0x3  }
0x93: {  	_ =	strace s4  }
0x94: {  	s4 =	sld [smem:$0x3FFC];
	_ =	sdelay $0x3  }
0x95: {  	_ =	strace s4  }
0x96: {  	s4 =	sld [smem:$0x3FFD];
	_ =	sdelay $0x3  }
0x97: {  	_ =	strace s4  }
0x98: {  	_ =	strace $0x8FFFFFFF  }
0x99: {  	s19 =	sld [smem:$0x3FDB];
	_ =	sdelay $0x1  }
0x9a: {  	s5 =	simm.s32 $_scs_section_size  }
0x9b: {  	s6 =	simm.s32 $_size__tile_overlayer_lowered;
	s7 =	simm.s32 $_tile_overlayer_lowered  }
0x9c: {  	s22 =	simm.s32 $0x1BFF;
	s21 =	sshll.u32 s7, $0x1;
	s4 =	sadd.s32 s5, s19  }
0x9d: {  	s8 =	simm.s32 $0x0;
	s20 =	sshll.u32 s6, $0x1;
	s6 =	sadd.s32 s21, s4  }
0x9e: {  	[timem:s8], [sflag:s22] =	dma.local [hbm:s6], s20  }
0x9f: {  	_ =	swait.ge [sflag:s22], s20  }
0xa0: {  	s5 =	ssub.s32 $0x0, s20;
	[sflag:s22] =	ssyncset.done $0x0  }
0xa1: {  	[sflag:s22] =	ssyncadd.s32 s5;
	_ =	sdelay $0x1  }
0xa2: {  	s23 =	simm.s32 $0x1B8B  }
0xa3: {  	_ =	swait.ge [sflag:s23], $0x1  }
0xa4: {  	[sflag:s23] =	ssyncset.done $0x0  }
0xa5: {  	s25 =	simm.s32 $0x1B8E;
	s24 =	sld [smem:$0x3FFE];
	[sflag:s23] =	ssyncadd.s32 $0xFFFFFFFF  }
0xa6: {  	s26 =	simm.s32 $execute0_lowered;
	[smem:$0x3FD2] =	sst s25  }
0xa7: {  	s6 =	sshll.u32 s26, $0x1;
	_ =	strace $0x80000046;
	[dreg:$0x1] =	wrdreg $0xFFFFFFFF  }
0xa8: {  	s28 =	simm.s32 $_size_execute0_lowered;
	s4 =	sadd.s32 s4, s6;
	[dreg:$0x0] =	wrdreg $0x0  }
0xa9: {  	s6 =	sshll.u32 s28, $0x1;
	[dreg:$0x2] =	wrdreg s4  }
0xaa: {  	[dreg:$0x3] =	wrdreg s6  }
0xab: {  	[dreg:$0x4] =	wrdreg $0xC0  }
0xac: {  	_ =	task [dreg:s8], $0x5FFFF  }
0xad: {  	[dreg:$0x1] =	wrdreg $0xFFFFFFFF  }
0xae: {  	[dreg:$0x0] =	wrdreg $0x60  }
0xaf: {  	[dreg:$0x2] =	wrdreg s2  }
0xb0: {  	[dreg:$0x3] =	wrdreg s24  }
0xb1: {  	[dreg:$0x4] =	wrdreg s18  }
0xb2: {  	[dreg:$0x5] =	wrdreg $0x9  }
0xb3: {  	_ =	task.clear_ibuf [dreg:s8], $0x6FFFF;
	_ =	strace $0x90000046  }
0xb4: {  	s29 =	simm.s32 $0x9;
	_ =	strace $0x80000048  }
0xb5: {  	_ =	swait.ge [sflag:s29], $0x1  }
0xb6: {  	[sflag:s29] =	ssyncadd.s32 $0xFFFFFFFF  }
0xb7: {  	_ =	strace $0x90000048  }
0xb8: {  	_ =	sfence  }
0xb9: {  	s30 =	sld [smem:$0x0];
	_ =	sdelay $0x2  }
0xba: {  	s31 =	sshll.u32 s1, $0xD;
	s1 =	sshrl.u32 s1, $0x2  }
0xbb: {  	s3 =	sand.u32 $0x4000, s31;
	s1 =	sadd.s32 s1, s30  }
0xbc: {  	s0 =	sor.u32 s3, s0;
	s1 =	sshll.u32 s1, $0x11  }
0xbd: {  	s0 =	sor.u32 s1, s0  }
0xbe: {  	s0 =	sadd.s32 $0x8F2B, s0  }
0xbf: {  	[sflag:s0] =	ssyncadd.remote.s32 $0x1  }
0xc0: {  	_ =	sfence.sel $0xFFFF  }
0xc1: {  	[dreg:$0x0] =	wrdreg $0xFFFFFFFF;
	(pc) =	sbr.abs _section_cstart, $3  }
0xc2: {  	[dreg:$0x1] =	wrdreg $0xFFFFFFFF  }
0xc3: {  	_ =	task.clear_ibuf [dreg:s8], $0x2FFFF;
	_ =	strace $0x9FFFFFFF  }
0xc4: {  	(tm) =	ssettm $0x7FFFFFFF  }
0xc5: {  	_ =	shalt  }
tec
execute0_lowered:
.L_overlay_start_1:
0x0: {  	(tag) =	ssettag $0x1  }
0x1: {  	s0 =	srdreg.scid;
	s1 =	rddreg [dreg:$0x0]  }
0x2: {  	s14 =	stileid.u32;
	s4 =	rddreg [dreg:$0x1]  }
0x3: {  	s6 =	rddreg [dreg:$0x2];
	s5 =	simm.s32 $0x1;
	s28 =	simm.s32 $0x8000  }
0x4: {  	s30 =	simm.s32 $0xC000;
	s29 =	simm.s32 $0x14000;
	s31 =	simm.s32 $0x2  }
0x5: {  	s0 =	sand.u32 $0x1, s0;
	s3 =	sand.u32 $0x3, s14;
	s26 =	sshll.u32 s14, $0x9  }
0x6: {  	s2 =	sshll.u32 s0, $0x4;
	p1 =	sne.s32 s3, $0x0;
	s3 =	simm.s32 $0x0  }
0x7: {  	s16 =	ssub.s32 $0x2, s0;
	s0 =	sshll.u32 s0, $0xD;
	s2 =	sor.u32 s14, s2  }
0x8: {  	[smem:$0x7FF] =	sst s3;
	s10 =	sshrl.u32 s16, $0x1;
	s0 =	sor.u32 s26, s0  }
0x9: {  	s26 =	simm.s32 $0x5;
	p0 =	seq.s32 s2, $0x0;
	s7 =	sshll.u32 s2, $0xB  }
0xa: {  	s8 =	sshrl.u32 s2, $0x2;
	_ =	strace $0x80000047;
	p0 =	por !p1, !p0  }
0xb: {  	s15 =	sshll.u32 s2, $0x6;
	s7 =	sadd.s32 s7, s4;
	p0 =	por !p0, !p0  }
0xc: {  	s2 =	sshll.u32 s2, $0x9;
	s21 =	sadd.s32 $0x1A00, s7;
	s5 =	simm.s32 @!p0 $0x0  }
0xd: {  	s10 =	ssub.s32 s16, s10;
	[dreg:$0xc] =	wrdreg s21;
	s5 =	ssub.s32 s8, s5  }
0xe: {  	s8 =	sadd.s32 s15, s4;
	s4 =	simm.s32 $0x1;
	s9 =	sshll.u32 s5, $0xB  }
0xf: {  	s11 =	sshll.u32 s5, $0x16;
	s5 =	sadd.s32 $0x400, s1;
	s23 =	sadd.s32 $0x1200, s8  }
0x10: {  	s21 =	sadd.s32 $0x12200, s8;
	s2 =	ssub.s32 s2, s9;
	s22 =	sadd.s32 $0x4000, s9  }
0x11: {  	[dreg:$0xd] =	wrdreg s23;
	s24 =	sshrl.u32 s9, $0x3;
	s25 =	sadd.s32 $0x8000, s9  }
0x12: {  	s0 =	ssub.s32 s0, s9;
	s23 =	smax.u32 s10, $0x1;
	s2 =	sshll.u32 s2, $0xB  }
0x13: {  	s7 =	sadd.s32 s6, s24;
	s0 =	sshll.u32 s0, $0xB;
	s2 =	sadd.s32 s11, s2  }
0x14: {  	[dreg:$0xe] =	wrdreg s7;
	s24 =	sadd.s32 s0, s11;
	s0 =	simm.s32 $0x12000  }
0x15: {  	s7 =	simm.s32 $0x4;
	s12 =	sshrl.u32 s2, $0x3;
	s13 =	sor.u32 $0x4000, s2  }
0x16: {  	s18 =	sor.u32 $0x8000, s2;
	s2 =	sor.u32 $0xC000, s2;
	s15 =	sadd.s32 s1, s12  }
0x17: {  	s12 =	sadd.s32 s12, s5;
	s17 =	sshrl.u32 s13, $0x3;
	[dreg:$0x4] =	wrdreg s15  }
0x18: {  	s19 =	sshrl.u32 s18, $0x3;
	[dreg:$0x5] =	wrdreg s12;
	s13 =	sadd.s32 s1, s17  }
0x19: {  	s2 =	sshrl.u32 s2, $0x3;
	s12 =	sadd.s32 s17, s5;
	[dreg:$0x6] =	wrdreg s13  }
0x1a: {  	v0 =	vlaneseq.u32;
	s20 =	sadd.s32 s1, s2;
	s2 =	sadd.s32 s2, s5;
	[dreg:$0x7] =	wrdreg s12  }
0x1b: {  	vm0 =	vmmov $0x1;
	vm1 =	vmmov $0x3;
	vm2 =	vmmov $0x7;
	s13 =	sadd.s32 s1, s19;
	s12 =	sadd.s32 s19, s5;
	[dreg:$0xa] =	wrdreg s20  }
.Ltmp0:
0x1c: {  	vm3 =	vmmov $0xf;
	vm4 =	vmmov $0x1f;
	vm5 =	vmmov $0x3f;
	[dreg:$0xb] =	wrdreg s2;
	s2 =	sshrl.u32 s22, $0x3;
	(pc) =	sbr.rel .LBB2_1-.Ltmp0, $4  }
0x1d: {  	vm6 =	vmmov $0x7f;
	vm7 =	vcmask $0x2320;
	vm8 =	vmmov $0x1ff;
	s19 =	sadd.s32 $0x13200, s8;
	s20 =	sadd.s32 $0x11A00, s8;
	[dreg:$0x8] =	wrdreg s13  }
0x1e: {  	vm9 =	vmmov $0x3ff;
	vm10 =	vmmov $0x7ff;
	v1 =	vmul.u32 $0xFFFFFFFF, v0;
	s22 =	sadd.s32 $0x12A00, s8;
	s8 =	simm.s32 $0x0;
	[dreg:$0x9] =	wrdreg s12  }
0x1f: {  	vm11 =	vmmov $0xfff;
	vm12 =	vmmov $0x1fff;
	vm13 =	vmmov $0x3fff;
	s17 =	sadd.s32 s6, s2;
	s2 =	sshrl.u32 s25, $0x3;
	s25 =	simm.s32 $0x4000  }
0x20: {  	vm14 =	vmmov $0x7fff;
	v0 =	vmul.u32 $0x20, v0;
	v1 =	vadd.s32 $0xF, v1;
	s18 =	sadd.s32 s6, s2;
	s2 =	simm.s32 $0x10000;
	s6 =	simm.s32 $0x3  }
.LBB2_6:
0x21: {  	[tilespmem:s10+$0x0] =	vst v2;
	s9 =	simm.s32 $0x15A00  }
0x22: {  	[hbm4b:s19+s3] =	stream.linear.scatter [tilespmem:s9], [sflag:$0x5], $0x200, $0x38;
	[tilespmem:$0x16200] =	vst v63  }
0x23: {  	_ =	swait.ge [sflag:s26], $0x200  }
0x24: {  	[sflag:s26] =	ssyncset.done $0x0  }
0x25: {  	s14 =	simm.s32 $0x15C00;
	[sflag:s26] =	ssyncadd.s32 $0xFFFFFE00  }
0x26: {  	[hbm4b:s20+s3] =	stream.linear.scatter [tilespmem:s14], [sflag:$0x5], $0x200, $0x38;
	[tilespmem:$0x16200] =	vst v63  }
0x27: {  	_ =	swait.ge [sflag:s26], $0x200  }
0x28: {  	[sflag:s26] =	ssyncset.done $0x0  }
0x29: {  	s15 =	simm.s32 $0x15E00;
	[sflag:s26] =	ssyncadd.s32 $0xFFFFFE00  }
0x2a: {  	[hbm4b:s21+s3] =	stream.linear.scatter [tilespmem:s15], [sflag:$0x5], $0x200, $0x38;
	[tilespmem:$0x16200] =	vst v63  }
0x2b: {  	s8 =	sadd.s32 $0x1, s8;
	_ =	swait.ge [sflag:s26], $0x200  }
0x2c: {  	p0 =	sne.s32 s8, s23;
	[sflag:s26] =	ssyncset.done $0x0  }
.Ltmp1:
0x2d: {  	s16 =	simm.s32 $0x16000;
	[sflag:s26] =	ssyncadd.s32 $0xFFFFFE00;
	(pc) =	sbr.rel @!p0 .LBB2_7-.Ltmp1, $4  }
0x2e: {  	[hbm4b:s22+s3] =	stream.linear.scatter [tilespmem:s16], [sflag:$0x5], $0x200, $0x38;
	[tilespmem:$0x16200] =	vst v63  }
0x2f: {  	_ =	swait.ge [sflag:s26], $0x200  }
0x30: {  	[sflag:s26] =	ssyncset.done $0x0  }
0x31: {  	[sflag:s26] =	ssyncadd.s32 $0xFFFFFE00  }
.LBB2_1:
0x32: {  	s9 =	rddreg [dreg:$0x4]  }
0x33: {  	[tilespmem:s25], [sflag:$0x1] =	stream.linear.gather [hbm4b:s9+s3], $0x2000, $0x38;
	[tilespmem:$0x16200] =	vst v63  }
0x34: {  	s16 =	rddreg [dreg:$0x5];
	s10 =	simm.s32 $0x6000  }
0x35: {  	[tilespmem:s10], [sflag:$0x1] =	stream.linear.gather [hbm4b:s16+s3], $0x2000, $0x38;
	[tilespmem:$0x16200] =	vst v63  }
0x36: {  	s11 =	rddreg [dreg:$0x6]  }
0x37: {  	[tilespmem:s28], [sflag:$0x2] =	stream.linear.gather [hbm4b:s11+s3], $0x2000, $0x38;
	[tilespmem:$0x16200] =	vst v63  }
0x38: {  	s12 =	rddreg [dreg:$0x7];
	s13 =	simm.s32 $0xA000  }
0x39: {  	[tilespmem:s13], [sflag:$0x2] =	stream.linear.gather [hbm4b:s12+s3], $0x2000, $0x38;
	[tilespmem:$0x16200] =	vst v63  }
0x3a: {  	s14 =	rddreg [dreg:$0x8]  }
0x3b: {  	[tilespmem:s30], [sflag:$0x3] =	stream.linear.gather [hbm4b:s14+s3], $0x2000, $0x38;
	[tilespmem:$0x16200] =	vst v63  }
0x3c: {  	s15 =	rddreg [dreg:$0x9];
	s16 =	simm.s32 $0xE000  }
0x3d: {  	[tilespmem:s16], [sflag:$0x3] =	stream.linear.gather [hbm4b:s15+s3], $0x2000, $0x38;
	[tilespmem:$0x16200] =	vst v63  }
0x3e: {  	s10 =	rddreg [dreg:$0xa]  }
0x3f: {  	[tilespmem:s2], [sflag:$0x4] =	stream.linear.gather [hbm4b:s10+s3], $0x2000, $0x38;
	[tilespmem:$0x16200] =	vst v63  }
0x40: {  	s11 =	rddreg [dreg:$0xb]  }
0x41: {  	[tilespmem:s0], [sflag:$0x4] =	stream.linear.gather [hbm4b:s11+s3], $0x2000, $0x38;
	[tilespmem:$0x16200] =	vst v63  }
0x42: {  	s12 =	rddreg [dreg:$0xc]  }
0x43: {  	[tilespmem:s3], [sflag:$0x5] =	stream.linear.gather [hbm4b:s12+s3], $0x4000, $0x38;
	[tilespmem:$0x16200] =	vst v63  }
0x44: {  	_ =	swait.ge [sflag:s26], $0x4000  }
0x45: {  	[sflag:s26] =	ssyncset.done $0x0  }
0x46: {  	s10 =	simm.s32 $0x15800;
	s13 =	rddreg [dreg:$0xd];
	[sflag:s26] =	ssyncadd.s32 $0xFFFFC000  }
0x47: {  	[tilespmem:s10], [sflag:$0x5] =	stream.linear.gather [hbm4b:s13+s3], $0x200, $0x38;
	[tilespmem:$0x16200] =	vst v63  }
0x48: {  	_ =	swait.ge [sflag:s26], $0x200  }
0x49: {  	[sflag:s26] =	ssyncset.done $0x0  }
0x4a: {  	s14 =	rddreg [dreg:$0xe];
	[sflag:s26] =	ssyncadd.s32 $0xFFFFFE00  }
0x4b: {  	[tilespmem:s29], [sflag:$0x5] =	stream.linear.gather [hbm4b:s14+s3], $0x800, $0x38;
	[tilespmem:$0x16200] =	vst v63  }
0x4c: {  	_ =	swait.ge [sflag:s26], $0x800  }
0x4d: {  	[sflag:s26] =	ssyncset.done $0x0  }
0x4e: {  	s15 =	simm.s32 $0x14800;
	[sflag:s26] =	ssyncadd.s32 $0xFFFFF800  }
0x4f: {  	[tilespmem:s15], [sflag:$0x5] =	stream.linear.gather [hbm4b:s17+s3], $0x800, $0x38;
	[tilespmem:$0x16200] =	vst v63  }
0x50: {  	_ =	swait.ge [sflag:s26], $0x800  }
0x51: {  	[sflag:s26] =	ssyncset.done $0x0  }
0x52: {  	s16 =	simm.s32 $0x15000;
	[sflag:s26] =	ssyncadd.s32 $0xFFFFF800  }
0x53: {  	[tilespmem:s16], [sflag:$0x5] =	stream.linear.gather [hbm4b:s18+s3], $0x800, $0x38;
	[tilespmem:$0x16200] =	vst v63  }
0x54: {  	_ =	swait.ge [sflag:s26], $0x800  }
0x55: {  	[sflag:s26] =	ssyncset.done $0x0  }
0x56: {  	s11 =	simm.s32 $0x15C00;
	s12 =	simm.s32 $0x0;
	[sflag:s26] =	ssyncadd.s32 $0xFFFFF800  }
.LBB2_2:
0x57: {  	v2 =	vld [tilespmem:s10+$0x0];
	_ =	sdelay $0x1  }
0x58: {  	v3 =	vmov s12  }
0x59: {  	v3 =	vshll.u32 v3, $0x5  }
0x5a: {  	v3 =	vor.u32 v0, v3  }
0x5b: {  	v2 =	vadd.s32 v3, v2;
	_ =	sdelay $0x3  }
0x5c: {  	s9 =	simm.s32 $0x0  }
0x5d: {  	v2 =	vld.idx.msk [tilespmem:v2+s9+$0x0], $0xffff;
	_ =	sdelay $0x7  }
0x5e: {  	v3 =	vld.idx.msk [tilespmem:v2+s29+$0x0], $0xffff  }
0x5f: {  	v4 =	vadd.s32 $0x800, v2;
	_ =	sdelay $0x3  }
0x60: {  	[tilespmem:s11+$0x0] =	vst v3  }
0x61: {  	v3 =	vld.idx.msk [tilespmem:v4+s29+$0x0], $0xffff  }
0x62: {  	v2 =	vadd.s32 $0x1000, v2;
	_ =	sdelay $0x2  }
0x63: {  	s13 =	sand.u32 $0x1F0, s12  }
0x64: {  	[tilespmem:s13+$0x15E00] =	vst v3  }
0x65: {  	p0 =	sne.s32 s12, $0x1F0;
	v2 =	vld.idx.msk [tilespmem:v2+s29+$0x0], $0xffff  }
.Ltmp2:
0x66: {  	_ = 	snop;
	(pc) =	sbr.rel @p0 .LBB2_2-.Ltmp2, $2  }
0x67: {  	_ =	sdelay $0x2  }
0x68: {  	s10 =	sadd.s32 $0x10, s10;
	s12 =	sadd.s32 $0x10, s12;
	s11 =	sadd.s32 $0x10, s11;
	[tilespmem:s13+$0x16000] =	vst v2  }
0x69: {  	s11 =	simm.s32 $0x200;
	s10 =	simm.s32 $0x15A10  }
.LBB2_4:
0x6a: {  	_ =	swait.ge [sflag:s4], $0x2000  }
0x6b: {  	[sflag:s4] =	ssyncset.done $0x0  }
0x6c: {  	[sflag:s4] =	ssyncadd.s32 $0xFFFFE000  }
0x6d: {  	_ =	swait.ge [sflag:s4], $0x2000  }
0x6e: {  	[sflag:s4] =	ssyncset.done $0x0  }
0x6f: {  	[sflag:s4] =	ssyncadd.s32 $0xFFFFE000  }
0x70: {  	v2 =	vld [tilespmem:s11+$0xFFFFFE00]  }
0x71: {  	v3 =	vld [tilespmem:s11+$0xFFFFFE10]  }
0x72: {  	v4 =	vld [tilespmem:s11+$0xFFFFFE20]  }
0x73: {  	v5 =	vld [tilespmem:s11+$0xFFFFFE30]  }
0x74: {  	v8 =	vld [tilespmem:s11+$0xFFFFFE40]  }
0x75: {  	v9 =	vld [tilespmem:s11+$0xFFFFFE50]  }
0x76: {  	v10 =	vld [tilespmem:s11+$0xFFFFFE60]  }
0x77: {  	v39 =	vld [tilespmem:s11+$0xFFFFFE70]  }
0x78: {  	v43 =	vld [tilespmem:s11+$0xFFFFFE80]  }
0x79: {  	v44 =	vld [tilespmem:s11+$0xFFFFFE90]  }
0x7a: {  	v14 =	vld [tilespmem:s11+$0xFFFFFEA0]  }
0x7b: {  	v45 =	vld [tilespmem:s11+$0xFFFFFEB0];
	v6 =	vand.u32 $0x7F, v2;
	v2 =	vshll.u32 v2, $0x3;
	v7 =	vshll.u32 v3, $0x3  }
0x7c: {  	v16 =	vld [tilespmem:s11+$0xFFFFFEC0];
	v3 =	vand.u32 $0x7F, v3;
	v36 =	vshll.u32 v4, $0x3;
	v4 =	vand.u32 $0x7F, v4  }
0x7d: {  	v48 =	vld [tilespmem:s11+$0xFFFFFED0];
	v37 =	vshll.u32 v5, $0x3;
	v5 =	vand.u32 $0x7F, v5;
	v40 =	vshll.u32 v8, $0x3  }
0x7e: {  	v51 =	vld [tilespmem:s11+$0xFFFFFEE0];
	v8 =	vand.u32 $0x7F, v8;
	v11 =	vshll.u32 v9, $0x3;
	v41 =	vand.u32 $0x7F, v9  }
0x7f: {  	v12 =	vand.u32 $0x7F, v10;
	v10 =	vshll.u32 v10, $0x3;
	v13 =	vshll.u32 v39, $0x3  }
0x80: {  	v46 =	vshll.u32 v43, $0x3;
	v15 =	vshll.u32 v44, $0x3;
	v9 =	vand.u32 $0x7F, v44  }
0x81: {  	v49 =	vshll.u32 v14, $0x3;
	v14 =	vand.u32 $0x7F, v14;
	v17 =	vshll.u32 v45, $0x3  }
0x82: {  	v18 =	vand.u32 $0x7F, v16;
	v16 =	vshll.u32 v16, $0x3;
	v19 =	vshll.u32 v48, $0x3  }
0x83: {  	v56 =	vshll.u32 v51, $0x3;
	v58 =	vand.u32 $0x7F, v51;
	v2 =	vand.u32 $0xFFFFFC00, v2  }
0x84: {  	v7 =	vand.u32 $0xFFFFFC00, v7;
	v38 =	vand.u32 $0xFFFFFC00, v37;
	v42 =	vand.u32 $0xFFFFFC00, v11  }
0x85: {  	v10 =	vand.u32 $0xFFFFFC00, v10;
	v13 =	vand.u32 $0xFFFFFC00, v13;
	v2 =	vor.u32 v6, v2  }
0x86: {  	v11 =	vand.u32 $0x7F, v43;
	v47 =	vand.u32 $0xFFFFFC00, v15;
	v6 =	vand.u32 $0xFFFFFC00, v36  }
0x87: {  	v50 =	vand.u32 $0xFFFFFC00, v17;
	v3 =	vor.u32 v3, v7;
	v4 =	vor.u32 v6, v4  }
0x88: {  	v5 =	vor.u32 v38, v5;
	v6 =	vand.u32 $0xFFFFFC00, v40;
	v4 =	vor.u32 $0x80, v4  }
0x89: {  	v53 =	vand.u32 $0xFFFFFC00, v16;
	v5 =	vor.u32 $0x80, v5;
	v6 =	vor.u32 v6, v8  }
0x8a: {  	v15 =	vand.u32 $0x7F, v48;
	v8 =	vor.u32 v42, v41;
	v6 =	vor.u32 $0x100, v6;
	v2 =	vld.idx.msk [tilespmem:v2+s25+$0x0], $0xffff  }
0x8b: {  	v52 =	vld [tilespmem:s11+$0xFFFFFEF0];
	v7 =	vand.u32 $0x7F, v39;
	v10 =	vor.u32 v10, v12;
	v8 =	vor.u32 $0x100, v8  }
0x8c: {  	v7 =	vor.u32 v13, v7;
	v10 =	vor.u32 $0x180, v10;
	v13 =	vand.u32 $0xFFFFFC00, v46;
	v3 =	vld.idx.msk [tilespmem:v3+s25+$0x0], $0xffff  }
0x8d: {  	v54 =	vand.u32 $0xFFFFFC00, v19;
	v7 =	vor.u32 $0x180, v7;
	v11 =	vor.u32 v13, v11;
	v4 =	vld.idx.msk [tilespmem:v4+s25+$0x0], $0xffff  }
0x8e: {  	v9 =	vor.u32 v47, v9;
	v13 =	vand.u32 $0xFFFFFC00, v49;
	v11 =	vor.u32 $0x200, v11;
	v5 =	vld.idx.msk [tilespmem:v5+s25+$0x0], $0xffff  }
0x8f: {  	v12 =	vand.u32 $0x7F, v45;
	v9 =	vor.u32 $0x200, v9;
	v13 =	vor.u32 v13, v14;
	(xrf1) =	vsort.ascd.msk.f32 $0xffff, v2, v2;
	v2 =	vld.idx.msk [tilespmem:v6+s25+$0x0], $0xffff  }
0x90: {  	v15 =	vor.u32 v54, v15;
	v12 =	vor.u32 v50, v12;
	v13 =	vor.u32 $0x280, v13;
	v8 =	vld.idx.msk [tilespmem:v8+s25+$0x0], $0xffff  }
0x91: {  	v59 =	vshll.u32 v52, $0x3;
	v12 =	vor.u32 $0x280, v12;
	v6 =	vor.u32 v53, v18;
	(xrf1) =	vsort.ascd.msk.f32 $0xffff, v3, v3;
	v3 =	vld.idx.msk [tilespmem:v10+s25+$0x0], $0xffff  }
0x92: {  	v55 =	vor.u32 $0x300, v15;
	v15 =	vand.u32 $0xFFFFFC00, v56;
	v57 =	vld.idx.msk [tilespmem:v7+s25+$0x0], $0xffff;
	v6 =	vor.u32 $0x300, v6;
	(xrf1) =	vsort.ascd.msk.f32 $0xffff, v4, v4  }
0x93: {  	v61 =	vand.u32 $0x7F, v52;
	v62 =	vand.u32 $0xFFFFFC00, v59;
	v7 =	vor.u32 v15, v58;
	v60 =	vld.idx.msk [tilespmem:v11+s25+$0x0], $0xffff;
	(xrf1) =	vsort.ascd.msk.f32 $0xffff, v5, v5  }
0x94: {  	v63 =	vor.u32 v62, v61;
	v7 =	vor.u32 $0x380, v7;
	(xrf1) =	vsort.ascd.msk.f32 $0xffff, v2, v2;
	v2 =	vld.idx.msk [tilespmem:v9+s25+$0x0], $0xffff  }
0x95: {  	v13 =	vld.idx.msk [tilespmem:v13+s25+$0x0], $0xffff;
	v9 =	vor.u32 $0x380, v63;
	(xrf1) =	vsort.ascd.msk.f32 $0xffff, v8, v8  }
0x96: {  	(xrf1) =	vsort.ascd.msk.f32 $0xffff, v3, v3;
	v3 =	vld.idx.msk [tilespmem:v12+s25+$0x0], $0xffff  }
0x97: {  	v14 =	vld.idx.msk [tilespmem:v6+s25+$0x0], $0xffff;
	(xrf1) =	vsort.ascd.msk.f32 $0xffff, v57, v57  }
0x98: {  	v15 =	vld.idx.msk [tilespmem:v55+s25+$0x0], $0xffff;
	(xrf1) =	vsort.ascd.msk.f32 $0xffff, v60, v60  }
0x99: {  	(xrf1) =	vsort.ascd.msk.f32 $0xffff, v2, v2;
	v2 =	vld.idx.msk [tilespmem:v7+s25+$0x0], $0xffff  }
0x9a: {  	v16 =	vld.idx.msk [tilespmem:v9+s25+$0x0], $0xffff;
	(xrf1) =	vsort.ascd.msk.f32 $0xffff, v13, v13  }
0x9b: {  	(xrf1) =	vsort.ascd.msk.f32 $0xffff, v3, v3  }
0x9c: {  	(xrf1) =	vsort.ascd.msk.f32 $0xffff, v14, v14  }
0x9d: {  	(xrf1) =	vsort.ascd.msk.f32 $0xffff, v15, v15  }
0x9e: {  	v3, _, _ =	vpop (xrf1);
	(xrf1) =	vsort.ascd.msk.f32 $0xffff, v2, v2  }
0x9f: {  	v2, _, _ =	vpop (xrf1);
	(xrf1) =	vsort.ascd.msk.f32 $0xffff, v16, v16  }
0xa0: {  	v17, _, _ =	vpop (xrf1)  }
0xa1: {  	v18, _, _ =	vpop (xrf1)  }
0xa2: {  	v19, _, _ =	vpop (xrf1)  }
0xa3: {  	v20, _, _ =	vpop (xrf1)  }
0xa4: {  	v21, _, _ =	vpop (xrf1)  }
0xa5: {  	v22, _, _ =	vpop (xrf1)  }
0xa6: {  	v23, _, _ =	vpop (xrf1)  }
0xa7: {  	v2 =	vperm.xlane v2, v1;
	v24, _, _ =	vpop (xrf1)  }
0xa8: {  	v5 =	vperm.xlane v18, v1;
	v25, _, _ =	vpop (xrf1)  }
0xa9: {  	v2 =	vmin.f32 v3, v2;
	v3 =	vperm.xlane v20, v1;
	v26, _, _ =	vpop (xrf1)  }
0xaa: {  	(xrf0) =	vmax.scan.msk.f32 $0xffff, v2;
	v2 =	vmin.f32 v17, v5;
	v27 =	vperm.xlane v22, v1;
	v28, _, _ =	vpop (xrf1)  }
0xab: {  	(xrf0) =	vmax.scan.msk.f32 $0xffff, v2;
	v2 =	vmin.f32 v19, v3;
	v3 =	vperm.xlane v24, v1;
	v29, _, _ =	vpop (xrf1)  }
0xac: {  	(xrf0) =	vmax.scan.msk.f32 $0xffff, v2;
	v2 =	vmin.f32 v21, v27;
	v30 =	vperm.xlane v26, v1;
	v31, _, _ =	vpop (xrf1)  }
0xad: {  	(xrf0) =	vmax.scan.msk.f32 $0xffff, v2;
	v2 =	vmin.f32 v23, v3;
	v3 =	vperm.xlane v29, v1;
	v32, _, _ =	vpop (xrf1)  }
0xae: {  	(xrf0) =	vmax.scan.msk.f32 $0xffff, v2;
	v2 =	vmin.f32 v25, v30;
	v33 =	vperm.xlane v32, v1  }
0xaf: {  	(xrf0) =	vmax.scan.msk.f32 $0xffff, v2;
	v2 =	vmin.f32 v28, v3  }
0xb0: {  	p0 =	seq.s32 s9, $0xF0000;
	v7, _, _ =	vpop (xrf0);
	(xrf0) =	vmax.scan.msk.f32 $0xffff, v2;
	v2 =	vmin.f32 v31, v33  }
0xb1: {  	s13 =	sadd.s32 @!p0 s9, s24;
	v8, _, _ =	vpop (xrf0);
	(xrf0) =	vmax.scan.msk.f32 $0xffff, v2  }
0xb2: {  	s12 =	sadd.s32 @!p0 $0x10000, s13;
	v9, _, _ =	vpop (xrf0)  }
0xb3: {  	s14 =	sshrl.u32 @!p0 s12, $0x3;
	v6, _, _ =	vpop (xrf0)  }
0xb4: {  	s16 =	simm.s32 @!p0 $0x4000;
	s12 =	simm.s32 @!p0 $0x0;
	s15 =	sadd.s32 @!p0 s1, s14;
	v5, _, _ =	vpop (xrf0)  }
0xb5: {  	[tilespmem:s16], [sflag:$0x1] =	stream.linear.gather @!p0 [hbm4b:s15+s12], $0x2000, $0x38;
	v4, _, _ =	vpop (xrf0);
	[tilespmem:$0x16200] =	vst v63  }
0xb6: {  	s14 =	sadd.s32 @!p0 s14, s5;
	s15 =	simm.s32 @!p0 $0x6000;
	v3, _, _ =	vpop (xrf0)  }
0xb7: {  	[tilespmem:s15], [sflag:$0x1] =	stream.linear.gather @!p0 [hbm4b:s14+s12], $0x2000, $0x38;
	v2, _, _ =	vpop (xrf0);
	[tilespmem:$0x16200] =	vst v63  }
0xb8: {  	_ =	swait.ge [sflag:s31], $0x2000  }
0xb9: {  	[sflag:s31] =	ssyncset.done $0x0  }
0xba: {  	[sflag:s31] =	ssyncadd.s32 $0xFFFFE000  }
0xbb: {  	_ =	swait.ge [sflag:s31], $0x2000  }
0xbc: {  	[sflag:s31] =	ssyncset.done $0x0  }
0xbd: {  	[sflag:s31] =	ssyncadd.s32 $0xFFFFE000  }
0xbe: {  	v34 =	vld [tilespmem:s11+$0xFFFFFF00]  }
0xbf: {  	v35 =	vld [tilespmem:s11+$0xFFFFFF10]  }
0xc0: {  	v36 =	vld [tilespmem:s11+$0xFFFFFF20]  }
0xc1: {  	v37 =	vld [tilespmem:s11+$0xFFFFFF30]  }
0xc2: {  	v40 =	vld [tilespmem:s11+$0xFFFFFF40]  }
0xc3: {  	v41 =	vld [tilespmem:s11+$0xFFFFFF50]  }
0xc4: {  	v44 =	vld [tilespmem:s11+$0xFFFFFF60]  }
0xc5: {  	v46 =	vld [tilespmem:s11+$0xFFFFFF70]  }
0xc6: {  	v51 =	vld [tilespmem:s11+$0xFFFFFF80]  }
0xc7: {  	v52 =	vld [tilespmem:s11+$0xFFFFFF90]  }
0xc8: {  	v22 =	vld [tilespmem:s11+$0xFFFFFFA0]  }
0xc9: {  	v53 =	vld [tilespmem:s11+$0xFFFFFFB0];
	v38 =	vand.u32 $0x7F, v34;
	v10 =	vshll.u32 v34, $0x3;
	v39 =	vshll.u32 v35, $0x3  }
0xca: {  	v24 =	vld [tilespmem:s11+$0xFFFFFFC0];
	v11 =	vand.u32 $0x7F, v35;
	v42 =	vshll.u32 v36, $0x3;
	v12 =	vand.u32 $0x7F, v36  }
0xcb: {  	v56 =	vld [tilespmem:s11+$0xFFFFFFD0];
	v43 =	vshll.u32 v37, $0x3;
	v13 =	vand.u32 $0x7F, v37;
	v47 =	vshll.u32 v40, $0x3  }
0xcc: {  	v59 =	vld [tilespmem:s11+$0xFFFFFFE0];
	v16 =	vand.u32 $0x7F, v40;
	v48 =	vshll.u32 v41, $0x3;
	v49 =	vand.u32 $0x7F, v41  }
0xcd: {  	v20 =	vand.u32 $0x7F, v44;
	v18 =	vshll.u32 v44, $0x3;
	v21 =	vshll.u32 v46, $0x3  }
0xce: {  	v54 =	vshll.u32 v51, $0x3;
	v19 =	vand.u32 $0x7F, v51;
	v23 =	vshll.u32 v52, $0x3  }
0xcf: {  	v17 =	vand.u32 $0x7F, v52;
	v57 =	vshll.u32 v22, $0x3;
	v22 =	vand.u32 $0x7F, v22  }
0xd0: {  	v25 =	vshll.u32 v53, $0x3;
	v62 =	vand.u32 $0x7F, v24;
	v24 =	vshll.u32 v24, $0x3  }
0xd1: {  	v26 =	vshll.u32 v56, $0x3;
	v33 =	vshll.u32 v59, $0x3;
	v10 =	vand.u32 $0xFFFFFC00, v10  }
0xd2: {  	v15 =	vand.u32 $0xFFFFFC00, v39;
	v14 =	vand.u32 $0xFFFFFC00, v42;
	v45 =	vand.u32 $0xFFFFFC00, v43  }
0xd3: {  	v50 =	vand.u32 $0xFFFFFC00, v48;
	v18 =	vand.u32 $0xFFFFFC00, v18;
	v10 =	vor.u32 v38, v10  }
0xd4: {  	v21 =	vand.u32 $0xFFFFFC00, v21;
	v11 =	vor.u32 v11, v15;
	v12 =	vor.u32 v14, v12  }
0xd5: {  	v13 =	vor.u32 v45, v13;
	v14 =	vand.u32 $0xFFFFFC00, v47;
	v12 =	vor.u32 $0x80, v12  }
0xd6: {  	v55 =	vand.u32 $0xFFFFFC00, v23;
	v14 =	vor.u32 v14, v16;
	v13 =	vor.u32 $0x80, v13  }
0xd7: {  	v60 =	vld [tilespmem:s11+$0xFFFFFFF0];
	v58 =	vand.u32 $0xFFFFFC00, v25;
	v16 =	vor.u32 v50, v49;
	v14 =	vor.u32 $0x100, v14  }
0xd8: {  	v15 =	vand.u32 $0x7F, v46;
	v18 =	vor.u32 v18, v20;
	v16 =	vor.u32 $0x100, v16;
	v10 =	vld.idx.msk [tilespmem:v10+s28+$0x0], $0xffff  }
0xd9: {  	v15 =	vor.u32 v21, v15;
	v18 =	vor.u32 $0x180, v18;
	v21 =	vand.u32 $0xFFFFFC00, v54;
	v11 =	vld.idx.msk [tilespmem:v11+s28+$0x0], $0xffff  }
0xda: {  	v28 =	vand.u32 $0xFFFFFC00, v24;
	v15 =	vor.u32 $0x180, v15;
	v19 =	vor.u32 v21, v19;
	v12 =	vld.idx.msk [tilespmem:v12+s28+$0x0], $0xffff  }
0xdb: {  	v17 =	vor.u32 v55, v17;
	v21 =	vand.u32 $0xFFFFFC00, v57;
	v19 =	vor.u32 $0x200, v19;
	v13 =	vld.idx.msk [tilespmem:v13+s28+$0x0], $0xffff  }
0xdc: {  	v20 =	vand.u32 $0x7F, v53;
	v17 =	vor.u32 $0x200, v17;
	v21 =	vor.u32 v21, v22;
	v61 =	vld.idx.msk [tilespmem:v14+s28+$0x0], $0xffff  }
0xdd: {  	v23 =	vand.u32 $0x7F, v56;
	v20 =	vor.u32 v58, v20;
	v21 =	vor.u32 $0x280, v21;
	v63 =	vld.idx.msk [tilespmem:v16+s28+$0x0], $0xffff;
	(xrf1) =	vsort.ascd.msk.f32 $0xffff, v10, v10  }
0xde: {  	v29 =	vand.u32 $0xFFFFFC00, v26;
	v20 =	vor.u32 $0x280, v20;
	v18 =	vld.idx.msk [tilespmem:v18+s28+$0x0], $0xffff;
	v14 =	vor.u32 v28, v62;
	(xrf1) =	vsort.ascd.msk.f32 $0xffff, v11, v11  }
0xdf: {  	v35 =	vand.u32 $0x7F, v59;
	v30 =	vor.u32 v29, v23;
	v31 =	vld.idx.msk [tilespmem:v15+s28+$0x0], $0xffff;
	v14 =	vor.u32 $0x300, v14;
	(xrf1) =	vsort.ascd.msk.f32 $0xffff, v12, v12  }
0xe0: {  	v36 =	vshll.u32 v60, $0x3;
	v32 =	vor.u32 $0x300, v30;
	v16 =	vand.u32 $0xFFFFFC00, v33;
	v34 =	vld.idx.msk [tilespmem:v19+s28+$0x0], $0xffff;
	(xrf1) =	vsort.ascd.msk.f32 $0xffff, v13, v13  }
0xe1: {  	v39 =	vand.u32 $0xFFFFFC00, v36;
	v38 =	vand.u32 $0x7F, v60;
	v37 =	vld.idx.msk [tilespmem:v17+s28+$0x0], $0xffff;
	v16 =	vor.u32 v16, v35;
	(xrf1) =	vsort.ascd.msk.f32 $0xffff, v61, v61  }
0xe2: {  	v17 =	vor.u32 v39, v38;
	v40 =	vld.idx.msk [tilespmem:v21+s28+$0x0], $0xffff;
	v16 =	vor.u32 $0x380, v16;
	(xrf1) =	vsort.ascd.msk.f32 $0xffff, v63, v63  }
0xe3: {  	v41 =	vld.idx.msk [tilespmem:v20+s28+$0x0], $0xffff;
	v17 =	vor.u32 $0x380, v17;
	(xrf1) =	vsort.ascd.msk.f32 $0xffff, v18, v18  }
0xe4: {  	v42 =	vld.idx.msk [tilespmem:v14+s28+$0x0], $0xffff;
	(xrf1) =	vsort.ascd.msk.f32 $0xffff, v31, v31  }
0xe5: {  	v43 =	vld.idx.msk [tilespmem:v32+s28+$0x0], $0xffff;
	(xrf1) =	vsort.ascd.msk.f32 $0xffff, v34, v34  }
0xe6: {  	(xrf1) =	vsort.ascd.msk.f32 $0xffff, v37, v37  }
0xe7: {  	v44 =	vld.idx.msk [tilespmem:v16+s28+$0x0], $0xffff;
	(xrf1) =	vsort.ascd.msk.f32 $0xffff, v40, v40  }
0xe8: {  	v45 =	vld.idx.msk [tilespmem:v17+s28+$0x0], $0xffff;
	(xrf1) =	vsort.ascd.msk.f32 $0xffff, v41, v41  }
0xe9: {  	(xrf1) =	vsort.ascd.msk.f32 $0xffff, v42, v42  }
0xea: {  	(xrf1) =	vsort.ascd.msk.f32 $0xffff, v43, v43  }
0xeb: {  	v46, _, _ =	vpop (xrf1)  }
0xec: {  	v47, _, _ =	vpop (xrf1);
	(xrf1) =	vsort.ascd.msk.f32 $0xffff, v44, v44  }
0xed: {  	v48, _, _ =	vpop (xrf1);
	(xrf1) =	vsort.ascd.msk.f32 $0xffff, v45, v45  }
0xee: {  	v49, _, _ =	vpop (xrf1)  }
0xef: {  	v50, _, _ =	vpop (xrf1)  }
0xf0: {  	v13 =	vperm.xlane v47, v1;
	v51, _, _ =	vpop (xrf1)  }
0xf1: {  	v52, _, _ =	vpop (xrf1)  }
0xf2: {  	v7 =	vbroadcast v7, $0xF;
	v8 =	vbroadcast v8, $0xF;
	v12 =	vmin.f32 v46, v13;
	v53, _, _ =	vpop (xrf1)  }
0xf3: {  	v11 =	vperm.xlane v49, v1;
	(xrf0) =	vmax.scan.msk.f32 $0xffff, v12;
	v54, _, _ =	vpop (xrf1)  }
0xf4: {  	v7 =	vsel vm0, v7, v8;
	v56 =	vperm.xlane v51, v1;
	v55, _, _ =	vpop (xrf1)  }
0xf5: {  	v9 =	vbroadcast v9, $0xF;
	v58 =	vmin.f32 v48, v11;
	v59 =	vperm.xlane v53, v1;
	v57, _, _ =	vpop (xrf1)  }
0xf6: {  	v6 =	vbroadcast v6, $0xF;
	(xrf0) =	vmax.scan.msk.f32 $0xffff, v58;
	v61 =	vmin.f32 v50, v56;
	v62 =	vperm.xlane v55, v1;
	v60, _, _ =	vpop (xrf1)  }
0xf7: {  	v7 =	vsel vm1, v7, v9;
	(xrf0) =	vmax.scan.msk.f32 $0xffff, v61;
	v14 =	vmin.f32 v52, v59;
	v63, _, _ =	vpop (xrf1);
	v16 =	vperm.xlane v60, v1  }
0xf8: {  	v5 =	vbroadcast v5, $0xF;
	v6 =	vsel vm2, v7, v6;
	(xrf0) =	vmax.scan.msk.f32 $0xffff, v14;
	v18 =	vmin.f32 v54, v62;
	v17, _, _ =	vpop (xrf1)  }
0xf9: {  	v4 =	vbroadcast v4, $0xF;
	v24, _, _ =	vpop (xrf0);
	(xrf0) =	vmax.scan.msk.f32 $0xffff, v18;
	v19 =	vperm.xlane v17, v1;
	v20 =	vmin.f32 v57, v16  }
0xfa: {  	v5 =	vsel vm3, v6, v5;
	v3 =	vbroadcast v3, $0xF;
	v21, _, _ =	vpop (xrf1);
	(xrf0) =	vmax.scan.msk.f32 $0xffff, v20  }
0xfb: {  	v4 =	vsel vm4, v5, v4;
	v2 =	vbroadcast v2, $0xF;
	v22 =	vmin.f32 v63, v19;
	v23, _, _ =	vpop (xrf1)  }
0xfc: {  	v3 =	vsel vm5, v4, v3;
	v26 =	vbroadcast v24, $0xF;
	v27, _, _ =	vpop (xrf0);
	(xrf0) =	vmax.scan.msk.f32 $0xffff, v22;
	v25 =	vperm.xlane v23, v1  }
0xfd: {  	v2 =	vsel vm6, v3, v2;
	v3 =	vbroadcast v27, $0xF;
	v28, _, _ =	vpop (xrf0)  }
0xfe: {  	v2 =	vsel vm7, v26, v2;
	v29 =	vbroadcast v28, $0xF;
	v30, _, _ =	vpop (xrf0);
	v6 =	vmin.f32 v21, v25  }
0xff: {  	v2 =	vsel vm8, v2, v3;
	v3 =	vbroadcast v30, $0xF;
	v31, _, _ =	vpop (xrf0);
	(xrf0) =	vmax.scan.msk.f32 $0xffff, v6  }
0x100: {  	v2 =	vsel vm9, v2, v29;
	v33, _, _ =	vpop (xrf0)  }
0x101: {  	s14 =	sadd.s32 @!p0 $0x14000, s13;
	v32 =	vbroadcast v31, $0xF;
	v2 =	vsel vm10, v2, v3;
	v3 =	vbroadcast v33, $0xF  }
0x102: {  	s14 =	sshrl.u32 @!p0 s14, $0x3;
	v34, _, _ =	vpop (xrf0)  }
0x103: {  	s16 =	simm.s32 @!p0 $0x8000;
	s15 =	sadd.s32 @!p0 s1, s14;
	v2 =	vsel vm11, v2, v32;
	v35 =	vbroadcast v34, $0xF  }
0x104: {  	[tilespmem:s16], [sflag:$0x2] =	stream.linear.gather @!p0 [hbm4b:s15+s12], $0x2000, $0x38;
	v2 =	vsel vm12, v2, v3;
	[tilespmem:$0x16200] =	vst v63  }
0x105: {  	s14 =	sadd.s32 @!p0 s14, s5;
	s15 =	simm.s32 @!p0 $0xA000;
	v2 =	vsel vm13, v2, v35;
	v3, _, _ =	vpop (xrf0)  }
0x106: {  	[tilespmem:s15], [sflag:$0x2] =	stream.linear.gather @!p0 [hbm4b:s14+s12], $0x2000, $0x38;
	v2 =	vsel vm14, v2, v3;
	[tilespmem:$0x16200] =	vst v63  }
0x107: {  	[tilespmem:s10+$0xFFFFFFF0] =	vst v2  }
0x108: {  	_ =	swait.ge [sflag:s6], $0x2000  }
0x109: {  	[sflag:s6] =	ssyncset.done $0x0  }
0x10a: {  	[sflag:s6] =	ssyncadd.s32 $0xFFFFE000  }
0x10b: {  	_ =	swait.ge [sflag:s6], $0x2000  }
0x10c: {  	[sflag:s6] =	ssyncset.done $0x0  }
0x10d: {  	[sflag:s6] =	ssyncadd.s32 $0xFFFFE000  }
0x10e: {  	v2 =	vld [tilespmem:s11+$0x0]  }
0x10f: {  	v3 =	vld [tilespmem:s11+$0x10]  }
0x110: {  	v36 =	vld [tilespmem:s11+$0x20]  }
0x111: {  	v37 =	vld [tilespmem:s11+$0x30]  }
0x112: {  	v40 =	vld [tilespmem:s11+$0x40]  }
0x113: {  	v41 =	vld [tilespmem:s11+$0x50]  }
0x114: {  	v44 =	vld [tilespmem:s11+$0x60]  }
0x115: {  	v46 =	vld [tilespmem:s11+$0x70]  }
0x116: {  	v51 =	vld [tilespmem:s11+$0x80]  }
0x117: {  	v52 =	vld [tilespmem:s11+$0x90]  }
0x118: {  	v55 =	vld [tilespmem:s11+$0xA0];
	v38 =	vand.u32 $0x7F, v2;
	v2 =	vshll.u32 v2, $0x3;
	v39 =	vshll.u32 v3, $0x3  }
0x119: {  	v56 =	vld [tilespmem:s11+$0xB0];
	v3 =	vand.u32 $0x7F, v3;
	v42 =	vshll.u32 v36, $0x3;
	v4 =	vand.u32 $0x7F, v36  }
0x11a: {  	v59 =	vld [tilespmem:s11+$0xC0];
	v43 =	vshll.u32 v37, $0x3;
	v5 =	vand.u32 $0x7F, v37;
	v47 =	vshll.u32 v40, $0x3  }
0x11b: {  	v61 =	vld [tilespmem:s11+$0xD0];
	v8 =	vand.u32 $0x7F, v40;
	v48 =	vshll.u32 v41, $0x3;
	v49 =	vand.u32 $0x7F, v41  }
0x11c: {  	v21 =	vld [tilespmem:s11+$0xE0];
	v53 =	vand.u32 $0x7F, v44;
	v10 =	vshll.u32 v44, $0x3;
	v54 =	vshll.u32 v46, $0x3  }
0x11d: {  	v57 =	vshll.u32 v51, $0x3;
	v11 =	vand.u32 $0x7F, v51;
	v58 =	vshll.u32 v52, $0x3  }
0x11e: {  	v9 =	vand.u32 $0x7F, v52;
	v62 =	vshll.u32 v55, $0x3;
	v14 =	vand.u32 $0x7F, v55  }
0x11f: {  	v63 =	vshll.u32 v56, $0x3;
	v12 =	vand.u32 $0x7F, v56;
	v23 =	vand.u32 $0x7F, v59  }
0x120: {  	v16 =	vshll.u32 v59, $0x3;
	v24 =	vshll.u32 v61, $0x3;
	v15 =	vand.u32 $0x7F, v61  }
0x121: {  	v28 =	vshll.u32 v21, $0x3;
	v30 =	vand.u32 $0x7F, v21;
	v2 =	vand.u32 $0xFFFFFC00, v2  }
0x122: {  	v7 =	vand.u32 $0xFFFFFC00, v39;
	v6 =	vand.u32 $0xFFFFFC00, v42;
	v2 =	vor.u32 v38, v2  }
0x123: {  	v45 =	vand.u32 $0xFFFFFC00, v43;
	v50 =	vand.u32 $0xFFFFFC00, v48;
	v10 =	vand.u32 $0xFFFFFC00, v10  }
0x124: {  	v13 =	vand.u32 $0xFFFFFC00, v54;
	v3 =	vor.u32 v3, v7;
	v4 =	vor.u32 v6, v4  }
0x125: {  	v5 =	vor.u32 v45, v5;
	v6 =	vand.u32 $0xFFFFFC00, v47;
	v4 =	vor.u32 $0x80, v4  }
0x126: {  	v60 =	vand.u32 $0xFFFFFC00, v58;
	v6 =	vor.u32 v6, v8;
	v5 =	vor.u32 $0x80, v5  }
0x127: {  	v20 =	vand.u32 $0xFFFFFC00, v63;
	v8 =	vor.u32 v50, v49;
	v6 =	vor.u32 $0x100, v6;
	v2 =	vld.idx.msk [tilespmem:v2+s30+$0x0], $0xffff  }
0x128: {  	v22 =	vld [tilespmem:s11+$0xF0];
	v7 =	vand.u32 $0x7F, v46;
	v10 =	vor.u32 v10, v53;
	v8 =	vor.u32 $0x100, v8  }
0x129: {  	v7 =	vor.u32 v13, v7;
	v10 =	vor.u32 $0x180, v10;
	v13 =	vand.u32 $0xFFFFFC00, v57;
	v3 =	vld.idx.msk [tilespmem:v3+s30+$0x0], $0xffff  }
0x12a: {  	v25 =	vand.u32 $0xFFFFFC00, v16;
	v7 =	vor.u32 $0x180, v7;
	v11 =	vor.u32 v13, v11;
	v4 =	vld.idx.msk [tilespmem:v4+s30+$0x0], $0xffff  }
0x12b: {  	v9 =	vor.u32 v60, v9;
	v13 =	vand.u32 $0xFFFFFC00, v62;
	v11 =	vor.u32 $0x200, v11;
	v5 =	vld.idx.msk [tilespmem:v5+s30+$0x0], $0xffff  }
0x12c: {  	v26 =	vand.u32 $0xFFFFFC00, v24;
	v9 =	vor.u32 $0x200, v9;
	v13 =	vor.u32 v13, v14;
	(xrf1) =	vsort.ascd.msk.f32 $0xffff, v2, v2;
	v2 =	vld.idx.msk [tilespmem:v6+s30+$0x0], $0xffff  }
0x12d: {  	v12 =	vor.u32 v20, v12;
	v15 =	vor.u32 v26, v15;
	v13 =	vor.u32 $0x280, v13;
	v8 =	vld.idx.msk [tilespmem:v8+s30+$0x0], $0xffff  }
0x12e: {  	v31 =	vshll.u32 v22, $0x3;
	v12 =	vor.u32 $0x280, v12;
	v6 =	vor.u32 v25, v23;
	(xrf1) =	vsort.ascd.msk.f32 $0xffff, v3, v3;
	v3 =	vld.idx.msk [tilespmem:v10+s30+$0x0], $0xffff  }
0x12f: {  	v27 =	vor.u32 $0x300, v15;
	v15 =	vand.u32 $0xFFFFFC00, v28;
	v29 =	vld.idx.msk [tilespmem:v7+s30+$0x0], $0xffff;
	v6 =	vor.u32 $0x300, v6;
	(xrf1) =	vsort.ascd.msk.f32 $0xffff, v4, v4  }
0x130: {  	v33 =	vand.u32 $0x7F, v22;
	v34 =	vand.u32 $0xFFFFFC00, v31;
	v7 =	vor.u32 v15, v30;
	v32 =	vld.idx.msk [tilespmem:v11+s30+$0x0], $0xffff;
	(xrf1) =	vsort.ascd.msk.f32 $0xffff, v5, v5  }
0x131: {  	v35 =	vor.u32 v34, v33;
	v7 =	vor.u32 $0x380, v7;
	(xrf1) =	vsort.ascd.msk.f32 $0xffff, v2, v2;
	v2 =	vld.idx.msk [tilespmem:v9+s30+$0x0], $0xffff  }
0x132: {  	v36 =	vld.idx.msk [tilespmem:v13+s30+$0x0], $0xffff;
	v9 =	vor.u32 $0x380, v35;
	(xrf1) =	vsort.ascd.msk.f32 $0xffff, v8, v8  }
0x133: {  	(xrf1) =	vsort.ascd.msk.f32 $0xffff, v3, v3;
	v3 =	vld.idx.msk [tilespmem:v12+s30+$0x0], $0xffff  }
0x134: {  	v37 =	vld.idx.msk [tilespmem:v6+s30+$0x0], $0xffff;
	(xrf1) =	vsort.ascd.msk.f32 $0xffff, v29, v29  }
0x135: {  	v38 =	vld.idx.msk [tilespmem:v27+s30+$0x0], $0xffff;
	(xrf1) =	vsort.ascd.msk.f32 $0xffff, v32, v32  }
0x136: {  	(xrf1) =	vsort.ascd.msk.f32 $0xffff, v2, v2;
	v2 =	vld.idx.msk [tilespmem:v7+s30+$0x0], $0xffff  }
0x137: {  	v39 =	vld.idx.msk [tilespmem:v9+s30+$0x0], $0xffff;
	(xrf1) =	vsort.ascd.msk.f32 $0xffff, v36, v36  }
0x138: {  	(xrf1) =	vsort.ascd.msk.f32 $0xffff, v3, v3  }
0x139: {  	(xrf1) =	vsort.ascd.msk.f32 $0xffff, v37, v37  }
0x13a: {  	(xrf1) =	vsort.ascd.msk.f32 $0xffff, v38, v38  }
0x13b: {  	v3, _, _ =	vpop (xrf1);
	(xrf1) =	vsort.ascd.msk.f32 $0xffff, v2, v2  }
0x13c: {  	v2, _, _ =	vpop (xrf1);
	(xrf1) =	vsort.ascd.msk.f32 $0xffff, v39, v39  }
0x13d: {  	v40, _, _ =	vpop (xrf1)  }
0x13e: {  	v41, _, _ =	vpop (xrf1)  }
0x13f: {  	v42, _, _ =	vpop (xrf1)  }
0x140: {  	v43, _, _ =	vpop (xrf1)  }
0x141: {  	v44, _, _ =	vpop (xrf1)  }
0x142: {  	v45, _, _ =	vpop (xrf1)  }
0x143: {  	v46, _, _ =	vpop (xrf1)  }
0x144: {  	v2 =	vperm.xlane v2, v1;
	v47, _, _ =	vpop (xrf1)  }
0x145: {  	v5 =	vperm.xlane v41, v1;
	v48, _, _ =	vpop (xrf1)  }
0x146: {  	v2 =	vmin.f32 v3, v2;
	v3 =	vperm.xlane v43, v1;
	v49, _, _ =	vpop (xrf1)  }
0x147: {  	(xrf0) =	vmax.scan.msk.f32 $0xffff, v2;
	v2 =	vmin.f32 v40, v5;
	v50 =	vperm.xlane v45, v1;
	v51, _, _ =	vpop (xrf1)  }
0x148: {  	(xrf0) =	vmax.scan.msk.f32 $0xffff, v2;
	v2 =	vmin.f32 v42, v3;
	v3 =	vperm.xlane v47, v1;
	v52, _, _ =	vpop (xrf1)  }
0x149: {  	(xrf0) =	vmax.scan.msk.f32 $0xffff, v2;
	v2 =	vmin.f32 v44, v50;
	v53 =	vperm.xlane v49, v1;
	v54, _, _ =	vpop (xrf1)  }
0x14a: {  	(xrf0) =	vmax.scan.msk.f32 $0xffff, v2;
	v2 =	vmin.f32 v46, v3;
	v3 =	vperm.xlane v52, v1;
	v55, _, _ =	vpop (xrf1)  }
0x14b: {  	(xrf0) =	vmax.scan.msk.f32 $0xffff, v2;
	v2 =	vmin.f32 v48, v53;
	v56 =	vperm.xlane v55, v1  }
0x14c: {  	(xrf0) =	vmax.scan.msk.f32 $0xffff, v2;
	v2 =	vmin.f32 v51, v3  }
0x14d: {  	v8, _, _ =	vpop (xrf0);
	(xrf0) =	vmax.scan.msk.f32 $0xffff, v2;
	v2 =	vmin.f32 v54, v56  }
0x14e: {  	v9, _, _ =	vpop (xrf0);
	(xrf0) =	vmax.scan.msk.f32 $0xffff, v2  }
0x14f: {  	s13 =	sadd.s32 @!p0 $0x18000, s13;
	v7, _, _ =	vpop (xrf0)  }
0x150: {  	s13 =	sshrl.u32 @!p0 s13, $0x3;
	v6, _, _ =	vpop (xrf0)  }
0x151: {  	s14 =	sadd.s32 @!p0 s1, s13;
	s15 =	simm.s32 @!p0 $0xC000;
	v5, _, _ =	vpop (xrf0)  }
0x152: {  	[tilespmem:s15], [sflag:$0x3] =	stream.linear.gather @!p0 [hbm4b:s14+s12], $0x2000, $0x38;
	v4, _, _ =	vpop (xrf0);
	[tilespmem:$0x16200] =	vst v63  }
0x153: {  	s13 =	sadd.s32 @!p0 s13, s5;
	s14 =	simm.s32 @!p0 $0xE000;
	v3, _, _ =	vpop (xrf0)  }
0x154: {  	[tilespmem:s14], [sflag:$0x3] =	stream.linear.gather @!p0 [hbm4b:s13+s12], $0x2000, $0x38;
	v2, _, _ =	vpop (xrf0);
	[tilespmem:$0x16200] =	vst v63  }
0x155: {  	_ =	swait.ge [sflag:s7], $0x2000  }
0x156: {  	[sflag:s7] =	ssyncset.done $0x0  }
0x157: {  	[sflag:s7] =	ssyncadd.s32 $0xFFFFE000  }
0x158: {  	_ =	swait.ge [sflag:s7], $0x2000  }
0x159: {  	[sflag:s7] =	ssyncset.done $0x0  }
0x15a: {  	[sflag:s7] =	ssyncadd.s32 $0xFFFFE000  }
0x15b: {  	v57 =	vld [tilespmem:s11+$0x100]  }
0x15c: {  	v58 =	vld [tilespmem:s11+$0x110]  }
0x15d: {  	v59 =	vld [tilespmem:s11+$0x120]  }
0x15e: {  	v60 =	vld [tilespmem:s11+$0x130]  }
0x15f: {  	v63 =	vld [tilespmem:s11+$0x140]  }
0x160: {  	v21 =	vld [tilespmem:s11+$0x150]  }
0x161: {  	v24 =	vld [tilespmem:s11+$0x160]  }
0x162: {  	v26 =	vld [tilespmem:s11+$0x170]  }
0x163: {  	v31 =	vld [tilespmem:s11+$0x180]  }
0x164: {  	v32 =	vld [tilespmem:s11+$0x190]  }
0x165: {  	v35 =	vld [tilespmem:s11+$0x1A0]  }
0x166: {  	v36 =	vld [tilespmem:s11+$0x1B0];
	v61 =	vand.u32 $0x7F, v57;
	v10 =	vshll.u32 v57, $0x3;
	v62 =	vshll.u32 v58, $0x3  }
0x167: {  	v39 =	vld [tilespmem:s11+$0x1C0];
	v11 =	vand.u32 $0x7F, v58;
	v22 =	vshll.u32 v59, $0x3;
	v12 =	vand.u32 $0x7F, v59  }
0x168: {  	v41 =	vld [tilespmem:s11+$0x1D0];
	v23 =	vshll.u32 v60, $0x3;
	v13 =	vand.u32 $0x7F, v60;
	v27 =	vshll.u32 v63, $0x3  }
0x169: {  	v45 =	vld [tilespmem:s11+$0x1E0];
	v16 =	vand.u32 $0x7F, v63;
	v28 =	vshll.u32 v21, $0x3;
	v29 =	vand.u32 $0x7F, v21  }
0x16a: {  	v46 =	vld [tilespmem:s11+$0x1F0];
	v33 =	vand.u32 $0x7F, v24;
	v18 =	vshll.u32 v24, $0x3;
	v34 =	vshll.u32 v26, $0x3  }
0x16b: {  	v37 =	vshll.u32 v31, $0x3;
	v19 =	vand.u32 $0x7F, v31;
	v38 =	vshll.u32 v32, $0x3  }
0x16c: {  	v17 =	vand.u32 $0x7F, v32;
	v42 =	vshll.u32 v35, $0x3;
	v43 =	vshll.u32 v36, $0x3  }
0x16d: {  	v20 =	vand.u32 $0x7F, v36;
	v48 =	vand.u32 $0x7F, v39;
	v24 =	vshll.u32 v39, $0x3  }
0x16e: {  	v49 =	vshll.u32 v41, $0x3;
	v56 =	vshll.u32 v45, $0x3;
	v58 =	vand.u32 $0x7F, v45  }
0x16f: {  	v59 =	vshll.u32 v46, $0x3;
	v10 =	vand.u32 $0xFFFFFC00, v10;
	v15 =	vand.u32 $0xFFFFFC00, v62  }
0x170: {  	v14 =	vand.u32 $0xFFFFFC00, v22;
	v25 =	vand.u32 $0xFFFFFC00, v23;
	v30 =	vand.u32 $0xFFFFFC00, v28  }
0x171: {  	v18 =	vand.u32 $0xFFFFFC00, v18;
	v21 =	vand.u32 $0xFFFFFC00, v34;
	v10 =	vor.u32 v61, v10  }
0x172: {  	v40 =	vand.u32 $0xFFFFFC00, v38;
	v11 =	vor.u32 v11, v15;
	v12 =	vor.u32 v14, v12  }
0x173: {  	v13 =	vor.u32 v25, v13;
	v14 =	vand.u32 $0xFFFFFC00, v27;
	v12 =	vor.u32 $0x80, v12  }
0x174: {  	v22 =	vand.u32 $0x7F, v35;
	v14 =	vor.u32 v14, v16;
	v13 =	vor.u32 $0x80, v13  }
0x175: {  	v44 =	vand.u32 $0xFFFFFC00, v43;
	v16 =	vor.u32 v30, v29;
	v14 =	vor.u32 $0x100, v14  }
0x176: {  	v15 =	vand.u32 $0x7F, v26;
	v18 =	vor.u32 v18, v33;
	v16 =	vor.u32 $0x100, v16;
	v10 =	vld.idx.msk [tilespmem:v10+s2+$0x0], $0xffff  }
0x177: {  	v15 =	vor.u32 v21, v15;
	v18 =	vor.u32 $0x180, v18;
	v21 =	vand.u32 $0xFFFFFC00, v37;
	v11 =	vld.idx.msk [tilespmem:v11+s2+$0x0], $0xffff  }
0x178: {  	v51 =	vand.u32 $0xFFFFFC00, v24;
	v15 =	vor.u32 $0x180, v15;
	v19 =	vor.u32 v21, v19;
	v12 =	vld.idx.msk [tilespmem:v12+s2+$0x0], $0xffff  }
0x179: {  	v17 =	vor.u32 v40, v17;
	v21 =	vand.u32 $0xFFFFFC00, v42;
	v19 =	vor.u32 $0x200, v19;
	v13 =	vld.idx.msk [tilespmem:v13+s2+$0x0], $0xffff  }
0x17a: {  	v23 =	vand.u32 $0x7F, v41;
	v17 =	vor.u32 $0x200, v17;
	v21 =	vor.u32 v21, v22;
	v47 =	vld.idx.msk [tilespmem:v14+s2+$0x0], $0xffff  }
0x17b: {  	v52 =	vand.u32 $0xFFFFFC00, v49;
	v20 =	vor.u32 v44, v20;
	v21 =	vor.u32 $0x280, v21;
	v50 =	vld.idx.msk [tilespmem:v16+s2+$0x0], $0xffff;
	(xrf1) =	vsort.ascd.msk.f32 $0xffff, v10, v10  }
0x17c: {  	v62 =	vand.u32 $0x7F, v46;
	v20 =	vor.u32 $0x280, v20;
	v18 =	vld.idx.msk [tilespmem:v18+s2+$0x0], $0xffff;
	v14 =	vor.u32 v51, v48;
	(xrf1) =	vsort.ascd.msk.f32 $0xffff, v11, v11  }
0x17d: {  	v53 =	vor.u32 v52, v23;
	v54 =	vld.idx.msk [tilespmem:v15+s2+$0x0], $0xffff;
	v16 =	vand.u32 $0xFFFFFC00, v56;
	v14 =	vor.u32 $0x300, v14;
	(xrf1) =	vsort.ascd.msk.f32 $0xffff, v12, v12  }
0x17e: {  	v63 =	vand.u32 $0xFFFFFC00, v59;
	v55 =	vor.u32 $0x300, v53;
	v57 =	vld.idx.msk [tilespmem:v19+s2+$0x0], $0xffff;
	v60 =	vor.u32 v16, v58;
	(xrf1) =	vsort.ascd.msk.f32 $0xffff, v13, v13  }
0x17f: {  	v61 =	vld.idx.msk [tilespmem:v17+s2+$0x0], $0xffff;
	v17 =	vor.u32 v63, v62;
	v10 =	vor.u32 $0x380, v60;
	(xrf1) =	vsort.ascd.msk.f32 $0xffff, v47, v47  }
0x180: {  	v17 =	vor.u32 $0x380, v17;
	v21 =	vld.idx.msk [tilespmem:v21+s2+$0x0], $0xffff;
	(xrf1) =	vsort.ascd.msk.f32 $0xffff, v50, v50  }
0x181: {  	v22 =	vld.idx.msk [tilespmem:v20+s2+$0x0], $0xffff;
	(xrf1) =	vsort.ascd.msk.f32 $0xffff, v18, v18  }
0x182: {  	v23 =	vld.idx.msk [tilespmem:v14+s2+$0x0], $0xffff;
	(xrf1) =	vsort.ascd.msk.f32 $0xffff, v54, v54  }
0x183: {  	v24 =	vld.idx.msk [tilespmem:v55+s2+$0x0], $0xffff;
	(xrf1) =	vsort.ascd.msk.f32 $0xffff, v57, v57  }
0x184: {  	v10 =	vld.idx.msk [tilespmem:v10+s2+$0x0], $0xffff;
	(xrf1) =	vsort.ascd.msk.f32 $0xffff, v61, v61  }
0x185: {  	v25 =	vld.idx.msk [tilespmem:v17+s2+$0x0], $0xffff;
	(xrf1) =	vsort.ascd.msk.f32 $0xffff, v21, v21  }
0x186: {  	(xrf1) =	vsort.ascd.msk.f32 $0xffff, v22, v22  }
0x187: {  	(xrf1) =	vsort.ascd.msk.f32 $0xffff, v23, v23  }
0x188: {  	(xrf1) =	vsort.ascd.msk.f32 $0xffff, v24, v24  }
0x189: {  	v26, _, _ =	vpop (xrf1);
	(xrf1) =	vsort.ascd.msk.f32 $0xffff, v10, v10  }
0x18a: {  	v27, _, _ =	vpop (xrf1);
	(xrf1) =	vsort.ascd.msk.f32 $0xffff, v25, v25  }
0x18b: {  	v28, _, _ =	vpop (xrf1)  }
0x18c: {  	v29, _, _ =	vpop (xrf1)  }
0x18d: {  	v30, _, _ =	vpop (xrf1)  }
0x18e: {  	v31, _, _ =	vpop (xrf1)  }
0x18f: {  	v8 =	vbroadcast v8, $0xF;
	v9 =	vbroadcast v9, $0xF;
	v32, _, _ =	vpop (xrf1)  }
0x190: {  	v7 =	vbroadcast v7, $0xF;
	v33, _, _ =	vpop (xrf1)  }
0x191: {  	v8 =	vsel vm0, v8, v9;
	v13 =	vperm.xlane v27, v1;
	v34, _, _ =	vpop (xrf1)  }
0x192: {  	v7 =	vsel vm1, v8, v7;
	v11 =	vperm.xlane v29, v1;
	v35, _, _ =	vpop (xrf1)  }
0x193: {  	v6 =	vbroadcast v6, $0xF;
	v12 =	vmin.f32 v26, v13;
	v37 =	vperm.xlane v31, v1;
	v36, _, _ =	vpop (xrf1)  }
0x194: {  	v5 =	vbroadcast v5, $0xF;
	(xrf0) =	vmax.scan.msk.f32 $0xffff, v12;
	v39 =	vmin.f32 v28, v11;
	v40 =	vperm.xlane v33, v1;
	v38, _, _ =	vpop (xrf1)  }
0x195: {  	v6 =	vsel vm2, v7, v6;
	(xrf0) =	vmax.scan.msk.f32 $0xffff, v39;
	v42 =	vmin.f32 v30, v37;
	v43 =	vperm.xlane v35, v1;
	v41, _, _ =	vpop (xrf1)  }
0x196: {  	v4 =	vbroadcast v4, $0xF;
	(xrf0) =	vmax.scan.msk.f32 $0xffff, v42;
	v45 =	vmin.f32 v32, v40;
	v46 =	vperm.xlane v38, v1;
	v44, _, _ =	vpop (xrf1)  }
0x197: {  	v5 =	vsel vm3, v6, v5;
	(xrf0) =	vmax.scan.msk.f32 $0xffff, v45;
	v47 =	vmin.f32 v34, v43;
	v48 =	vperm.xlane v44, v1;
	v49, _, _ =	vpop (xrf1)  }
0x198: {  	v3 =	vbroadcast v3, $0xF;
	v4 =	vsel vm4, v5, v4;
	(xrf0) =	vmax.scan.msk.f32 $0xffff, v47;
	v50 =	vmin.f32 v36, v46;
	v52, _, _ =	vpop (xrf1)  }
0x199: {  	v2 =	vbroadcast v2, $0xF;
	(xrf0) =	vmax.scan.msk.f32 $0xffff, v50;
	v51 =	vmin.f32 v41, v48;
	v54 =	vperm.xlane v52, v1  }
0x19a: {  	v3 =	vsel vm5, v4, v3;
	v53, _, _ =	vpop (xrf0);
	(xrf0) =	vmax.scan.msk.f32 $0xffff, v51  }
0x19b: {  	v2 =	vsel vm6, v3, v2;
	v56 =	vbroadcast v53, $0xF;
	v55, _, _ =	vpop (xrf0);
	v3 =	vmin.f32 v49, v54  }
0x19c: {  	v58 =	vbroadcast v55, $0xF;
	v57, _, _ =	vpop (xrf0)  }
0x19d: {  	v2 =	vsel vm7, v56, v2;
	v59 =	vbroadcast v57, $0xF;
	v60, _, _ =	vpop (xrf0)  }
0x19e: {  	v2 =	vsel vm8, v2, v58;
	v5 =	vbroadcast v60, $0xF;
	(xrf0) =	vmax.scan.msk.f32 $0xffff, v3;
	v3, _, _ =	vpop (xrf0)  }
0x19f: {  	v2 =	vsel vm9, v2, v59;
	v61, _, _ =	vpop (xrf0);
	v3 =	vbroadcast v3, $0xF  }
0x1a0: {  	v2 =	vsel vm10, v2, v5;
	v62, _, _ =	vpop (xrf0)  }
0x1a1: {  	v2 =	vsel vm11, v2, v3;
	v3 =	vbroadcast v62, $0xF  }
.Ltmp3:
0x1a2: {  	v63 =	vbroadcast v61, $0xF;
	(pc) =	sbr.rel @p0 .LBB2_6-.Ltmp3, $4  }
0x1a3: {  	_ = 	snop  }
0x1a4: {  	v2 =	vsel vm12, v2, v63  }
0x1a5: {  	v2 =	vsel vm13, v2, v3;
	v3, _, _ =	vpop (xrf0)  }
0x1a6: {  	v2 =	vsel vm14, v2, v3  }
0x1a7: {  	s12 =	sadd.s32 s9, s24  }
0x1a8: {  	s12 =	sadd.s32 $0x1C000, s12  }
0x1a9: {  	s12 =	sshrl.u32 s12, $0x3  }
.Ltmp4:
0x1aa: {  	s13 =	sadd.s32 s1, s12;
	(pc) =	sbr.rel .LBB2_4-.Ltmp4, $4  }
0x1ab: {  	[tilespmem:s2], [sflag:$0x4] =	stream.linear.gather [hbm4b:s13+s3], $0x2000, $0x38;
	[tilespmem:$0x16200] =	vst v63  }
0x1ac: {  	s12 =	sadd.s32 s12, s5  }
0x1ad: {  	[tilespmem:s0], [sflag:$0x4] =	stream.linear.gather [hbm4b:s12+s3], $0x2000, $0x38;
	[tilespmem:$0x16200] =	vst v63  }
0x1ae: {  	s11 =	sadd.s32 $0x400, s11;
	s9 =	sadd.s32 $0x10000, s9;
	[tilespmem:s10+$0x0] =	vst v2;
	s10 =	sadd.s32 $0x20, s10  }
.LBB2_7:
0x1af: {  	_ =	sfence.sel $0x180000  }
0x1b0: {  	[bflag:$0x0] =	sbarrier.arrive $0xFFFF  }
0x1b1: {  	_ =	strace $0x90000047  }
0x1b2: {  	s0 =	stileid.u32;
	[bflag:$0x2] =	sbarrier.arrive $0xFFFF  }
0x1b3: {  	p0 =	sne.s32 s0, $0x0;
	s0 =	rddreg [dreg:$0x3]  }
0x1b4: {  	s0 =	sadd.s32 @!p0 $0x100000, s0  }
0x1b5: {  	[sflag:s0] =	ssyncadd.tile.s32 @!p0 $0x1;
	_ =	shalt  }
.Lfunc_end2:
_tile_overlayer_lowered:
.L_overlay_start_2:
0x1b6: {  	(tag) =	ssettag $0x2  }
0x1b7: {  	s0 =	rddreg [dreg:$0x0];
	s2 =	stileid.u32  }
0x1b8: {  	s1 =	rddreg [dreg:$0x1];
	p0 =	sne.s32 s2, $0x0  }
0x1b9: {  	s3 =	rddreg [dreg:$0x2];
	[bflag:$0x3] =	sbarrier.arrive $0xFFFF;
	s2 =	simm.s32 @!p0 $0x1C05  }
0x1ba: {  	[timem:s3], [sflag:s2] =	dma.local @!p0 [hbm:s0], s1  }
0x1bb: {  	s0 =	simm.s32 @!p0 $0x5  }
0x1bc: {  	_ =	swait.ge @!p0 [sflag:s0], s1  }
0x1bd: {  	s1 =	ssub.s32 @!p0 $0x0, s1;
	[sflag:s0] =	ssyncset.done @!p0 $0x0  }
0x1be: {  	[sflag:s0] =	ssyncadd.s32 @!p0 s1  }
0x1bf: {  	[bflag:$0x3] =	sbarrier.arrive $0xFFFF  }
0x1c0: {  	_ =	shalt  }

</sc_bundles>
